<compile_context>
chip_gen: v7x
topology: tpu7x:2x2x1
jax: 0.10.2.dev20260603
libtpu: 0.0.44.dev20260713+nightly
codegen_flags: <defaults>
</compile_context>

<pallas_src>
import functools

import jax
import jax.numpy as jnp
import numpy as np
from jax import lax
from jax.experimental import pallas as pl
from jax.experimental.pallas import tpu as pltpu
from jax.experimental.pallas import tpu_sc as plsc

N_NODES = 10000
N_EDGES = 320000
D = 128
EF = 16

NUM_CORES = 2
NUM_SUBCORES = 16
NUM_TILES = NUM_CORES * NUM_SUBCORES
CHUNK = 64
CHUNKS_SC0 = 246
CHUNKS_SC1 = 74
TOTAL_CHUNKS = NUM_SUBCORES * (CHUNKS_SC0 + CHUNKS_SC1)
E_PAD = CHUNK * TOTAL_CHUNKS

ACC_ROWS = 10240
ROWS_PER_TILE = ACC_ROWS // NUM_SUBCORES


def _mm_bias_body(x_ref, w_ref, b_ref, o_ref):
    o_ref[...] = (
        jnp.dot(x_ref[...], w_ref[...], preferred_element_type=jnp.float32)
        + b_ref[...]
    )


def _mm_t_body(xt_ref, w_ref, o_ref):
    o_ref[...] = lax.dot_general(
        xt_ref[...], w_ref[...],
        dimension_numbers=(((0,), (0,)), ((), ())),
        preferred_element_type=jnp.float32,
    )


def _apply_body(x_ref, p0_ref, p1_ref, w1_ref, w2_ref, b_ref, o_ref):
    m = p0_ref[...] + p1_ref[...]
    acc = jnp.dot(x_ref[...], w1_ref[...], preferred_element_type=jnp.float32)
    acc = acc + jnp.dot(m, w2_ref[...], preferred_element_type=jnp.float32)
    o_ref[...] = jnp.maximum(acc + b_ref[...], 0.0)


_sc_mesh = plsc.VectorSubcoreMesh(core_axis_name="c", subcore_axis_name="s")


@functools.partial(
    pl.kernel,
    out_type=[
        jax.ShapeDtypeStruct((ACC_ROWS, D), jnp.float32),
        jax.ShapeDtypeStruct((ACC_ROWS, D), jnp.float32),
    ],
    mesh=_sc_mesh,
    scratch_types=[
        pltpu.VMEM((CHUNK,), jnp.int32),
        pltpu.VMEM((CHUNK,), jnp.int32),
        pltpu.VMEM((CHUNK,), jnp.int32),
        pltpu.VMEM((CHUNK,), jnp.int32),
        pltpu.VMEM((CHUNK,), jnp.int32),
        pltpu.VMEM((CHUNK,), jnp.int32),
        pltpu.VMEM((CHUNK, D), jnp.float32),
        pltpu.VMEM((CHUNK, D), jnp.float32),
        pltpu.VMEM((CHUNK, D), jnp.float32),
        pltpu.VMEM((CHUNK, D), jnp.float32),
        pltpu.VMEM_SHARED((ACC_ROWS, D), jnp.float32),
        pltpu.SemaphoreType.DMA,
        pltpu.SemaphoreType.DMA,
        pltpu.SemaphoreType.DMA,
        pltpu.SemaphoreType.DMA,
        pltpu.SemaphoreType.DMA,
        pltpu.SemaphoreType.DMA,
    ],
)
def _sc_gather_scatter(a_hbm, b_hbm, idx_hbm, out0_hbm, out1_hbm,
                       pk_s0, pk_s1, src_s0, dst_s0, src_s1, dst_s1,
                       a_v0, b_v0, a_v1, b_v1, acc,
                       sem_i0, sem_i1, sem_a0, sem_b0, sem_a1, sem_b1):
    cid = lax.axis_index("c")
    sid = lax.axis_index("s")
    wid = cid * NUM_SUBCORES + sid

    zero = jnp.zeros((16,), jnp.float32)

    @plsc.parallel_loop(0, CHUNK, unroll=2)
    def _(r):
        for j in range(8):
            b_v0[r, pl.ds(j * 16, 16)] = zero

    zbase = sid * ROWS_PER_TILE
    for k in range(ROWS_PER_TILE // CHUNK):
        pltpu.sync_copy(b_v0, acc.at[pl.ds(zbase + k * CHUNK, CHUNK)])
    plsc.subcore_barrier()

    n_chunks = jnp.where(cid == 0, CHUNKS_SC0, CHUNKS_SC1)
    cbase = jnp.where(cid == 0, sid * CHUNKS_SC0,
                      NUM_SUBCORES * CHUNKS_SC0 + sid * CHUNKS_SC1)
    ebase = cbase * CHUNK

    def fetch_idx(c, pk_s, sem_i):
        pltpu.async_copy(idx_hbm.at[pl.ds(ebase + c * CHUNK, CHUNK)],
                         pk_s, sem_i)

    def prep(c, pk_s, src_s, dst_s, a_v, b_v, sem_i, sem_a, sem_b):
        pltpu.make_async_copy(
            idx_hbm.at[pl.ds(ebase + c * CHUNK, CHUNK)], pk_s, sem_i).wait()

        @plsc.parallel_loop(0, CHUNK // 16)
        def _(k):
            s = pl.ds(k * 16, 16)
            w = pk_s[s]
            src_s[s] = w & 0xFFFF
            dst_s[s] = lax.shift_right_logical(w, 16)

        pltpu.async_copy(a_hbm.at[src_s], a_v, sem_a)
        pltpu.async_copy(b_hbm.at[pl.ds(ebase + c * CHUNK, CHUNK)], b_v, sem_b)

        @pl.when(c + 2 < n_chunks)
        def _():
            fetch_idx(c + 2, pk_s, sem_i)

    def process(c, src_s, dst_s, a_v, b_v, sem_a, sem_b):
        pltpu.make_async_copy(a_hbm.at[src_s], a_v, sem_a).wait()
        pltpu.make_async_copy(
            b_hbm.at[pl.ds(ebase + c * CHUNK, CHUNK)], b_v, sem_b).wait()

        @plsc.parallel_loop(0, CHUNK, unroll=2)
        def _(r):
            for j in range(8):
                s = pl.ds(j * 16, 16)
                a_v[r, s] = jnp.maximum(a_v[r, s] + b_v[r, s], 0.0)

        pltpu.sync_copy(a_v, acc.at[dst_s], add=True)

    fetch_idx(0, pk_s0, sem_i0)
    fetch_idx(1, pk_s1, sem_i1)
    prep(0, pk_s0, src_s0, dst_s0, a_v0, b_v0, sem_i0, sem_a0, sem_b0)
    n_groups = n_chunks // 2

    def group_body(g, carry):
        c0 = 2 * g
        prep(c0 + 1, pk_s1, src_s1, dst_s1, a_v1, b_v1,
             sem_i1, sem_a1, sem_b1)
        process(c0, src_s0, dst_s0, a_v0, b_v0, sem_a0, sem_b0)

        @pl.when(g < n_groups - 1)
        def _():
            prep(c0 + 2, pk_s0, src_s0, dst_s0, a_v0, b_v0,
                 sem_i0, sem_a0, sem_b0)

        process(c0 + 1, src_s1, dst_s1, a_v1, b_v1, sem_a1, sem_b1)
        return carry

    lax.fori_loop(0, n_groups, group_body, 0)
    plsc.subcore_barrier()

    obase = sid * ROWS_PER_TILE

    @pl.when(cid == 0)
    def _():
        pltpu.sync_copy(acc.at[pl.ds(obase, ROWS_PER_TILE)],
                        out0_hbm.at[pl.ds(obase, ROWS_PER_TILE)])

    @pl.when(cid == 1)
    def _():
        pltpu.sync_copy(acc.at[pl.ds(obase, ROWS_PER_TILE)],
                        out1_hbm.at[pl.ds(obase, ROWS_PER_TILE)])


def kernel(node_feats, edge_index, edge_feats, W_msg, b_msg, W_apply, b_apply):
    src = edge_index[0].astype(jnp.int32)
    dst = edge_index[1].astype(jnp.int32)
    pad = E_PAD - N_EDGES
    src = jnp.concatenate([src, jnp.zeros((pad,), jnp.int32)])
    dummy = N_NODES + (jnp.arange(pad, dtype=jnp.int32) % (ACC_ROWS - N_NODES))
    dst = jnp.concatenate([dst, dummy])
    idx_packed = (dst << 16) | src

    w1t = W_msg[:, :D].T
    w2t = W_msg[:, D:].T
    wa1t = W_apply[:, :D].T
    wa2t = W_apply[:, D:].T
    bm = b_msg.reshape(1, D)
    ba = b_apply.reshape(1, D)

    blk_a = 1000
    a = pl.pallas_call(
        _mm_bias_body,
        grid=(N_NODES // blk_a,),
        in_specs=[
            pl.BlockSpec((blk_a, D), lambda i: (i, 0)),
            pl.BlockSpec((D, D), lambda i: (0, 0)),
            pl.BlockSpec((1, D), lambda i: (0, 0)),
        ],
        out_specs=pl.BlockSpec((blk_a, D), lambda i: (i, 0)),
        out_shape=jax.ShapeDtypeStruct((N_NODES, D), jnp.float32),
    )(node_feats, w1t, bm)

    blk_b = 3200
    b = pl.pallas_call(
        _mm_t_body,
        grid=(N_EDGES // blk_b,),
        in_specs=[
            pl.BlockSpec((EF, blk_b), lambda i: (0, i)),
            pl.BlockSpec((EF, D), lambda i: (0, 0)),
        ],
        out_specs=pl.BlockSpec((blk_b, D), lambda i: (i, 0)),
        out_shape=jax.ShapeDtypeStruct((E_PAD, D), jnp.float32),
    )(edge_feats.T, w2t)

    part0, part1 = _sc_gather_scatter(a, b, idx_packed)
    p0 = part0[:N_NODES]
    p1 = part1[:N_NODES]

    out = pl.pallas_call(
        _apply_body,
        grid=(N_NODES // blk_a,),
        in_specs=[
            pl.BlockSpec((blk_a, D), lambda i: (i, 0)),
            pl.BlockSpec((blk_a, D), lambda i: (i, 0)),
            pl.BlockSpec((blk_a, D), lambda i: (i, 0)),
            pl.BlockSpec((D, D), lambda i: (0, 0)),
            pl.BlockSpec((D, D), lambda i: (0, 0)),
            pl.BlockSpec((1, D), lambda i: (0, 0)),
        ],
        out_specs=pl.BlockSpec((blk_a, D), lambda i: (i, 0)),
        out_shape=jax.ShapeDtypeStruct((N_NODES, D), jnp.float32),
    )(node_feats, p0, p1, wa1t, wa2t, ba)
    return out

# --- scband reference (transcript-rebuilt; emitter-appended) ---
"""Pipeline reference for scband-gatlayer-56556129354075 (READ-ONLY COPY).

The authoritative reference and input builder live on the scoring server;
editing this copy changes nothing except your own understanding.
"""

import jax, jax.numpy as jnp
import numpy as np

N_NODES = 10000
N_EDGES = 320000
IN_DIM = 128
OUT_DIM = 128
EFEATS = 16


def setup_inputs(seed: int = 0) -> dict:
    key = jax.random.key(seed)
    k1, k2, k3, k4, k5, k6, k7 = jax.random.split(key, 7)
    node_feats = jax.random.normal(k1, (N_NODES, IN_DIM), dtype=jnp.float32)
    edge_index = jax.random.randint(k2, (2, N_EDGES), 0, N_NODES, dtype=jnp.int64)
    edge_feats = jax.random.normal(k3, (N_EDGES, EFEATS), dtype=jnp.float32)
    # Linear weights: torch stores [out, in]; xavier_normal with relu gain
    gain = float(np.sqrt(2.0))
    fan_in_msg = IN_DIM + EFEATS
    std_msg = gain * np.sqrt(2.0 / (fan_in_msg + OUT_DIM))
    W_msg = jax.random.normal(k4, (OUT_DIM, IN_DIM + EFEATS), dtype=jnp.float32) * std_msg
    b_msg = jnp.zeros((OUT_DIM,), dtype=jnp.float32)
    fan_in_apply = IN_DIM + OUT_DIM
    std_apply = gain * np.sqrt(2.0 / (fan_in_apply + OUT_DIM))
    W_apply = jax.random.normal(k5, (OUT_DIM, IN_DIM + OUT_DIM), dtype=jnp.float32) * std_apply
    b_apply = jnp.zeros((OUT_DIM,), dtype=jnp.float32)
    return {
        "node_feats": node_feats,
        "edge_index": edge_index,
        "edge_feats": edge_feats,
        "W_msg": W_msg,
        "b_msg": b_msg,
        "W_apply": W_apply,
        "b_apply": b_apply,
    }


def reference(node_feats, edge_index, edge_feats, W_msg, b_msg, W_apply, b_apply):
    src = edge_index[0]
    dst = edge_index[1]
    # msg: per-edge cat([h_src, e_h]) -> W_msg -> relu
    msg_in = jnp.concatenate([jnp.take(node_feats, src, axis=0), edge_feats], axis=1)
    msg = jax.nn.relu(msg_in @ W_msg.T + b_msg)
    # aggr: sum messages at destination nodes
    msg_attn = jax.ops.segment_sum(msg, dst, num_segments=node_feats.shape[0])
    # apply: cat([h, msg_attn]) -> W_apply -> relu
    z = jnp.concatenate([node_feats, msg_attn], axis=1)
    return jax.nn.relu(z @ W_apply.T + b_apply)

if __name__ == "__main__":
    import jax
    _d = setup_inputs()
    print(jax.jit(kernel)(*tuple(_d.values())))

</pallas_src>

<mosaic_0001>
#map = affine_map<(d0, d1) -> (0, 0)>
#map1 = affine_map<(d0, d1) -> (0)>
module attributes {stable_mosaic.version = 14 : i64} {
  func.func @_sc_gather_scatter(%arg0: i32, %arg1: i32, %arg2: memref<10000x128xf32, #tpu.memory_space<hbm>>, %arg3: memref<327680x128xf32, #tpu.memory_space<hbm>>, %arg4: memref<327680xi32, #tpu.memory_space<hbm>>, %arg5: memref<10240x128xf32, #tpu.memory_space<hbm>>, %arg6: memref<10240x128xf32, #tpu.memory_space<hbm>>, %arg7: memref<64xi32, #tpu.memory_space<vmem>>, %arg8: memref<64xi32, #tpu.memory_space<vmem>>, %arg9: memref<64xi32, #tpu.memory_space<vmem>>, %arg10: memref<64xi32, #tpu.memory_space<vmem>>, %arg11: memref<64xi32, #tpu.memory_space<vmem>>, %arg12: memref<64xi32, #tpu.memory_space<vmem>>, %arg13: memref<64x128xf32, #tpu.memory_space<vmem>>, %arg14: memref<64x128xf32, #tpu.memory_space<vmem>>, %arg15: memref<64x128xf32, #tpu.memory_space<vmem>>, %arg16: memref<64x128xf32, #tpu.memory_space<vmem>>, %arg17: memref<10240x128xf32, #tpu.memory_space<vmem_shared>>, %arg18: memref<!tpu.dma_semaphore, #tpu.memory_space<semaphore_mem>>, %arg19: memref<!tpu.dma_semaphore, #tpu.memory_space<semaphore_mem>>, %arg20: memref<!tpu.dma_semaphore, #tpu.memory_space<semaphore_mem>>, %arg21: memref<!tpu.dma_semaphore, #tpu.memory_space<semaphore_mem>>, %arg22: memref<!tpu.dma_semaphore, #tpu.memory_space<semaphore_mem>>, %arg23: memref<!tpu.dma_semaphore, #tpu.memory_space<semaphore_mem>>) attributes {dimension_semantics = [#tpu.dimension_semantics<core_parallel>, #tpu.dimension_semantics<subcore_parallel>], iteration_bounds = array<i64: 2, 16>, scalar_prefetch = 0 : i64, scratch_operands = 17 : i64, tpu.core_type = #tpu.core_type<sc_vector_subcore>, window_params = [{transform_indices = #map}, {transform_indices = #map}, {transform_indices = #map1}, {transform_indices = #map}, {transform_indices = #map}]} {
    %mul3A = arith.constant 16 : i32
    %mul3A_0 = arith.muli %arg0, %mul3A : i32
    %add3A = arith.addi %mul3A_0, %arg1 : i32
    %broadcast_in_dim3A = arith.constant 0.000000e+00 : f32
    %broadcast_in_dim3A_1 = vector.broadcast %broadcast_in_dim3A : f32 to vector<16xf32>
    %parallel_loop3A = arith.constant 0 : i32
    %parallel_loop3A_2 = arith.constant 64 : i32
    %parallel_loop3A_3 = arith.constant 1 : i32
    scf.for %parallel_loop3A_103 = %parallel_loop3A to %parallel_loop3A_2 step %parallel_loop3A_3  : i32 {
      %parallel_loop3A_104 = arith.index_cast %parallel_loop3A_103 : i32 to index
      %parallel_loop3A_105 = arith.constant 0 : index
      %parallel_loop3A_106 = tpu.vector_load %arg14[%parallel_loop3A_104, %parallel_loop3A_105] {strides = array<i32>} : memref<64x128xf32, #tpu.memory_space<vmem>>, vector<1x16xf32>,
      %parallel_loop3A_107 = vector.shape_cast %parallel_loop3A_106 : vector<1x16xf32> to vector<16xf32>
      %parallel_loop3A_108 = vector.shape_cast %broadcast_in_dim3A_1 : vector<16xf32> to vector<1x16xf32>
      tpu.vector_store %arg14[%parallel_loop3A_104, %parallel_loop3A_105], %parallel_loop3A_108 {strides = array<i32>} : memref<64x128xf32, #tpu.memory_space<vmem>>, vector<1x16xf32>,
      %parallel_loop3A_109 = arith.index_cast %parallel_loop3A_103 : i32 to index
      %parallel_loop3A_110 = arith.constant 16 : index
      %parallel_loop3A_111 = tpu.vector_load %arg14[%parallel_loop3A_109, %parallel_loop3A_110] {strides = array<i32>} : memref<64x128xf32, #tpu.memory_space<vmem>>, vector<1x16xf32>,
      %parallel_loop3A_112 = vector.shape_cast %parallel_loop3A_111 : vector<1x16xf32> to vector<16xf32>
      %parallel_loop3A_113 = vector.shape_cast %broadcast_in_dim3A_1 : vector<16xf32> to vector<1x16xf32>
      tpu.vector_store %arg14[%parallel_loop3A_109, %parallel_loop3A_110], %parallel_loop3A_113 {strides = array<i32>} : memref<64x128xf32, #tpu.memory_space<vmem>>, vector<1x16xf32>,
      %parallel_loop3A_114 = arith.index_cast %parallel_loop3A_103 : i32 to index
      %parallel_loop3A_115 = arith.constant 32 : index
      %parallel_loop3A_116 = tpu.vector_load %arg14[%parallel_loop3A_114, %parallel_loop3A_115] {strides = array<i32>} : memref<64x128xf32, #tpu.memory_space<vmem>>, vector<1x16xf32>,
      %parallel_loop3A_117 = vector.shape_cast %parallel_loop3A_116 : vector<1x16xf32> to vector<16xf32>
      %parallel_loop3A_118 = vector.shape_cast %broadcast_in_dim3A_1 : vector<16xf32> to vector<1x16xf32>
      tpu.vector_store %arg14[%parallel_loop3A_114, %parallel_loop3A_115], %parallel_loop3A_118 {strides = array<i32>} : memref<64x128xf32, #tpu.memory_space<vmem>>, vector<1x16xf32>,
      %parallel_loop3A_119 = arith.index_cast %parallel_loop3A_103 : i32 to index
      %parallel_loop3A_120 = arith.constant 48 : index
      %parallel_loop3A_121 = tpu.vector_load %arg14[%parallel_loop3A_119, %parallel_loop3A_120] {strides = array<i32>} : memref<64x128xf32, #tpu.memory_space<vmem>>, vector<1x16xf32>,
      %parallel_loop3A_122 = vector.shape_cast %parallel_loop3A_121 : vector<1x16xf32> to vector<16xf32>
      %parallel_loop3A_123 = vector.shape_cast %broadcast_in_dim3A_1 : vector<16xf32> to vector<1x16xf32>
      tpu.vector_store %arg14[%parallel_loop3A_119, %parallel_loop3A_120], %parallel_loop3A_123 {strides = array<i32>} : memref<64x128xf32, #tpu.memory_space<vmem>>, vector<1x16xf32>,
      %parallel_loop3A_124 = arith.index_cast %parallel_loop3A_103 : i32 to index
      %parallel_loop3A_125 = arith.constant 64 : index
      %parallel_loop3A_126 = tpu.vector_load %arg14[%parallel_loop3A_124, %parallel_loop3A_125] {strides = array<i32>} : memref<64x128xf32, #tpu.memory_space<vmem>>, vector<1x16xf32>,
      %parallel_loop3A_127 = vector.shape_cast %parallel_loop3A_126 : vector<1x16xf32> to vector<16xf32>
      %parallel_loop3A_128 = vector.shape_cast %broadcast_in_dim3A_1 : vector<16xf32> to vector<1x16xf32>
      tpu.vector_store %arg14[%parallel_loop3A_124, %parallel_loop3A_125], %parallel_loop3A_128 {strides = array<i32>} : memref<64x128xf32, #tpu.memory_space<vmem>>, vector<1x16xf32>,
      %parallel_loop3A_129 = arith.index_cast %parallel_loop3A_103 : i32 to index
      %parallel_loop3A_130 = arith.constant 80 : index
      %parallel_loop3A_131 = tpu.vector_load %arg14[%parallel_loop3A_129, %parallel_loop3A_130] {strides = array<i32>} : memref<64x128xf32, #tpu.memory_space<vmem>>, vector<1x16xf32>,
      %parallel_loop3A_132 = vector.shape_cast %parallel_loop3A_131 : vector<1x16xf32> to vector<16xf32>
      %parallel_loop3A_133 = vector.shape_cast %broadcast_in_dim3A_1 : vector<16xf32> to vector<1x16xf32>
      tpu.vector_store %arg14[%parallel_loop3A_129, %parallel_loop3A_130], %parallel_loop3A_133 {strides = array<i32>} : memref<64x128xf32, #tpu.memory_space<vmem>>, vector<1x16xf32>,
      %parallel_loop3A_134 = arith.index_cast %parallel_loop3A_103 : i32 to index
      %parallel_loop3A_135 = arith.constant 96 : index
      %parallel_loop3A_136 = tpu.vector_load %arg14[%parallel_loop3A_134, %parallel_loop3A_135] {strides = array<i32>} : memref<64x128xf32, #tpu.memory_space<vmem>>, vector<1x16xf32>,
      %parallel_loop3A_137 = vector.shape_cast %parallel_loop3A_136 : vector<1x16xf32> to vector<16xf32>
      %parallel_loop3A_138 = vector.shape_cast %broadcast_in_dim3A_1 : vector<16xf32> to vector<1x16xf32>
      tpu.vector_store %arg14[%parallel_loop3A_134, %parallel_loop3A_135], %parallel_loop3A_138 {strides = array<i32>} : memref<64x128xf32, #tpu.memory_space<vmem>>, vector<1x16xf32>,
      %parallel_loop3A_139 = arith.index_cast %parallel_loop3A_103 : i32 to index
      %parallel_loop3A_140 = arith.constant 112 : index
      %parallel_loop3A_141 = tpu.vector_load %arg14[%parallel_loop3A_139, %parallel_loop3A_140] {strides = array<i32>} : memref<64x128xf32, #tpu.memory_space<vmem>>, vector<1x16xf32>,
      %parallel_loop3A_142 = vector.shape_cast %parallel_loop3A_141 : vector<1x16xf32> to vector<16xf32>
      %parallel_loop3A_143 = vector.shape_cast %broadcast_in_dim3A_1 : vector<16xf32> to vector<1x16xf32>
      tpu.vector_store %arg14[%parallel_loop3A_139, %parallel_loop3A_140], %parallel_loop3A_143 {strides = array<i32>} : memref<64x128xf32, #tpu.memory_space<vmem>>, vector<1x16xf32>,
    } {sc.loop_unroll_factor = 2 : i64, sc.parallel_access}
    %mul3A_4 = arith.constant 640 : i32
    %mul3A_5 = arith.muli %arg1, %mul3A_4 : i32
    %add3A_6 = arith.constant 0 : i32
    %add3A_7 = arith.addi %mul3A_5, %add3A_6 : i32
    "tpu.region"() ({
      %run_scoped3A = tpu.sem_alloc : memref<!tpu.dma_semaphore, #tpu.memory_space<semaphore_mem>>
      %dma_start3A_103 = arith.constant 0 : i32
      %dma_start3A_104 = tpu.memref_slice %arg17[%add3A_7, %dma_start3A_103] : memref<10240x128xf32, #tpu.memory_space<vmem_shared>> -> memref<64x128xf32, #tpu.memory_space<vmem_shared>>
      %dma_start3A_105 = arith.constant 0 : i32
      %dma_start3A_106 = tpu.memref_slice %arg17[%add3A_7, %dma_start3A_105] : memref<10240x128xf32, #tpu.memory_space<vmem_shared>> -> memref<64x128xf32, #tpu.memory_space<vmem_shared>>
      tpu.enqueue_dma source(%arg14 : memref<64x128xf32, #tpu.memory_space<vmem>>) target(%dma_start3A_106 : memref<64x128xf32, #tpu.memory_space<vmem_shared>>) target_semaphore(%run_scoped3A : memref<!tpu.dma_semaphore, #tpu.memory_space<semaphore_mem>>)
      %dma_wait3A_107 = arith.constant 0 : i32
      %dma_wait3A_108 = tpu.memref_slice %arg17[%add3A_7, %dma_wait3A_107] : memref<10240x128xf32, #tpu.memory_space<vmem_shared>> -> memref<64x128xf32, #tpu.memory_space<vmem_shared>>
      %dma_wait3A_109 = arith.constant 0 : i32
      %dma_wait3A_110 = tpu.memref_slice %arg17[%add3A_7, %dma_wait3A_109] : memref<10240x128xf32, #tpu.memory_space<vmem_shared>> -> memref<64x128xf32, #tpu.memory_space<vmem_shared>>
      tpu.wait_dma2 semaphore(%run_scoped3A : memref<!tpu.dma_semaphore, #tpu.memory_space<semaphore_mem>>) src(%arg14 : memref<64x128xf32, #tpu.memory_space<vmem>>) dst(%dma_wait3A_110 : memref<64x128xf32, #tpu.memory_space<vmem_shared>>)
      tpu.yield
    }) : () -> ()
    %add3A_8 = arith.constant 64 : i32
    %add3A_9 = arith.addi %mul3A_5, %add3A_8 : i32
    "tpu.region"() ({
      %run_scoped3A = tpu.sem_alloc : memref<!tpu.dma_semaphore, #tpu.memory_space<semaphore_mem>>
      %dma_start3A_103 = arith.constant 0 : i32
      %dma_start3A_104 = tpu.memref_slice %arg17[%add3A_9, %dma_start3A_103] : memref<10240x128xf32, #tpu.memory_space<vmem_shared>> -> memref<64x128xf32, #tpu.memory_space<vmem_shared>>
      %dma_start3A_105 = arith.constant 0 : i32
      %dma_start3A_106 = tpu.memref_slice %arg17[%add3A_9, %dma_start3A_105] : memref<10240x128xf32, #tpu.memory_space<vmem_shared>> -> memref<64x128xf32, #tpu.memory_space<vmem_shared>>
      tpu.enqueue_dma source(%arg14 : memref<64x128xf32, #tpu.memory_space<vmem>>) target(%dma_start3A_106 : memref<64x128xf32, #tpu.memory_space<vmem_shared>>) target_semaphore(%run_scoped3A : memref<!tpu.dma_semaphore, #tpu.memory_space<semaphore_mem>>)
      %dma_wait3A_107 = arith.constant 0 : i32
      %dma_wait3A_108 = tpu.memref_slice %arg17[%add3A_9, %dma_wait3A_107] : memref<10240x128xf32, #tpu.memory_space<vmem_shared>> -> memref<64x128xf32, #tpu.memory_space<vmem_shared>>
      %dma_wait3A_109 = arith.constant 0 : i32
      %dma_wait3A_110 = tpu.memref_slice %arg17[%add3A_9, %dma_wait3A_109] : memref<10240x128xf32, #tpu.memory_space<vmem_shared>> -> memref<64x128xf32, #tpu.memory_space<vmem_shared>>
      tpu.wait_dma2 semaphore(%run_scoped3A : memref<!tpu.dma_semaphore, #tpu.memory_space<semaphore_mem>>) src(%arg14 : memref<64x128xf32, #tpu.memory_space<vmem>>) dst(%dma_wait3A_110 : memref<64x128xf32, #tpu.memory_space<vmem_shared>>)
      tpu.yield
    }) : () -> ()
    %add3A_10 = arith.constant 128 : i32
    %add3A_11 = arith.addi %mul3A_5, %add3A_10 : i32
    "tpu.region"() ({
      %run_scoped3A = tpu.sem_alloc : memref<!tpu.dma_semaphore, #tpu.memory_space<semaphore_mem>>
      %dma_start3A_103 = arith.constant 0 : i32
      %dma_start3A_104 = tpu.memref_slice %arg17[%add3A_11, %dma_start3A_103] : memref<10240x128xf32, #tpu.memory_space<vmem_shared>> -> memref<64x128xf32, #tpu.memory_space<vmem_shared>>
      %dma_start3A_105 = arith.constant 0 : i32
      %dma_start3A_106 = tpu.memref_slice %arg17[%add3A_11, %dma_start3A_105] : memref<10240x128xf32, #tpu.memory_space<vmem_shared>> -> memref<64x128xf32, #tpu.memory_space<vmem_shared>>
      tpu.enqueue_dma source(%arg14 : memref<64x128xf32, #tpu.memory_space<vmem>>) target(%dma_start3A_106 : memref<64x128xf32, #tpu.memory_space<vmem_shared>>) target_semaphore(%run_scoped3A : memref<!tpu.dma_semaphore, #tpu.memory_space<semaphore_mem>>)
      %dma_wait3A_107 = arith.constant 0 : i32
      %dma_wait3A_108 = tpu.memref_slice %arg17[%add3A_11, %dma_wait3A_107] : memref<10240x128xf32, #tpu.memory_space<vmem_shared>> -> memref<64x128xf32, #tpu.memory_space<vmem_shared>>
      %dma_wait3A_109 = arith.constant 0 : i32
      %dma_wait3A_110 = tpu.memref_slice %arg17[%add3A_11, %dma_wait3A_109] : memref<10240x128xf32, #tpu.memory_space<vmem_shared>> -> memref<64x128xf32, #tpu.memory_space<vmem_shared>>
      tpu.wait_dma2 semaphore(%run_scoped3A : memref<!tpu.dma_semaphore, #tpu.memory_space<semaphore_mem>>) src(%arg14 : memref<64x128xf32, #tpu.memory_space<vmem>>) dst(%dma_wait3A_110 : memref<64x128xf32, #tpu.memory_space<vmem_shared>>)
      tpu.yield
    }) : () -> ()
    %add3A_12 = arith.constant 192 : i32
    %add3A_13 = arith.addi %mul3A_5, %add3A_12 : i32
    "tpu.region"() ({
      %run_scoped3A = tpu.sem_alloc : memref<!tpu.dma_semaphore, #tpu.memory_space<semaphore_mem>>
      %dma_start3A_103 = arith.constant 0 : i32
      %dma_start3A_104 = tpu.memref_slice %arg17[%add3A_13, %dma_start3A_103] : memref<10240x128xf32, #tpu.memory_space<vmem_shared>> -> memref<64x128xf32, #tpu.memory_space<vmem_shared>>
      %dma_start3A_105 = arith.constant 0 : i32
      %dma_start3A_106 = tpu.memref_slice %arg17[%add3A_13, %dma_start3A_105] : memref<10240x128xf32, #tpu.memory_space<vmem_shared>> -> memref<64x128xf32, #tpu.memory_space<vmem_shared>>
      tpu.enqueue_dma source(%arg14 : memref<64x128xf32, #tpu.memory_space<vmem>>) target(%dma_start3A_106 : memref<64x128xf32, #tpu.memory_space<vmem_shared>>) target_semaphore(%run_scoped3A : memref<!tpu.dma_semaphore, #tpu.memory_space<semaphore_mem>>)
      %dma_wait3A_107 = arith.constant 0 : i32
      %dma_wait3A_108 = tpu.memref_slice %arg17[%add3A_13, %dma_wait3A_107] : memref<10240x128xf32, #tpu.memory_space<vmem_shared>> -> memref<64x128xf32, #tpu.memory_space<vmem_shared>>
      %dma_wait3A_109 = arith.constant 0 : i32
      %dma_wait3A_110 = tpu.memref_slice %arg17[%add3A_13, %dma_wait3A_109] : memref<10240x128xf32, #tpu.memory_space<vmem_shared>> -> memref<64x128xf32, #tpu.memory_space<vmem_shared>>
      tpu.wait_dma2 semaphore(%run_scoped3A : memref<!tpu.dma_semaphore, #tpu.memory_space<semaphore_mem>>) src(%arg14 : memref<64x128xf32, #tpu.memory_space<vmem>>) dst(%dma_wait3A_110 : memref<64x128xf32, #tpu.memory_space<vmem_shared>>)
      tpu.yield
    }) : () -> ()
    %add3A_14 = arith.constant 256 : i32
    %add3A_15 = arith.addi %mul3A_5, %add3A_14 : i32
    "tpu.region"() ({
      %run_scoped3A = tpu.sem_alloc : memref<!tpu.dma_semaphore, #tpu.memory_space<semaphore_mem>>
      %dma_start3A_103 = arith.constant 0 : i32
      %dma_start3A_104 = tpu.memref_slice %arg17[%add3A_15, %dma_start3A_103] : memref<10240x128xf32, #tpu.memory_space<vmem_shared>> -> memref<64x128xf32, #tpu.memory_space<vmem_shared>>
      %dma_start3A_105 = arith.constant 0 : i32
      %dma_start3A_106 = tpu.memref_slice %arg17[%add3A_15, %dma_start3A_105] : memref<10240x128xf32, #tpu.memory_space<vmem_shared>> -> memref<64x128xf32, #tpu.memory_space<vmem_shared>>
      tpu.enqueue_dma source(%arg14 : memref<64x128xf32, #tpu.memory_space<vmem>>) target(%dma_start3A_106 : memref<64x128xf32, #tpu.memory_space<vmem_shared>>) target_semaphore(%run_scoped3A : memref<!tpu.dma_semaphore, #tpu.memory_space<semaphore_mem>>)
      %dma_wait3A_107 = arith.constant 0 : i32
      %dma_wait3A_108 = tpu.memref_slice %arg17[%add3A_15, %dma_wait3A_107] : memref<10240x128xf32, #tpu.memory_space<vmem_shared>> -> memref<64x128xf32, #tpu.memory_space<vmem_shared>>
      %dma_wait3A_109 = arith.constant 0 : i32
      %dma_wait3A_110 = tpu.memref_slice %arg17[%add3A_15, %dma_wait3A_109] : memref<10240x128xf32, #tpu.memory_space<vmem_shared>> -> memref<64x128xf32, #tpu.memory_space<vmem_shared>>
      tpu.wait_dma2 semaphore(%run_scoped3A : memref<!tpu.dma_semaphore, #tpu.memory_space<semaphore_mem>>) src(%arg14 : memref<64x128xf32, #tpu.memory_space<vmem>>) dst(%dma_wait3A_110 : memref<64x128xf32, #tpu.memory_space<vmem_shared>>)
      tpu.yield
    }) : () -> ()
    %add3A_16 = arith.constant 320 : i32
    %add3A_17 = arith.addi %mul3A_5, %add3A_16 : i32
    "tpu.region"() ({
      %run_scoped3A = tpu.sem_alloc : memref<!tpu.dma_semaphore, #tpu.memory_space<semaphore_mem>>
      %dma_start3A_103 = arith.constant 0 : i32
      %dma_start3A_104 = tpu.memref_slice %arg17[%add3A_17, %dma_start3A_103] : memref<10240x128xf32, #tpu.memory_space<vmem_shared>> -> memref<64x128xf32, #tpu.memory_space<vmem_shared>>
      %dma_start3A_105 = arith.constant 0 : i32
      %dma_start3A_106 = tpu.memref_slice %arg17[%add3A_17, %dma_start3A_105] : memref<10240x128xf32, #tpu.memory_space<vmem_shared>> -> memref<64x128xf32, #tpu.memory_space<vmem_shared>>
      tpu.enqueue_dma source(%arg14 : memref<64x128xf32, #tpu.memory_space<vmem>>) target(%dma_start3A_106 : memref<64x128xf32, #tpu.memory_space<vmem_shared>>) target_semaphore(%run_scoped3A : memref<!tpu.dma_semaphore, #tpu.memory_space<semaphore_mem>>)
      %dma_wait3A_107 = arith.constant 0 : i32
      %dma_wait3A_108 = tpu.memref_slice %arg17[%add3A_17, %dma_wait3A_107] : memref<10240x128xf32, #tpu.memory_space<vmem_shared>> -> memref<64x128xf32, #tpu.memory_space<vmem_shared>>
      %dma_wait3A_109 = arith.constant 0 : i32
      %dma_wait3A_110 = tpu.memref_slice %arg17[%add3A_17, %dma_wait3A_109] : memref<10240x128xf32, #tpu.memory_space<vmem_shared>> -> memref<64x128xf32, #tpu.memory_space<vmem_shared>>
      tpu.wait_dma2 semaphore(%run_scoped3A : memref<!tpu.dma_semaphore, #tpu.memory_space<semaphore_mem>>) src(%arg14 : memref<64x128xf32, #tpu.memory_space<vmem>>) dst(%dma_wait3A_110 : memref<64x128xf32, #tpu.memory_space<vmem_shared>>)
      tpu.yield
    }) : () -> ()
    %add3A_18 = arith.constant 384 : i32
    %add3A_19 = arith.addi %mul3A_5, %add3A_18 : i32
    "tpu.region"() ({
      %run_scoped3A = tpu.sem_alloc : memref<!tpu.dma_semaphore, #tpu.memory_space<semaphore_mem>>
      %dma_start3A_103 = arith.constant 0 : i32
      %dma_start3A_104 = tpu.memref_slice %arg17[%add3A_19, %dma_start3A_103] : memref<10240x128xf32, #tpu.memory_space<vmem_shared>> -> memref<64x128xf32, #tpu.memory_space<vmem_shared>>
      %dma_start3A_105 = arith.constant 0 : i32
      %dma_start3A_106 = tpu.memref_slice %arg17[%add3A_19, %dma_start3A_105] : memref<10240x128xf32, #tpu.memory_space<vmem_shared>> -> memref<64x128xf32, #tpu.memory_space<vmem_shared>>
      tpu.enqueue_dma source(%arg14 : memref<64x128xf32, #tpu.memory_space<vmem>>) target(%dma_start3A_106 : memref<64x128xf32, #tpu.memory_space<vmem_shared>>) target_semaphore(%run_scoped3A : memref<!tpu.dma_semaphore, #tpu.memory_space<semaphore_mem>>)
      %dma_wait3A_107 = arith.constant 0 : i32
      %dma_wait3A_108 = tpu.memref_slice %arg17[%add3A_19, %dma_wait3A_107] : memref<10240x128xf32, #tpu.memory_space<vmem_shared>> -> memref<64x128xf32, #tpu.memory_space<vmem_shared>>
      %dma_wait3A_109 = arith.constant 0 : i32
      %dma_wait3A_110 = tpu.memref_slice %arg17[%add3A_19, %dma_wait3A_109] : memref<10240x128xf32, #tpu.memory_space<vmem_shared>> -> memref<64x128xf32, #tpu.memory_space<vmem_shared>>
      tpu.wait_dma2 semaphore(%run_scoped3A : memref<!tpu.dma_semaphore, #tpu.memory_space<semaphore_mem>>) src(%arg14 : memref<64x128xf32, #tpu.memory_space<vmem>>) dst(%dma_wait3A_110 : memref<64x128xf32, #tpu.memory_space<vmem_shared>>)
      tpu.yield
    }) : () -> ()
    %add3A_20 = arith.constant 448 : i32
    %add3A_21 = arith.addi %mul3A_5, %add3A_20 : i32
    "tpu.region"() ({
      %run_scoped3A = tpu.sem_alloc : memref<!tpu.dma_semaphore, #tpu.memory_space<semaphore_mem>>
      %dma_start3A_103 = arith.constant 0 : i32
      %dma_start3A_104 = tpu.memref_slice %arg17[%add3A_21, %dma_start3A_103] : memref<10240x128xf32, #tpu.memory_space<vmem_shared>> -> memref<64x128xf32, #tpu.memory_space<vmem_shared>>
      %dma_start3A_105 = arith.constant 0 : i32
      %dma_start3A_106 = tpu.memref_slice %arg17[%add3A_21, %dma_start3A_105] : memref<10240x128xf32, #tpu.memory_space<vmem_shared>> -> memref<64x128xf32, #tpu.memory_space<vmem_shared>>
      tpu.enqueue_dma source(%arg14 : memref<64x128xf32, #tpu.memory_space<vmem>>) target(%dma_start3A_106 : memref<64x128xf32, #tpu.memory_space<vmem_shared>>) target_semaphore(%run_scoped3A : memref<!tpu.dma_semaphore, #tpu.memory_space<semaphore_mem>>)
      %dma_wait3A_107 = arith.constant 0 : i32
      %dma_wait3A_108 = tpu.memref_slice %arg17[%add3A_21, %dma_wait3A_107] : memref<10240x128xf32, #tpu.memory_space<vmem_shared>> -> memref<64x128xf32, #tpu.memory_space<vmem_shared>>
      %dma_wait3A_109 = arith.constant 0 : i32
      %dma_wait3A_110 = tpu.memref_slice %arg17[%add3A_21, %dma_wait3A_109] : memref<10240x128xf32, #tpu.memory_space<vmem_shared>> -> memref<64x128xf32, #tpu.memory_space<vmem_shared>>
      tpu.wait_dma2 semaphore(%run_scoped3A : memref<!tpu.dma_semaphore, #tpu.memory_space<semaphore_mem>>) src(%arg14 : memref<64x128xf32, #tpu.memory_space<vmem>>) dst(%dma_wait3A_110 : memref<64x128xf32, #tpu.memory_space<vmem_shared>>)
      tpu.yield
    }) : () -> ()
    %add3A_22 = arith.constant 512 : i32
    %add3A_23 = arith.addi %mul3A_5, %add3A_22 : i32
    "tpu.region"() ({
      %run_scoped3A = tpu.sem_alloc : memref<!tpu.dma_semaphore, #tpu.memory_space<semaphore_mem>>
      %dma_start3A_103 = arith.constant 0 : i32
      %dma_start3A_104 = tpu.memref_slice %arg17[%add3A_23, %dma_start3A_103] : memref<10240x128xf32, #tpu.memory_space<vmem_shared>> -> memref<64x128xf32, #tpu.memory_space<vmem_shared>>
      %dma_start3A_105 = arith.constant 0 : i32
      %dma_start3A_106 = tpu.memref_slice %arg17[%add3A_23, %dma_start3A_105] : memref<10240x128xf32, #tpu.memory_space<vmem_shared>> -> memref<64x128xf32, #tpu.memory_space<vmem_shared>>
      tpu.enqueue_dma source(%arg14 : memref<64x128xf32, #tpu.memory_space<vmem>>) target(%dma_start3A_106 : memref<64x128xf32, #tpu.memory_space<vmem_shared>>) target_semaphore(%run_scoped3A : memref<!tpu.dma_semaphore, #tpu.memory_space<semaphore_mem>>)
      %dma_wait3A_107 = arith.constant 0 : i32
      %dma_wait3A_108 = tpu.memref_slice %arg17[%add3A_23, %dma_wait3A_107] : memref<10240x128xf32, #tpu.memory_space<vmem_shared>> -> memref<64x128xf32, #tpu.memory_space<vmem_shared>>
      %dma_wait3A_109 = arith.constant 0 : i32
      %dma_wait3A_110 = tpu.memref_slice %arg17[%add3A_23, %dma_wait3A_109] : memref<10240x128xf32, #tpu.memory_space<vmem_shared>> -> memref<64x128xf32, #tpu.memory_space<vmem_shared>>
      tpu.wait_dma2 semaphore(%run_scoped3A : memref<!tpu.dma_semaphore, #tpu.memory_space<semaphore_mem>>) src(%arg14 : memref<64x128xf32, #tpu.memory_space<vmem>>) dst(%dma_wait3A_110 : memref<64x128xf32, #tpu.memory_space<vmem_shared>>)
      tpu.yield
    }) : () -> ()
    %add3A_24 = arith.constant 576 : i32
    %add3A_25 = arith.addi %mul3A_5, %add3A_24 : i32
    "tpu.region"() ({
      %run_scoped3A = tpu.sem_alloc : memref<!tpu.dma_semaphore, #tpu.memory_space<semaphore_mem>>
      %dma_start3A_103 = arith.constant 0 : i32
      %dma_start3A_104 = tpu.memref_slice %arg17[%add3A_25, %dma_start3A_103] : memref<10240x128xf32, #tpu.memory_space<vmem_shared>> -> memref<64x128xf32, #tpu.memory_space<vmem_shared>>
      %dma_start3A_105 = arith.constant 0 : i32
      %dma_start3A_106 = tpu.memref_slice %arg17[%add3A_25, %dma_start3A_105] : memref<10240x128xf32, #tpu.memory_space<vmem_shared>> -> memref<64x128xf32, #tpu.memory_space<vmem_shared>>
      tpu.enqueue_dma source(%arg14 : memref<64x128xf32, #tpu.memory_space<vmem>>) target(%dma_start3A_106 : memref<64x128xf32, #tpu.memory_space<vmem_shared>>) target_semaphore(%run_scoped3A : memref<!tpu.dma_semaphore, #tpu.memory_space<semaphore_mem>>)
      %dma_wait3A_107 = arith.constant 0 : i32
      %dma_wait3A_108 = tpu.memref_slice %arg17[%add3A_25, %dma_wait3A_107] : memref<10240x128xf32, #tpu.memory_space<vmem_shared>> -> memref<64x128xf32, #tpu.memory_space<vmem_shared>>
      %dma_wait3A_109 = arith.constant 0 : i32
      %dma_wait3A_110 = tpu.memref_slice %arg17[%add3A_25, %dma_wait3A_109] : memref<10240x128xf32, #tpu.memory_space<vmem_shared>> -> memref<64x128xf32, #tpu.memory_space<vmem_shared>>
      tpu.wait_dma2 semaphore(%run_scoped3A : memref<!tpu.dma_semaphore, #tpu.memory_space<semaphore_mem>>) src(%arg14 : memref<64x128xf32, #tpu.memory_space<vmem>>) dst(%dma_wait3A_110 : memref<64x128xf32, #tpu.memory_space<vmem_shared>>)
      tpu.yield
    }) : () -> ()
    %barrier3A = arith.constant 0 : index
    tpu.barrier barrier_id(%barrier3A)
    %eq3A = arith.constant 0 : i32
    %eq3A_26 = arith.cmpi eq, %arg0, %eq3A : i32
    %jit3A = arith.constant 246 : i32
    %jit3A_27 = arith.constant 74 : i32
    %select_n3A = arith.select %eq3A_26, %jit3A, %jit3A_27 : i32
    %eq3A_28 = arith.constant 0 : i32
    %eq3A_29 = arith.cmpi eq, %arg0, %eq3A_28 : i32
    %mul3A_30 = arith.constant 246 : i32
    %mul3A_31 = arith.muli %arg1, %mul3A_30 : i32
    %mul3A_32 = arith.constant 74 : i32
    %mul3A_33 = arith.muli %arg1, %mul3A_32 : i32
    %add3A_34 = arith.constant 3936 : i32
    %add3A_35 = arith.addi %add3A_34, %mul3A_33 : i32
    %select_n3A_36 = arith.select %eq3A_29, %mul3A_31, %add3A_35 : i32
    %mul3A_37 = arith.constant 64 : i32
    %mul3A_38 = arith.muli %select_n3A_36, %mul3A_37 : i32
    %add3A_39 = arith.constant 0 : i32
    %add3A_40 = arith.addi %mul3A_38, %add3A_39 : i32
    %dma_start3A = tpu.memref_slice %arg4[%add3A_40] : memref<327680xi32, #tpu.memory_space<hbm>> -> memref<64xi32, #tpu.memory_space<hbm>>
    %dma_start3A_41 = tpu.memref_slice %arg4[%add3A_40] : memref<327680xi32, #tpu.memory_space<hbm>> -> memref<64xi32, #tpu.memory_space<hbm>>
    tpu.enqueue_dma source(%dma_start3A_41 : memref<64xi32, #tpu.memory_space<hbm>>) target(%arg7 : memref<64xi32, #tpu.memory_space<vmem>>) target_semaphore(%arg18 : memref<!tpu.dma_semaphore, #tpu.memory_space<semaphore_mem>>)
    %add3A_42 = arith.constant 64 : i32
    %add3A_43 = arith.addi %mul3A_38, %add3A_42 : i32
    %dma_start3A_44 = tpu.memref_slice %arg4[%add3A_43] : memref<327680xi32, #tpu.memory_space<hbm>> -> memref<64xi32, #tpu.memory_space<hbm>>
    %dma_start3A_45 = tpu.memref_slice %arg4[%add3A_43] : memref<327680xi32, #tpu.memory_space<hbm>> -> memref<64xi32, #tpu.memory_space<hbm>>
    tpu.enqueue_dma source(%dma_start3A_45 : memref<64xi32, #tpu.memory_space<hbm>>) target(%arg8 : memref<64xi32, #tpu.memory_space<vmem>>) target_semaphore(%arg19 : memref<!tpu.dma_semaphore, #tpu.memory_space<semaphore_mem>>)
    %add3A_46 = arith.constant 0 : i32
    %add3A_47 = arith.addi %mul3A_38, %add3A_46 : i32
    %dma_wait3A = tpu.memref_slice %arg4[%add3A_47] : memref<327680xi32, #tpu.memory_space<hbm>> -> memref<64xi32, #tpu.memory_space<hbm>>
    %dma_wait3A_48 = tpu.memref_slice %arg4[%add3A_47] : memref<327680xi32, #tpu.memory_space<hbm>> -> memref<64xi32, #tpu.memory_space<hbm>>
    tpu.wait_dma2 semaphore(%arg18 : memref<!tpu.dma_semaphore, #tpu.memory_space<semaphore_mem>>) src(%dma_wait3A_48 : memref<64xi32, #tpu.memory_space<hbm>>) dst(%arg7 : memref<64xi32, #tpu.memory_space<vmem>>)
    %parallel_loop3A_49 = arith.constant 0 : i32
    %parallel_loop3A_50 = arith.constant 4 : i32
    %parallel_loop3A_51 = arith.constant 1 : i32
    scf.for %parallel_loop3A_103 = %parallel_loop3A_49 to %parallel_loop3A_50 step %parallel_loop3A_51  : i32 {
      %parallel_loop3A_104 = arith.constant 16 : i32
      %parallel_loop3A_105 = arith.muli %parallel_loop3A_103, %parallel_loop3A_104 : i32
      %parallel_loop3A_106 = arith.index_cast %parallel_loop3A_105 : i32 to index
      %parallel_loop3A_107 = tpu.vector_load %arg7[%parallel_loop3A_106] {strides = array<i32>} : memref<64xi32, #tpu.memory_space<vmem>>, vector<16xi32>,
      %parallel_loop3A_108 = vector.shape_cast %parallel_loop3A_107 : vector<16xi32> to vector<16xi32>
      %parallel_loop3A_109 = arith.constant 65535 : i32
      %parallel_loop3A_110 = vector.broadcast %parallel_loop3A_109 : i32 to vector<16xi32>
      %parallel_loop3A_111 = arith.andi %parallel_loop3A_108, %parallel_loop3A_110 : vector<16xi32>
      %parallel_loop3A_112 = arith.index_cast %parallel_loop3A_105 : i32 to index
      %parallel_loop3A_113 = tpu.vector_load %arg9[%parallel_loop3A_112] {strides = array<i32>} : memref<64xi32, #tpu.memory_space<vmem>>, vector<16xi32>,
      %parallel_loop3A_114 = vector.shape_cast %parallel_loop3A_113 : vector<16xi32> to vector<16xi32>
      %parallel_loop3A_115 = vector.shape_cast %parallel_loop3A_111 : vector<16xi32> to vector<16xi32>
      tpu.vector_store %arg9[%parallel_loop3A_112], %parallel_loop3A_115 {strides = array<i32>} : memref<64xi32, #tpu.memory_space<vmem>>, vector<16xi32>,
      %parallel_loop3A_116 = arith.constant 16 : i32
      %parallel_loop3A_117 = vector.broadcast %parallel_loop3A_116 : i32 to vector<16xi32>
      %parallel_loop3A_118 = arith.shrui %parallel_loop3A_108, %parallel_loop3A_117 : vector<16xi32>
      %parallel_loop3A_119 = arith.index_cast %parallel_loop3A_105 : i32 to index
      %parallel_loop3A_120 = tpu.vector_load %arg10[%parallel_loop3A_119] {strides = array<i32>} : memref<64xi32, #tpu.memory_space<vmem>>, vector<16xi32>,
      %parallel_loop3A_121 = vector.shape_cast %parallel_loop3A_120 : vector<16xi32> to vector<16xi32>
      %parallel_loop3A_122 = vector.shape_cast %parallel_loop3A_118 : vector<16xi32> to vector<16xi32>
      tpu.vector_store %arg10[%parallel_loop3A_119], %parallel_loop3A_122 {strides = array<i32>} : memref<64xi32, #tpu.memory_space<vmem>>, vector<16xi32>,
    } {sc.loop_unroll_factor = 1 : i64, sc.parallel_access}
    %dma_start3A_52 = arith.constant 0 : i32
    %dma_start3A_53 = arith.constant 0 : i32
    %dma_start3A_54 = tpu.memref_slice %arg2[%dma_start3A_52, %dma_start3A_53] : memref<10000x128xf32, #tpu.memory_space<hbm>> -> memref<10000x128xf32, #tpu.memory_space<hbm>>
    tpu.enqueue_indirect_dma source(%dma_start3A_54 : memref<10000x128xf32, #tpu.memory_space<hbm>>) target(%arg13 : memref<64x128xf32, #tpu.memory_space<vmem>>) offsets(%arg9 : memref<64xi32, #tpu.memory_space<vmem>>) semaphore(%arg20 : memref<!tpu.dma_semaphore, #tpu.memory_space<semaphore_mem>>)
    %add3A_55 = arith.constant 0 : i32
    %add3A_56 = arith.addi %mul3A_38, %add3A_55 : i32
    %dma_start3A_57 = arith.constant 0 : i32
    %dma_start3A_58 = tpu.memref_slice %arg3[%add3A_56, %dma_start3A_57] : memref<327680x128xf32, #tpu.memory_space<hbm>> -> memref<64x128xf32, #tpu.memory_space<hbm>>
    %dma_start3A_59 = arith.constant 0 : i32
    %dma_start3A_60 = tpu.memref_slice %arg3[%add3A_56, %dma_start3A_59] : memref<327680x128xf32, #tpu.memory_space<hbm>> -> memref<64x128xf32, #tpu.memory_space<hbm>>
    tpu.enqueue_dma source(%dma_start3A_60 : memref<64x128xf32, #tpu.memory_space<hbm>>) target(%arg14 : memref<64x128xf32, #tpu.memory_space<vmem>>) target_semaphore(%arg21 : memref<!tpu.dma_semaphore, #tpu.memory_space<semaphore_mem>>)
    %gt3A = arith.constant 2 : i32
    %gt3A_61 = arith.cmpi sgt, %select_n3A, %gt3A : i32
    %convert_element_type3A = arith.extui %gt3A_61 : i1 to i32
    %cond3A = arith.constant 0 : i32
    %cond3A_62 = arith.cmpi ne, %convert_element_type3A, %cond3A : i32
    scf.if %cond3A_62 {
      %add3A_103 = arith.constant 128 : i32
      %add3A_104 = arith.addi %mul3A_38, %add3A_103 : i32
      %dma_start3A_105 = tpu.memref_slice %arg4[%add3A_104] : memref<327680xi32, #tpu.memory_space<hbm>> -> memref<64xi32, #tpu.memory_space<hbm>>
      %dma_start3A_106 = tpu.memref_slice %arg4[%add3A_104] : memref<327680xi32, #tpu.memory_space<hbm>> -> memref<64xi32, #tpu.memory_space<hbm>>
      tpu.enqueue_dma source(%dma_start3A_106 : memref<64xi32, #tpu.memory_space<hbm>>) target(%arg7 : memref<64xi32, #tpu.memory_space<vmem>>) target_semaphore(%arg18 : memref<!tpu.dma_semaphore, #tpu.memory_space<semaphore_mem>>)
    } else {
    }
    %jit3A_63 = arith.constant 2 : i32
    %div3A = arith.divsi %select_n3A, %jit3A_63 : i32
    %sign3A = arith.constant 0 : i32
    %sign3A_64 = arith.cmpi sgt, %select_n3A, %sign3A : i32
    %sign3A_65 = arith.extui %sign3A_64 : i1 to i32
    %sign3A_66 = arith.constant 0 : i32
    %sign3A_67 = arith.cmpi slt, %select_n3A, %sign3A_66 : i32
    %sign3A_68 = arith.extui %sign3A_67 : i1 to i32
    %sign3A_69 = arith.subi %sign3A_65, %sign3A_68 : i32
    %sign3A_70 = arith.constant 0 : i32
    %sign3A_71 = arith.cmpi sgt, %jit3A_63, %sign3A_70 : i32
    %sign3A_72 = arith.extui %sign3A_71 : i1 to i32
    %sign3A_73 = arith.constant 0 : i32
    %sign3A_74 = arith.cmpi slt, %jit3A_63, %sign3A_73 : i32
    %sign3A_75 = arith.extui %sign3A_74 : i1 to i32
    %sign3A_76 = arith.subi %sign3A_72, %sign3A_75 : i32
    %ne3A = arith.cmpi ne, %sign3A_69, %sign3A_76 : i32
    %rem3A = arith.remsi %select_n3A, %jit3A_63 : i32
    %ne3A_77 = arith.constant 0 : i32
    %ne3A_78 = arith.cmpi ne, %rem3A, %ne3A_77 : i32
    %and3A = arith.andi %ne3A, %ne3A_78 : i1
    %sub3A = arith.constant 1 : i32
    %sub3A_79 = arith.subi %div3A, %sub3A : i32
    %select_n3A_80 = arith.select %and3A, %sub3A_79, %div3A : i32
    %while3A = arith.constant 0 : i32
    %while3A_81 = arith.constant 0 : i32
    %while3A_82 = arith.subi %select_n3A_80, %while3A_81 : i32
    %while3A_83 = arith.addi %while3A_81, %while3A_82 : i32
    %while3A_84 = arith.constant 1 : i32
    %while3A_85 = arith.divsi %while3A_82, %while3A_84 : i32
    %while3A_86 = arith.muli %while3A_85, %while3A_84 : i32
    %while3A_87 = arith.addi %while3A_81, %while3A_86 : i32
    %while3A_88 = arith.constant 1 : i32
    scf.for %while3A_103 = %while3A_81 to %while3A_87 step %while3A_88  : i32 {
      %mul3A_104 = arith.constant 2 : i32
      %mul3A_105 = arith.muli %mul3A_104, %while3A_103 : i32
      %add3A_106 = arith.constant 1 : i32
      %add3A_107 = arith.addi %mul3A_105, %add3A_106 : i32
      %mul3A_108 = arith.constant 64 : i32
      %mul3A_109 = arith.muli %add3A_107, %mul3A_108 : i32
      %add3A_110 = arith.addi %mul3A_38, %mul3A_109 : i32
      %dma_wait3A_111 = tpu.memref_slice %arg4[%add3A_110] : memref<327680xi32, #tpu.memory_space<hbm>> -> memref<64xi32, #tpu.memory_space<hbm>>
      %dma_wait3A_112 = tpu.memref_slice %arg4[%add3A_110] : memref<327680xi32, #tpu.memory_space<hbm>> -> memref<64xi32, #tpu.memory_space<hbm>>
      tpu.wait_dma2 semaphore(%arg19 : memref<!tpu.dma_semaphore, #tpu.memory_space<semaphore_mem>>) src(%dma_wait3A_112 : memref<64xi32, #tpu.memory_space<hbm>>) dst(%arg8 : memref<64xi32, #tpu.memory_space<vmem>>)
      %parallel_loop3A_113 = arith.constant 0 : i32
      %parallel_loop3A_114 = arith.constant 4 : i32
      %parallel_loop3A_115 = arith.constant 1 : i32
      scf.for %parallel_loop3A_165 = %parallel_loop3A_113 to %parallel_loop3A_114 step %parallel_loop3A_115  : i32 {
        %parallel_loop3A_166 = arith.constant 16 : i32
        %parallel_loop3A_167 = arith.muli %parallel_loop3A_165, %parallel_loop3A_166 : i32
        %parallel_loop3A_168 = arith.index_cast %parallel_loop3A_167 : i32 to index
        %parallel_loop3A_169 = tpu.vector_load %arg8[%parallel_loop3A_168] {strides = array<i32>} : memref<64xi32, #tpu.memory_space<vmem>>, vector<16xi32>,
        %parallel_loop3A_170 = vector.shape_cast %parallel_loop3A_169 : vector<16xi32> to vector<16xi32>
        %parallel_loop3A_171 = arith.constant 65535 : i32
        %parallel_loop3A_172 = vector.broadcast %parallel_loop3A_171 : i32 to vector<16xi32>
        %parallel_loop3A_173 = arith.andi %parallel_loop3A_170, %parallel_loop3A_172 : vector<16xi32>
        %parallel_loop3A_174 = arith.index_cast %parallel_loop3A_167 : i32 to index
        %parallel_loop3A_175 = tpu.vector_load %arg11[%parallel_loop3A_174] {strides = array<i32>} : memref<64xi32, #tpu.memory_space<vmem>>, vector<16xi32>,
        %parallel_loop3A_176 = vector.shape_cast %parallel_loop3A_175 : vector<16xi32> to vector<16xi32>
        %parallel_loop3A_177 = vector.shape_cast %parallel_loop3A_173 : vector<16xi32> to vector<16xi32>
        tpu.vector_store %arg11[%parallel_loop3A_174], %parallel_loop3A_177 {strides = array<i32>} : memref<64xi32, #tpu.memory_space<vmem>>, vector<16xi32>,
        %parallel_loop3A_178 = arith.constant 16 : i32
        %parallel_loop3A_179 = vector.broadcast %parallel_loop3A_178 : i32 to vector<16xi32>
        %parallel_loop3A_180 = arith.shrui %parallel_loop3A_170, %parallel_loop3A_179 : vector<16xi32>
        %parallel_loop3A_181 = arith.index_cast %parallel_loop3A_167 : i32 to index
        %parallel_loop3A_182 = tpu.vector_load %arg12[%parallel_loop3A_181] {strides = array<i32>} : memref<64xi32, #tpu.memory_space<vmem>>, vector<16xi32>,
        %parallel_loop3A_183 = vector.shape_cast %parallel_loop3A_182 : vector<16xi32> to vector<16xi32>
        %parallel_loop3A_184 = vector.shape_cast %parallel_loop3A_180 : vector<16xi32> to vector<16xi32>
        tpu.vector_store %arg12[%parallel_loop3A_181], %parallel_loop3A_184 {strides = array<i32>} : memref<64xi32, #tpu.memory_space<vmem>>, vector<16xi32>,
      } {sc.loop_unroll_factor = 1 : i64, sc.parallel_access}
      %dma_start3A_116 = arith.constant 0 : i32
      %dma_start3A_117 = arith.constant 0 : i32
      %dma_start3A_118 = tpu.memref_slice %arg2[%dma_start3A_116, %dma_start3A_117] : memref<10000x128xf32, #tpu.memory_space<hbm>> -> memref<10000x128xf32, #tpu.memory_space<hbm>>
      tpu.enqueue_indirect_dma source(%dma_start3A_118 : memref<10000x128xf32, #tpu.memory_space<hbm>>) target(%arg15 : memref<64x128xf32, #tpu.memory_space<vmem>>) offsets(%arg11 : memref<64xi32, #tpu.memory_space<vmem>>) semaphore(%arg22 : memref<!tpu.dma_semaphore, #tpu.memory_space<semaphore_mem>>)
      %mul3A_119 = arith.constant 64 : i32
      %mul3A_120 = arith.muli %add3A_107, %mul3A_119 : i32
      %add3A_121 = arith.addi %mul3A_38, %mul3A_120 : i32
      %dma_start3A_122 = arith.constant 0 : i32
      %dma_start3A_123 = tpu.memref_slice %arg3[%add3A_121, %dma_start3A_122] : memref<327680x128xf32, #tpu.memory_space<hbm>> -> memref<64x128xf32, #tpu.memory_space<hbm>>
      %dma_start3A_124 = arith.constant 0 : i32
      %dma_start3A_125 = tpu.memref_slice %arg3[%add3A_121, %dma_start3A_124] : memref<327680x128xf32, #tpu.memory_space<hbm>> -> memref<64x128xf32, #tpu.memory_space<hbm>>
      tpu.enqueue_dma source(%dma_start3A_125 : memref<64x128xf32, #tpu.memory_space<hbm>>) target(%arg16 : memref<64x128xf32, #tpu.memory_space<vmem>>) target_semaphore(%arg23 : memref<!tpu.dma_semaphore, #tpu.memory_space<semaphore_mem>>)
      %add3A_126 = arith.constant 2 : i32
      %add3A_127 = arith.addi %add3A_107, %add3A_126 : i32
      %lt3A = arith.cmpi slt, %add3A_127, %select_n3A : i32
      %convert_element_type3A_128 = arith.extui %lt3A : i1 to i32
      %cond3A_129 = arith.constant 0 : i32
      %cond3A_130 = arith.cmpi ne, %convert_element_type3A_128, %cond3A_129 : i32
      scf.if %cond3A_130 {
        %add3A_165 = arith.constant 2 : i32
        %add3A_166 = arith.addi %add3A_107, %add3A_165 : i32
        %mul3A_167 = arith.constant 64 : i32
        %mul3A_168 = arith.muli %add3A_166, %mul3A_167 : i32
        %add3A_169 = arith.addi %mul3A_38, %mul3A_168 : i32
        %dma_start3A_170 = tpu.memref_slice %arg4[%add3A_169] : memref<327680xi32, #tpu.memory_space<hbm>> -> memref<64xi32, #tpu.memory_space<hbm>>
        %dma_start3A_171 = tpu.memref_slice %arg4[%add3A_169] : memref<327680xi32, #tpu.memory_space<hbm>> -> memref<64xi32, #tpu.memory_space<hbm>>
        tpu.enqueue_dma source(%dma_start3A_171 : memref<64xi32, #tpu.memory_space<hbm>>) target(%arg8 : memref<64xi32, #tpu.memory_space<vmem>>) target_semaphore(%arg19 : memref<!tpu.dma_semaphore, #tpu.memory_space<semaphore_mem>>)
      } else {
      }
      %dma_wait3A_131 = arith.constant 0 : i32
      %dma_wait3A_132 = arith.constant 0 : i32
      %dma_wait3A_133 = tpu.memref_slice %arg2[%dma_wait3A_131, %dma_wait3A_132] : memref<10000x128xf32, #tpu.memory_space<hbm>> -> memref<10000x128xf32, #tpu.memory_space<hbm>>
      tpu.wait_indirect_dma semaphore(%arg20 : memref<!tpu.dma_semaphore, #tpu.memory_space<semaphore_mem>>) src(%dma_wait3A_133 : memref<10000x128xf32, #tpu.memory_space<hbm>>) dst(%arg13 : memref<64x128xf32, #tpu.memory_space<vmem>>)
      %mul3A_134 = arith.constant 64 : i32
      %mul3A_135 = arith.muli %mul3A_105, %mul3A_134 : i32
      %add3A_136 = arith.addi %mul3A_38, %mul3A_135 : i32
      %dma_wait3A_137 = arith.constant 0 : i32
      %dma_wait3A_138 = tpu.memref_slice %arg3[%add3A_136, %dma_wait3A_137] : memref<327680x128xf32, #tpu.memory_space<hbm>> -> memref<64x128xf32, #tpu.memory_space<hbm>>
      %dma_wait3A_139 = arith.constant 0 : i32
      %dma_wait3A_140 = tpu.memref_slice %arg3[%add3A_136, %dma_wait3A_139] : memref<327680x128xf32, #tpu.memory_space<hbm>> -> memref<64x128xf32, #tpu.memory_space<hbm>>
      tpu.wait_dma2 semaphore(%arg21 : memref<!tpu.dma_semaphore, #tpu.memory_space<semaphore_mem>>) src(%dma_wait3A_140 : memref<64x128xf32, #tpu.memory_space<hbm>>) dst(%arg14 : memref<64x128xf32, #tpu.memory_space<vmem>>)
      %parallel_loop3A_141 = arith.constant 0 : i32
      %parallel_loop3A_142 = arith.constant 64 : i32
      %parallel_loop3A_143 = arith.constant 1 : i32
      scf.for %parallel_loop3A_165 = %parallel_loop3A_141 to %parallel_loop3A_142 step %parallel_loop3A_143  : i32 {
        %parallel_loop3A_166 = arith.index_cast %parallel_loop3A_165 : i32 to index
        %parallel_loop3A_167 = arith.constant 0 : index
        %parallel_loop3A_168 = tpu.vector_load %arg13[%parallel_loop3A_166, %parallel_loop3A_167] {strides = array<i32>} : memref<64x128xf32, #tpu.memory_space<vmem>>, vector<1x16xf32>,
        %parallel_loop3A_169 = vector.shape_cast %parallel_loop3A_168 : vector<1x16xf32> to vector<16xf32>
        %parallel_loop3A_170 = arith.index_cast %parallel_loop3A_165 : i32 to index
        %parallel_loop3A_171 = arith.constant 0 : index
        %parallel_loop3A_172 = tpu.vector_load %arg14[%parallel_loop3A_170, %parallel_loop3A_171] {strides = array<i32>} : memref<64x128xf32, #tpu.memory_space<vmem>>, vector<1x16xf32>,
        %parallel_loop3A_173 = vector.shape_cast %parallel_loop3A_172 : vector<1x16xf32> to vector<16xf32>
        %parallel_loop3A_174 = arith.addf %parallel_loop3A_169, %parallel_loop3A_173 : vector<16xf32>
        %parallel_loop3A_175 = arith.constant 0.000000e+00 : f32
        %parallel_loop3A_176 = vector.broadcast %parallel_loop3A_175 : f32 to vector<16xf32>
        %parallel_loop3A_177 = arith.maximumf %parallel_loop3A_174, %parallel_loop3A_176 : vector<16xf32>
        %parallel_loop3A_178 = arith.index_cast %parallel_loop3A_165 : i32 to index
        %parallel_loop3A_179 = arith.constant 0 : index
        %parallel_loop3A_180 = tpu.vector_load %arg13[%parallel_loop3A_178, %parallel_loop3A_179] {strides = array<i32>} : memref<64x128xf32, #tpu.memory_space<vmem>>, vector<1x16xf32>,
        %parallel_loop3A_181 = vector.shape_cast %parallel_loop3A_180 : vector<1x16xf32> to vector<16xf32>
        %parallel_loop3A_182 = vector.shape_cast %parallel_loop3A_177 : vector<16xf32> to vector<1x16xf32>
        tpu.vector_store %arg13[%parallel_loop3A_178, %parallel_loop3A_179], %parallel_loop3A_182 {strides = array<i32>} : memref<64x128xf32, #tpu.memory_space<vmem>>, vector<1x16xf32>,
        %parallel_loop3A_183 = arith.index_cast %parallel_loop3A_165 : i32 to index
        %parallel_loop3A_184 = arith.constant 16 : index
        %parallel_loop3A_185 = tpu.vector_load %arg13[%parallel_loop3A_183, %parallel_loop3A_184] {strides = array<i32>} : memref<64x128xf32, #tpu.memory_space<vmem>>, vector<1x16xf32>,
        %parallel_loop3A_186 = vector.shape_cast %parallel_loop3A_185 : vector<1x16xf32> to vector<16xf32>
        %parallel_loop3A_187 = arith.index_cast %parallel_loop3A_165 : i32 to index
        %parallel_loop3A_188 = arith.constant 16 : index
        %parallel_loop3A_189 = tpu.vector_load %arg14[%parallel_loop3A_187, %parallel_loop3A_188] {strides = array<i32>} : memref<64x128xf32, #tpu.memory_space<vmem>>, vector<1x16xf32>,
        %parallel_loop3A_190 = vector.shape_cast %parallel_loop3A_189 : vector<1x16xf32> to vector<16xf32>
        %parallel_loop3A_191 = arith.addf %parallel_loop3A_186, %parallel_loop3A_190 : vector<16xf32>
        %parallel_loop3A_192 = arith.constant 0.000000e+00 : f32
        %parallel_loop3A_193 = vector.broadcast %parallel_loop3A_192 : f32 to vector<16xf32>
        %parallel_loop3A_194 = arith.maximumf %parallel_loop3A_191, %parallel_loop3A_193 : vector<16xf32>
        %parallel_loop3A_195 = arith.index_cast %parallel_loop3A_165 : i32 to index
        %parallel_loop3A_196 = arith.constant 16 : index
        %parallel_loop3A_197 = tpu.vector_load %arg13[%parallel_loop3A_195, %parallel_loop3A_196] {strides = array<i32>} : memref<64x128xf32, #tpu.memory_space<vmem>>, vector<1x16xf32>,
        %parallel_loop3A_198 = vector.shape_cast %parallel_loop3A_197 : vector<1x16xf32> to vector<16xf32>
        %parallel_loop3A_199 = vector.shape_cast %parallel_loop3A_194 : vector<16xf32> to vector<1x16xf32>
        tpu.vector_store %arg13[%parallel_loop3A_195, %parallel_loop3A_196], %parallel_loop3A_199 {strides = array<i32>} : memref<64x128xf32, #tpu.memory_space<vmem>>, vector<1x16xf32>,
        %parallel_loop3A_200 = arith.index_cast %parallel_loop3A_165 : i32 to index
        %parallel_loop3A_201 = arith.constant 32 : index
        %parallel_loop3A_202 = tpu.vector_load %arg13[%parallel_loop3A_200, %parallel_loop3A_201] {strides = array<i32>} : memref<64x128xf32, #tpu.memory_space<vmem>>, vector<1x16xf32>,
        %parallel_loop3A_203 = vector.shape_cast %parallel_loop3A_202 : vector<1x16xf32> to vector<16xf32>
        %parallel_loop3A_204 = arith.index_cast %parallel_loop3A_165 : i32 to index
        %parallel_loop3A_205 = arith.constant 32 : index
        %parallel_loop3A_206 = tpu.vector_load %arg14[%parallel_loop3A_204, %parallel_loop3A_205] {strides = array<i32>} : memref<64x128xf32, #tpu.memory_space<vmem>>, vector<1x16xf32>,
        %parallel_loop3A_207 = vector.shape_cast %parallel_loop3A_206 : vector<1x16xf32> to vector<16xf32>
        %parallel_loop3A_208 = arith.addf %parallel_loop3A_203, %parallel_loop3A_207 : vector<16xf32>
        %parallel_loop3A_209 = arith.constant 0.000000e+00 : f32
        %parallel_loop3A_210 = vector.broadcast %parallel_loop3A_209 : f32 to vector<16xf32>
        %parallel_loop3A_211 = arith.maximumf %parallel_loop3A_208, %parallel_loop3A_210 : vector<16xf32>
        %parallel_loop3A_212 = arith.index_cast %parallel_loop3A_165 : i32 to index
        %parallel_loop3A_213 = arith.constant 32 : index
        %parallel_loop3A_214 = tpu.vector_load %arg13[%parallel_loop3A_212, %parallel_loop3A_213] {strides = array<i32>} : memref<64x128xf32, #tpu.memory_space<vmem>>, vector<1x16xf32>,
        %parallel_loop3A_215 = vector.shape_cast %parallel_loop3A_214 : vector<1x16xf32> to vector<16xf32>
        %parallel_loop3A_216 = vector.shape_cast %parallel_loop3A_211 : vector<16xf32> to vector<1x16xf32>
        tpu.vector_store %arg13[%parallel_loop3A_212, %parallel_loop3A_213], %parallel_loop3A_216 {strides = array<i32>} : memref<64x128xf32, #tpu.memory_space<vmem>>, vector<1x16xf32>,
        %parallel_loop3A_217 = arith.index_cast %parallel_loop3A_165 : i32 to index
        %parallel_loop3A_218 = arith.constant 48 : index
        %parallel_loop3A_219 = tpu.vector_load %arg13[%parallel_loop3A_217, %parallel_loop3A_218] {strides = array<i32>} : memref<64x128xf32, #tpu.memory_space<vmem>>, vector<1x16xf32>,
        %parallel_loop3A_220 = vector.shape_cast %parallel_loop3A_219 : vector<1x16xf32> to vector<16xf32>
        %parallel_loop3A_221 = arith.index_cast %parallel_loop3A_165 : i32 to index
        %parallel_loop3A_222 = arith.constant 48 : index
        %parallel_loop3A_223 = tpu.vector_load %arg14[%parallel_loop3A_221, %parallel_loop3A_222] {strides = array<i32>} : memref<64x128xf32, #tpu.memory_space<vmem>>, vector<1x16xf32>,
        %parallel_loop3A_224 = vector.shape_cast %parallel_loop3A_223 : vector<1x16xf32> to vector<16xf32>
        %parallel_loop3A_225 = arith.addf %parallel_loop3A_220, %parallel_loop3A_224 : vector<16xf32>
        %parallel_loop3A_226 = arith.constant 0.000000e+00 : f32
        %parallel_loop3A_227 = vector.broadcast %parallel_loop3A_226 : f32 to vector<16xf32>
        %parallel_loop3A_228 = arith.maximumf %parallel_loop3A_225, %parallel_loop3A_227 : vector<16xf32>
        %parallel_loop3A_229 = arith.index_cast %parallel_loop3A_165 : i32 to index
        %parallel_loop3A_230 = arith.constant 48 : index
        %parallel_loop3A_231 = tpu.vector_load %arg13[%parallel_loop3A_229, %parallel_loop3A_230] {strides = array<i32>} : memref<64x128xf32, #tpu.memory_space<vmem>>, vector<1x16xf32>,
        %parallel_loop3A_232 = vector.shape_cast %parallel_loop3A_231 : vector<1x16xf32> to vector<16xf32>
        %parallel_loop3A_233 = vector.shape_cast %parallel_loop3A_228 : vector<16xf32> to vector<1x16xf32>
        tpu.vector_store %arg13[%parallel_loop3A_229, %parallel_loop3A_230], %parallel_loop3A_233 {strides = array<i32>} : memref<64x128xf32, #tpu.memory_space<vmem>>, vector<1x16xf32>,
        %parallel_loop3A_234 = arith.index_cast %parallel_loop3A_165 : i32 to index
        %parallel_loop3A_235 = arith.constant 64 : index
        %parallel_loop3A_236 = tpu.vector_load %arg13[%parallel_loop3A_234, %parallel_loop3A_235] {strides = array<i32>} : memref<64x128xf32, #tpu.memory_space<vmem>>, vector<1x16xf32>,
        %parallel_loop3A_237 = vector.shape_cast %parallel_loop3A_236 : vector<1x16xf32> to vector<16xf32>
        %parallel_loop3A_238 = arith.index_cast %parallel_loop3A_165 : i32 to index
        %parallel_loop3A_239 = arith.constant 64 : index
        %parallel_loop3A_240 = tpu.vector_load %arg14[%parallel_loop3A_238, %parallel_loop3A_239] {strides = array<i32>} : memref<64x128xf32, #tpu.memory_space<vmem>>, vector<1x16xf32>,
        %parallel_loop3A_241 = vector.shape_cast %parallel_loop3A_240 : vector<1x16xf32> to vector<16xf32>
        %parallel_loop3A_242 = arith.addf %parallel_loop3A_237, %parallel_loop3A_241 : vector<16xf32>
        %parallel_loop3A_243 = arith.constant 0.000000e+00 : f32
        %parallel_loop3A_244 = vector.broadcast %parallel_loop3A_243 : f32 to vector<16xf32>
        %parallel_loop3A_245 = arith.maximumf %parallel_loop3A_242, %parallel_loop3A_244 : vector<16xf32>
        %parallel_loop3A_246 = arith.index_cast %parallel_loop3A_165 : i32 to index
        %parallel_loop3A_247 = arith.constant 64 : index
        %parallel_loop3A_248 = tpu.vector_load %arg13[%parallel_loop3A_246, %parallel_loop3A_247] {strides = array<i32>} : memref<64x128xf32, #tpu.memory_space<vmem>>, vector<1x16xf32>,
        %parallel_loop3A_249 = vector.shape_cast %parallel_loop3A_248 : vector<1x16xf32> to vector<16xf32>
        %parallel_loop3A_250 = vector.shape_cast %parallel_loop3A_245 : vector<16xf32> to vector<1x16xf32>
        tpu.vector_store %arg13[%parallel_loop3A_246, %parallel_loop3A_247], %parallel_loop3A_250 {strides = array<i32>} : memref<64x128xf32, #tpu.memory_space<vmem>>, vector<1x16xf32>,
        %parallel_loop3A_251 = arith.index_cast %parallel_loop3A_165 : i32 to index
        %parallel_loop3A_252 = arith.constant 80 : index
        %parallel_loop3A_253 = tpu.vector_load %arg13[%parallel_loop3A_251, %parallel_loop3A_252] {strides = array<i32>} : memref<64x128xf32, #tpu.memory_space<vmem>>, vector<1x16xf32>,
        %parallel_loop3A_254 = vector.shape_cast %parallel_loop3A_253 : vector<1x16xf32> to vector<16xf32>
        %parallel_loop3A_255 = arith.index_cast %parallel_loop3A_165 : i32 to index
        %parallel_loop3A_256 = arith.constant 80 : index
        %parallel_loop3A_257 = tpu.vector_load %arg14[%parallel_loop3A_255, %parallel_loop3A_256] {strides = array<i32>} : memref<64x128xf32, #tpu.memory_space<vmem>>, vector<1x16xf32>,
        %parallel_loop3A_258 = vector.shape_cast %parallel_loop3A_257 : vector<1x16xf32> to vector<16xf32>
        %parallel_loop3A_259 = arith.addf %parallel_loop3A_254, %parallel_loop3A_258 : vector<16xf32>
        %parallel_loop3A_260 = arith.constant 0.000000e+00 : f32
        %parallel_loop3A_261 = vector.broadcast %parallel_loop3A_260 : f32 to vector<16xf32>
        %parallel_loop3A_262 = arith.maximumf %parallel_loop3A_259, %parallel_loop3A_261 : vector<16xf32>
        %parallel_loop3A_263 = arith.index_cast %parallel_loop3A_165 : i32 to index
        %parallel_loop3A_264 = arith.constant 80 : index
        %parallel_loop3A_265 = tpu.vector_load %arg13[%parallel_loop3A_263, %parallel_loop3A_264] {strides = array<i32>} : memref<64x128xf32, #tpu.memory_space<vmem>>, vector<1x16xf32>,
        %parallel_loop3A_266 = vector.shape_cast %parallel_loop3A_265 : vector<1x16xf32> to vector<16xf32>
        %parallel_loop3A_267 = vector.shape_cast %parallel_loop3A_262 : vector<16xf32> to vector<1x16xf32>
        tpu.vector_store %arg13[%parallel_loop3A_263, %parallel_loop3A_264], %parallel_loop3A_267 {strides = array<i32>} : memref<64x128xf32, #tpu.memory_space<vmem>>, vector<1x16xf32>,
        %parallel_loop3A_268 = arith.index_cast %parallel_loop3A_165 : i32 to index
        %parallel_loop3A_269 = arith.constant 96 : index
        %parallel_loop3A_270 = tpu.vector_load %arg13[%parallel_loop3A_268, %parallel_loop3A_269] {strides = array<i32>} : memref<64x128xf32, #tpu.memory_space<vmem>>, vector<1x16xf32>,
        %parallel_loop3A_271 = vector.shape_cast %parallel_loop3A_270 : vector<1x16xf32> to vector<16xf32>
        %parallel_loop3A_272 = arith.index_cast %parallel_loop3A_165 : i32 to index
        %parallel_loop3A_273 = arith.constant 96 : index
        %parallel_loop3A_274 = tpu.vector_load %arg14[%parallel_loop3A_272, %parallel_loop3A_273] {strides = array<i32>} : memref<64x128xf32, #tpu.memory_space<vmem>>, vector<1x16xf32>,
        %parallel_loop3A_275 = vector.shape_cast %parallel_loop3A_274 : vector<1x16xf32> to vector<16xf32>
        %parallel_loop3A_276 = arith.addf %parallel_loop3A_271, %parallel_loop3A_275 : vector<16xf32>
        %parallel_loop3A_277 = arith.constant 0.000000e+00 : f32
        %parallel_loop3A_278 = vector.broadcast %parallel_loop3A_277 : f32 to vector<16xf32>
        %parallel_loop3A_279 = arith.maximumf %parallel_loop3A_276, %parallel_loop3A_278 : vector<16xf32>
        %parallel_loop3A_280 = arith.index_cast %parallel_loop3A_165 : i32 to index
        %parallel_loop3A_281 = arith.constant 96 : index
        %parallel_loop3A_282 = tpu.vector_load %arg13[%parallel_loop3A_280, %parallel_loop3A_281] {strides = array<i32>} : memref<64x128xf32, #tpu.memory_space<vmem>>, vector<1x16xf32>,
        %parallel_loop3A_283 = vector.shape_cast %parallel_loop3A_282 : vector<1x16xf32> to vector<16xf32>
        %parallel_loop3A_284 = vector.shape_cast %parallel_loop3A_279 : vector<16xf32> to vector<1x16xf32>
        tpu.vector_store %arg13[%parallel_loop3A_280, %parallel_loop3A_281], %parallel_loop3A_284 {strides = array<i32>} : memref<64x128xf32, #tpu.memory_space<vmem>>, vector<1x16xf32>,
        %parallel_loop3A_285 = arith.index_cast %parallel_loop3A_165 : i32 to index
        %parallel_loop3A_286 = arith.constant 112 : index
        %parallel_loop3A_287 = tpu.vector_load %arg13[%parallel_loop3A_285, %parallel_loop3A_286] {strides = array<i32>} : memref<64x128xf32, #tpu.memory_space<vmem>>, vector<1x16xf32>,
        %parallel_loop3A_288 = vector.shape_cast %parallel_loop3A_287 : vector<1x16xf32> to vector<16xf32>
        %parallel_loop3A_289 = arith.index_cast %parallel_loop3A_165 : i32 to index
        %parallel_loop3A_290 = arith.constant 112 : index
        %parallel_loop3A_291 = tpu.vector_load %arg14[%parallel_loop3A_289, %parallel_loop3A_290] {strides = array<i32>} : memref<64x128xf32, #tpu.memory_space<vmem>>, vector<1x16xf32>,
        %parallel_loop3A_292 = vector.shape_cast %parallel_loop3A_291 : vector<1x16xf32> to vector<16xf32>
        %parallel_loop3A_293 = arith.addf %parallel_loop3A_288, %parallel_loop3A_292 : vector<16xf32>
        %parallel_loop3A_294 = arith.constant 0.000000e+00 : f32
        %parallel_loop3A_295 = vector.broadcast %parallel_loop3A_294 : f32 to vector<16xf32>
        %parallel_loop3A_296 = arith.maximumf %parallel_loop3A_293, %parallel_loop3A_295 : vector<16xf32>
        %parallel_loop3A_297 = arith.index_cast %parallel_loop3A_165 : i32 to index
        %parallel_loop3A_298 = arith.constant 112 : index
        %parallel_loop3A_299 = tpu.vector_load %arg13[%parallel_loop3A_297, %parallel_loop3A_298] {strides = array<i32>} : memref<64x128xf32, #tpu.memory_space<vmem>>, vector<1x16xf32>,
        %parallel_loop3A_300 = vector.shape_cast %parallel_loop3A_299 : vector<1x16xf32> to vector<16xf32>
        %parallel_loop3A_301 = vector.shape_cast %parallel_loop3A_296 : vector<16xf32> to vector<1x16xf32>
        tpu.vector_store %arg13[%parallel_loop3A_297, %parallel_loop3A_298], %parallel_loop3A_301 {strides = array<i32>} : memref<64x128xf32, #tpu.memory_space<vmem>>, vector<1x16xf32>,
      } {sc.loop_unroll_factor = 2 : i64, sc.parallel_access}
      "tpu.region"() ({
        %run_scoped3A = tpu.sem_alloc : memref<!tpu.dma_semaphore, #tpu.memory_space<semaphore_mem>>
        %dma_start3A_165 = arith.constant 0 : i32
        %dma_start3A_166 = arith.constant 0 : i32
        %dma_start3A_167 = tpu.memref_slice %arg17[%dma_start3A_165, %dma_start3A_166] : memref<10240x128xf32, #tpu.memory_space<vmem_shared>> -> memref<10240x128xf32, #tpu.memory_space<vmem_shared>>
        tpu.enqueue_indirect_dma source(%arg13 : memref<64x128xf32, #tpu.memory_space<vmem>>) target(%dma_start3A_167 : memref<10240x128xf32, #tpu.memory_space<vmem_shared>>) offsets(%arg10 : memref<64xi32, #tpu.memory_space<vmem>>) semaphore(%run_scoped3A : memref<!tpu.dma_semaphore, #tpu.memory_space<semaphore_mem>>) {add = true}
        %dma_wait3A_168 = arith.constant 0 : i32
        %dma_wait3A_169 = arith.constant 0 : i32
        %dma_wait3A_170 = tpu.memref_slice %arg17[%dma_wait3A_168, %dma_wait3A_169] : memref<10240x128xf32, #tpu.memory_space<vmem_shared>> -> memref<10240x128xf32, #tpu.memory_space<vmem_shared>>
        tpu.wait_indirect_dma semaphore(%run_scoped3A : memref<!tpu.dma_semaphore, #tpu.memory_space<semaphore_mem>>) src(%arg13 : memref<64x128xf32, #tpu.memory_space<vmem>>) dst(%dma_wait3A_170 : memref<10240x128xf32, #tpu.memory_space<vmem_shared>>)
        tpu.yield
      }) : () -> ()
      %sub3A_144 = arith.constant 1 : i32
      %sub3A_145 = arith.subi %select_n3A_80, %sub3A_144 : i32
      %lt3A_146 = arith.cmpi slt, %while3A_103, %sub3A_145 : i32
      %convert_element_type3A_147 = arith.extui %lt3A_146 : i1 to i32
      %cond3A_148 = arith.constant 0 : i32
      %cond3A_149 = arith.cmpi ne, %convert_element_type3A_147, %cond3A_148 : i32
      scf.if %cond3A_149 {
        %add3A_165 = arith.constant 2 : i32
        %add3A_166 = arith.addi %mul3A_105, %add3A_165 : i32
        %mul3A_167 = arith.constant 64 : i32
        %mul3A_168 = arith.muli %add3A_166, %mul3A_167 : i32
        %add3A_169 = arith.addi %mul3A_38, %mul3A_168 : i32
        %dma_wait3A_170 = tpu.memref_slice %arg4[%add3A_169] : memref<327680xi32, #tpu.memory_space<hbm>> -> memref<64xi32, #tpu.memory_space<hbm>>
        %dma_wait3A_171 = tpu.memref_slice %arg4[%add3A_169] : memref<327680xi32, #tpu.memory_space<hbm>> -> memref<64xi32, #tpu.memory_space<hbm>>
        tpu.wait_dma2 semaphore(%arg18 : memref<!tpu.dma_semaphore, #tpu.memory_space<semaphore_mem>>) src(%dma_wait3A_171 : memref<64xi32, #tpu.memory_space<hbm>>) dst(%arg7 : memref<64xi32, #tpu.memory_space<vmem>>)
        %parallel_loop3A_172 = arith.constant 0 : i32
        %parallel_loop3A_173 = arith.constant 4 : i32
        %parallel_loop3A_174 = arith.constant 1 : i32
        scf.for %parallel_loop3A_191 = %parallel_loop3A_172 to %parallel_loop3A_173 step %parallel_loop3A_174  : i32 {
          %parallel_loop3A_192 = arith.constant 16 : i32
          %parallel_loop3A_193 = arith.muli %parallel_loop3A_191, %parallel_loop3A_192 : i32
          %parallel_loop3A_194 = arith.index_cast %parallel_loop3A_193 : i32 to index
          %parallel_loop3A_195 = tpu.vector_load %arg7[%parallel_loop3A_194] {strides = array<i32>} : memref<64xi32, #tpu.memory_space<vmem>>, vector<16xi32>,
          %parallel_loop3A_196 = vector.shape_cast %parallel_loop3A_195 : vector<16xi32> to vector<16xi32>
          %parallel_loop3A_197 = arith.constant 65535 : i32
          %parallel_loop3A_198 = vector.broadcast %parallel_loop3A_197 : i32 to vector<16xi32>
          %parallel_loop3A_199 = arith.andi %parallel_loop3A_196, %parallel_loop3A_198 : vector<16xi32>
          %parallel_loop3A_200 = arith.index_cast %parallel_loop3A_193 : i32 to index
          %parallel_loop3A_201 = tpu.vector_load %arg9[%parallel_loop3A_200] {strides = array<i32>} : memref<64xi32, #tpu.memory_space<vmem>>, vector<16xi32>,
          %parallel_loop3A_202 = vector.shape_cast %parallel_loop3A_201 : vector<16xi32> to vector<16xi32>
          %parallel_loop3A_203 = vector.shape_cast %parallel_loop3A_199 : vector<16xi32> to vector<16xi32>
          tpu.vector_store %arg9[%parallel_loop3A_200], %parallel_loop3A_203 {strides = array<i32>} : memref<64xi32, #tpu.memory_space<vmem>>, vector<16xi32>,
          %parallel_loop3A_204 = arith.constant 16 : i32
          %parallel_loop3A_205 = vector.broadcast %parallel_loop3A_204 : i32 to vector<16xi32>
          %parallel_loop3A_206 = arith.shrui %parallel_loop3A_196, %parallel_loop3A_205 : vector<16xi32>
          %parallel_loop3A_207 = arith.index_cast %parallel_loop3A_193 : i32 to index
          %parallel_loop3A_208 = tpu.vector_load %arg10[%parallel_loop3A_207] {strides = array<i32>} : memref<64xi32, #tpu.memory_space<vmem>>, vector<16xi32>,
          %parallel_loop3A_209 = vector.shape_cast %parallel_loop3A_208 : vector<16xi32> to vector<16xi32>
          %parallel_loop3A_210 = vector.shape_cast %parallel_loop3A_206 : vector<16xi32> to vector<16xi32>
          tpu.vector_store %arg10[%parallel_loop3A_207], %parallel_loop3A_210 {strides = array<i32>} : memref<64xi32, #tpu.memory_space<vmem>>, vector<16xi32>,
        } {sc.loop_unroll_factor = 1 : i64, sc.parallel_access}
        %dma_start3A_175 = arith.constant 0 : i32
        %dma_start3A_176 = arith.constant 0 : i32
        %dma_start3A_177 = tpu.memref_slice %arg2[%dma_start3A_175, %dma_start3A_176] : memref<10000x128xf32, #tpu.memory_space<hbm>> -> memref<10000x128xf32, #tpu.memory_space<hbm>>
        tpu.enqueue_indirect_dma source(%dma_start3A_177 : memref<10000x128xf32, #tpu.memory_space<hbm>>) target(%arg13 : memref<64x128xf32, #tpu.memory_space<vmem>>) offsets(%arg9 : memref<64xi32, #tpu.memory_space<vmem>>) semaphore(%arg20 : memref<!tpu.dma_semaphore, #tpu.memory_space<semaphore_mem>>)
        %mul3A_178 = arith.constant 64 : i32
        %mul3A_179 = arith.muli %add3A_166, %mul3A_178 : i32
        %add3A_180 = arith.addi %mul3A_38, %mul3A_179 : i32
        %dma_start3A_181 = arith.constant 0 : i32
        %dma_start3A_182 = tpu.memref_slice %arg3[%add3A_180, %dma_start3A_181] : memref<327680x128xf32, #tpu.memory_space<hbm>> -> memref<64x128xf32, #tpu.memory_space<hbm>>
        %dma_start3A_183 = arith.constant 0 : i32
        %dma_start3A_184 = tpu.memref_slice %arg3[%add3A_180, %dma_start3A_183] : memref<327680x128xf32, #tpu.memory_space<hbm>> -> memref<64x128xf32, #tpu.memory_space<hbm>>
        tpu.enqueue_dma source(%dma_start3A_184 : memref<64x128xf32, #tpu.memory_space<hbm>>) target(%arg14 : memref<64x128xf32, #tpu.memory_space<vmem>>) target_semaphore(%arg21 : memref<!tpu.dma_semaphore, #tpu.memory_space<semaphore_mem>>)
        %add3A_185 = arith.constant 2 : i32
        %add3A_186 = arith.addi %add3A_166, %add3A_185 : i32
        %lt3A_187 = arith.cmpi slt, %add3A_186, %select_n3A : i32
        %convert_element_type3A_188 = arith.extui %lt3A_187 : i1 to i32
        %cond3A_189 = arith.constant 0 : i32
        %cond3A_190 = arith.cmpi ne, %convert_element_type3A_188, %cond3A_189 : i32
        scf.if %cond3A_190 {
          %add3A_191 = arith.constant 2 : i32
          %add3A_192 = arith.addi %add3A_166, %add3A_191 : i32
          %mul3A_193 = arith.constant 64 : i32
          %mul3A_194 = arith.muli %add3A_192, %mul3A_193 : i32
          %add3A_195 = arith.addi %mul3A_38, %mul3A_194 : i32
          %dma_start3A_196 = tpu.memref_slice %arg4[%add3A_195] : memref<327680xi32, #tpu.memory_space<hbm>> -> memref<64xi32, #tpu.memory_space<hbm>>
          %dma_start3A_197 = tpu.memref_slice %arg4[%add3A_195] : memref<327680xi32, #tpu.memory_space<hbm>> -> memref<64xi32, #tpu.memory_space<hbm>>
          tpu.enqueue_dma source(%dma_start3A_197 : memref<64xi32, #tpu.memory_space<hbm>>) target(%arg7 : memref<64xi32, #tpu.memory_space<vmem>>) target_semaphore(%arg18 : memref<!tpu.dma_semaphore, #tpu.memory_space<semaphore_mem>>)
        } else {
        }
      } else {
      }
      %add3A_150 = arith.constant 1 : i32
      %add3A_151 = arith.addi %mul3A_105, %add3A_150 : i32
      %dma_wait3A_152 = arith.constant 0 : i32
      %dma_wait3A_153 = arith.constant 0 : i32
      %dma_wait3A_154 = tpu.memref_slice %arg2[%dma_wait3A_152, %dma_wait3A_153] : memref<10000x128xf32, #tpu.memory_space<hbm>> -> memref<10000x128xf32, #tpu.memory_space<hbm>>
      tpu.wait_indirect_dma semaphore(%arg22 : memref<!tpu.dma_semaphore, #tpu.memory_space<semaphore_mem>>) src(%dma_wait3A_154 : memref<10000x128xf32, #tpu.memory_space<hbm>>) dst(%arg15 : memref<64x128xf32, #tpu.memory_space<vmem>>)
      %mul3A_155 = arith.constant 64 : i32
      %mul3A_156 = arith.muli %add3A_151, %mul3A_155 : i32
      %add3A_157 = arith.addi %mul3A_38, %mul3A_156 : i32
      %dma_wait3A_158 = arith.constant 0 : i32
      %dma_wait3A_159 = tpu.memref_slice %arg3[%add3A_157, %dma_wait3A_158] : memref<327680x128xf32, #tpu.memory_space<hbm>> -> memref<64x128xf32, #tpu.memory_space<hbm>>
      %dma_wait3A_160 = arith.constant 0 : i32
      %dma_wait3A_161 = tpu.memref_slice %arg3[%add3A_157, %dma_wait3A_160] : memref<327680x128xf32, #tpu.memory_space<hbm>> -> memref<64x128xf32, #tpu.memory_space<hbm>>
      tpu.wait_dma2 semaphore(%arg23 : memref<!tpu.dma_semaphore, #tpu.memory_space<semaphore_mem>>) src(%dma_wait3A_161 : memref<64x128xf32, #tpu.memory_space<hbm>>) dst(%arg16 : memref<64x128xf32, #tpu.memory_space<vmem>>)
      %parallel_loop3A_162 = arith.constant 0 : i32
      %parallel_loop3A_163 = arith.constant 64 : i32
      %parallel_loop3A_164 = arith.constant 1 : i32
      scf.for %parallel_loop3A_165 = %parallel_loop3A_162 to %parallel_loop3A_163 step %parallel_loop3A_164  : i32 {
        %parallel_loop3A_166 = arith.index_cast %parallel_loop3A_165 : i32 to index
        %parallel_loop3A_167 = arith.constant 0 : index
        %parallel_loop3A_168 = tpu.vector_load %arg15[%parallel_loop3A_166, %parallel_loop3A_167] {strides = array<i32>} : memref<64x128xf32, #tpu.memory_space<vmem>>, vector<1x16xf32>,
        %parallel_loop3A_169 = vector.shape_cast %parallel_loop3A_168 : vector<1x16xf32> to vector<16xf32>
        %parallel_loop3A_170 = arith.index_cast %parallel_loop3A_165 : i32 to index
        %parallel_loop3A_171 = arith.constant 0 : index
        %parallel_loop3A_172 = tpu.vector_load %arg16[%parallel_loop3A_170, %parallel_loop3A_171] {strides = array<i32>} : memref<64x128xf32, #tpu.memory_space<vmem>>, vector<1x16xf32>,
        %parallel_loop3A_173 = vector.shape_cast %parallel_loop3A_172 : vector<1x16xf32> to vector<16xf32>
        %parallel_loop3A_174 = arith.addf %parallel_loop3A_169, %parallel_loop3A_173 : vector<16xf32>
        %parallel_loop3A_175 = arith.constant 0.000000e+00 : f32
        %parallel_loop3A_176 = vector.broadcast %parallel_loop3A_175 : f32 to vector<16xf32>
        %parallel_loop3A_177 = arith.maximumf %parallel_loop3A_174, %parallel_loop3A_176 : vector<16xf32>
        %parallel_loop3A_178 = arith.index_cast %parallel_loop3A_165 : i32 to index
        %parallel_loop3A_179 = arith.constant 0 : index
        %parallel_loop3A_180 = tpu.vector_load %arg15[%parallel_loop3A_178, %parallel_loop3A_179] {strides = array<i32>} : memref<64x128xf32, #tpu.memory_space<vmem>>, vector<1x16xf32>,
        %parallel_loop3A_181 = vector.shape_cast %parallel_loop3A_180 : vector<1x16xf32> to vector<16xf32>
        %parallel_loop3A_182 = vector.shape_cast %parallel_loop3A_177 : vector<16xf32> to vector<1x16xf32>
        tpu.vector_store %arg15[%parallel_loop3A_178, %parallel_loop3A_179], %parallel_loop3A_182 {strides = array<i32>} : memref<64x128xf32, #tpu.memory_space<vmem>>, vector<1x16xf32>,
        %parallel_loop3A_183 = arith.index_cast %parallel_loop3A_165 : i32 to index
        %parallel_loop3A_184 = arith.constant 16 : index
        %parallel_loop3A_185 = tpu.vector_load %arg15[%parallel_loop3A_183, %parallel_loop3A_184] {strides = array<i32>} : memref<64x128xf32, #tpu.memory_space<vmem>>, vector<1x16xf32>,
        %parallel_loop3A_186 = vector.shape_cast %parallel_loop3A_185 : vector<1x16xf32> to vector<16xf32>
        %parallel_loop3A_187 = arith.index_cast %parallel_loop3A_165 : i32 to index
        %parallel_loop3A_188 = arith.constant 16 : index
        %parallel_loop3A_189 = tpu.vector_load %arg16[%parallel_loop3A_187, %parallel_loop3A_188] {strides = array<i32>} : memref<64x128xf32, #tpu.memory_space<vmem>>, vector<1x16xf32>,
        %parallel_loop3A_190 = vector.shape_cast %parallel_loop3A_189 : vector<1x16xf32> to vector<16xf32>
        %parallel_loop3A_191 = arith.addf %parallel_loop3A_186, %parallel_loop3A_190 : vector<16xf32>
        %parallel_loop3A_192 = arith.constant 0.000000e+00 : f32
        %parallel_loop3A_193 = vector.broadcast %parallel_loop3A_192 : f32 to vector<16xf32>
        %parallel_loop3A_194 = arith.maximumf %parallel_loop3A_191, %parallel_loop3A_193 : vector<16xf32>
        %parallel_loop3A_195 = arith.index_cast %parallel_loop3A_165 : i32 to index
        %parallel_loop3A_196 = arith.constant 16 : index
        %parallel_loop3A_197 = tpu.vector_load %arg15[%parallel_loop3A_195, %parallel_loop3A_196] {strides = array<i32>} : memref<64x128xf32, #tpu.memory_space<vmem>>, vector<1x16xf32>,
        %parallel_loop3A_198 = vector.shape_cast %parallel_loop3A_197 : vector<1x16xf32> to vector<16xf32>
        %parallel_loop3A_199 = vector.shape_cast %parallel_loop3A_194 : vector<16xf32> to vector<1x16xf32>
        tpu.vector_store %arg15[%parallel_loop3A_195, %parallel_loop3A_196], %parallel_loop3A_199 {strides = array<i32>} : memref<64x128xf32, #tpu.memory_space<vmem>>, vector<1x16xf32>,
        %parallel_loop3A_200 = arith.index_cast %parallel_loop3A_165 : i32 to index
        %parallel_loop3A_201 = arith.constant 32 : index
        %parallel_loop3A_202 = tpu.vector_load %arg15[%parallel_loop3A_200, %parallel_loop3A_201] {strides = array<i32>} : memref<64x128xf32, #tpu.memory_space<vmem>>, vector<1x16xf32>,
        %parallel_loop3A_203 = vector.shape_cast %parallel_loop3A_202 : vector<1x16xf32> to vector<16xf32>
        %parallel_loop3A_204 = arith.index_cast %parallel_loop3A_165 : i32 to index
        %parallel_loop3A_205 = arith.constant 32 : index
        %parallel_loop3A_206 = tpu.vector_load %arg16[%parallel_loop3A_204, %parallel_loop3A_205] {strides = array<i32>} : memref<64x128xf32, #tpu.memory_space<vmem>>, vector<1x16xf32>,
        %parallel_loop3A_207 = vector.shape_cast %parallel_loop3A_206 : vector<1x16xf32> to vector<16xf32>
        %parallel_loop3A_208 = arith.addf %parallel_loop3A_203, %parallel_loop3A_207 : vector<16xf32>
        %parallel_loop3A_209 = arith.constant 0.000000e+00 : f32
        %parallel_loop3A_210 = vector.broadcast %parallel_loop3A_209 : f32 to vector<16xf32>
        %parallel_loop3A_211 = arith.maximumf %parallel_loop3A_208, %parallel_loop3A_210 : vector<16xf32>
        %parallel_loop3A_212 = arith.index_cast %parallel_loop3A_165 : i32 to index
        %parallel_loop3A_213 = arith.constant 32 : index
        %parallel_loop3A_214 = tpu.vector_load %arg15[%parallel_loop3A_212, %parallel_loop3A_213] {strides = array<i32>} : memref<64x128xf32, #tpu.memory_space<vmem>>, vector<1x16xf32>,
        %parallel_loop3A_215 = vector.shape_cast %parallel_loop3A_214 : vector<1x16xf32> to vector<16xf32>
        %parallel_loop3A_216 = vector.shape_cast %parallel_loop3A_211 : vector<16xf32> to vector<1x16xf32>
        tpu.vector_store %arg15[%parallel_loop3A_212, %parallel_loop3A_213], %parallel_loop3A_216 {strides = array<i32>} : memref<64x128xf32, #tpu.memory_space<vmem>>, vector<1x16xf32>,
        %parallel_loop3A_217 = arith.index_cast %parallel_loop3A_165 : i32 to index
        %parallel_loop3A_218 = arith.constant 48 : index
        %parallel_loop3A_219 = tpu.vector_load %arg15[%parallel_loop3A_217, %parallel_loop3A_218] {strides = array<i32>} : memref<64x128xf32, #tpu.memory_space<vmem>>, vector<1x16xf32>,
        %parallel_loop3A_220 = vector.shape_cast %parallel_loop3A_219 : vector<1x16xf32> to vector<16xf32>
        %parallel_loop3A_221 = arith.index_cast %parallel_loop3A_165 : i32 to index
        %parallel_loop3A_222 = arith.constant 48 : index
        %parallel_loop3A_223 = tpu.vector_load %arg16[%parallel_loop3A_221, %parallel_loop3A_222] {strides = array<i32>} : memref<64x128xf32, #tpu.memory_space<vmem>>, vector<1x16xf32>,
        %parallel_loop3A_224 = vector.shape_cast %parallel_loop3A_223 : vector<1x16xf32> to vector<16xf32>
        %parallel_loop3A_225 = arith.addf %parallel_loop3A_220, %parallel_loop3A_224 : vector<16xf32>
        %parallel_loop3A_226 = arith.constant 0.000000e+00 : f32
        %parallel_loop3A_227 = vector.broadcast %parallel_loop3A_226 : f32 to vector<16xf32>
        %parallel_loop3A_228 = arith.maximumf %parallel_loop3A_225, %parallel_loop3A_227 : vector<16xf32>
        %parallel_loop3A_229 = arith.index_cast %parallel_loop3A_165 : i32 to index
        %parallel_loop3A_230 = arith.constant 48 : index
        %parallel_loop3A_231 = tpu.vector_load %arg15[%parallel_loop3A_229, %parallel_loop3A_230] {strides = array<i32>} : memref<64x128xf32, #tpu.memory_space<vmem>>, vector<1x16xf32>,
        %parallel_loop3A_232 = vector.shape_cast %parallel_loop3A_231 : vector<1x16xf32> to vector<16xf32>
        %parallel_loop3A_233 = vector.shape_cast %parallel_loop3A_228 : vector<16xf32> to vector<1x16xf32>
        tpu.vector_store %arg15[%parallel_loop3A_229, %parallel_loop3A_230], %parallel_loop3A_233 {strides = array<i32>} : memref<64x128xf32, #tpu.memory_space<vmem>>, vector<1x16xf32>,
        %parallel_loop3A_234 = arith.index_cast %parallel_loop3A_165 : i32 to index
        %parallel_loop3A_235 = arith.constant 64 : index
        %parallel_loop3A_236 = tpu.vector_load %arg15[%parallel_loop3A_234, %parallel_loop3A_235] {strides = array<i32>} : memref<64x128xf32, #tpu.memory_space<vmem>>, vector<1x16xf32>,
        %parallel_loop3A_237 = vector.shape_cast %parallel_loop3A_236 : vector<1x16xf32> to vector<16xf32>
        %parallel_loop3A_238 = arith.index_cast %parallel_loop3A_165 : i32 to index
        %parallel_loop3A_239 = arith.constant 64 : index
        %parallel_loop3A_240 = tpu.vector_load %arg16[%parallel_loop3A_238, %parallel_loop3A_239] {strides = array<i32>} : memref<64x128xf32, #tpu.memory_space<vmem>>, vector<1x16xf32>,
        %parallel_loop3A_241 = vector.shape_cast %parallel_loop3A_240 : vector<1x16xf32> to vector<16xf32>
        %parallel_loop3A_242 = arith.addf %parallel_loop3A_237, %parallel_loop3A_241 : vector<16xf32>
        %parallel_loop3A_243 = arith.constant 0.000000e+00 : f32
        %parallel_loop3A_244 = vector.broadcast %parallel_loop3A_243 : f32 to vector<16xf32>
        %parallel_loop3A_245 = arith.maximumf %parallel_loop3A_242, %parallel_loop3A_244 : vector<16xf32>
        %parallel_loop3A_246 = arith.index_cast %parallel_loop3A_165 : i32 to index
        %parallel_loop3A_247 = arith.constant 64 : index
        %parallel_loop3A_248 = tpu.vector_load %arg15[%parallel_loop3A_246, %parallel_loop3A_247] {strides = array<i32>} : memref<64x128xf32, #tpu.memory_space<vmem>>, vector<1x16xf32>,
        %parallel_loop3A_249 = vector.shape_cast %parallel_loop3A_248 : vector<1x16xf32> to vector<16xf32>
        %parallel_loop3A_250 = vector.shape_cast %parallel_loop3A_245 : vector<16xf32> to vector<1x16xf32>
        tpu.vector_store %arg15[%parallel_loop3A_246, %parallel_loop3A_247], %parallel_loop3A_250 {strides = array<i32>} : memref<64x128xf32, #tpu.memory_space<vmem>>, vector<1x16xf32>,
        %parallel_loop3A_251 = arith.index_cast %parallel_loop3A_165 : i32 to index
        %parallel_loop3A_252 = arith.constant 80 : index
        %parallel_loop3A_253 = tpu.vector_load %arg15[%parallel_loop3A_251, %parallel_loop3A_252] {strides = array<i32>} : memref<64x128xf32, #tpu.memory_space<vmem>>, vector<1x16xf32>,
        %parallel_loop3A_254 = vector.shape_cast %parallel_loop3A_253 : vector<1x16xf32> to vector<16xf32>
        %parallel_loop3A_255 = arith.index_cast %parallel_loop3A_165 : i32 to index
        %parallel_loop3A_256 = arith.constant 80 : index
        %parallel_loop3A_257 = tpu.vector_load %arg16[%parallel_loop3A_255, %parallel_loop3A_256] {strides = array<i32>} : memref<64x128xf32, #tpu.memory_space<vmem>>, vector<1x16xf32>,
        %parallel_loop3A_258 = vector.shape_cast %parallel_loop3A_257 : vector<1x16xf32> to vector<16xf32>
        %parallel_loop3A_259 = arith.addf %parallel_loop3A_254, %parallel_loop3A_258 : vector<16xf32>
        %parallel_loop3A_260 = arith.constant 0.000000e+00 : f32
        %parallel_loop3A_261 = vector.broadcast %parallel_loop3A_260 : f32 to vector<16xf32>
        %parallel_loop3A_262 = arith.maximumf %parallel_loop3A_259, %parallel_loop3A_261 : vector<16xf32>
        %parallel_loop3A_263 = arith.index_cast %parallel_loop3A_165 : i32 to index
        %parallel_loop3A_264 = arith.constant 80 : index
        %parallel_loop3A_265 = tpu.vector_load %arg15[%parallel_loop3A_263, %parallel_loop3A_264] {strides = array<i32>} : memref<64x128xf32, #tpu.memory_space<vmem>>, vector<1x16xf32>,
        %parallel_loop3A_266 = vector.shape_cast %parallel_loop3A_265 : vector<1x16xf32> to vector<16xf32>
        %parallel_loop3A_267 = vector.shape_cast %parallel_loop3A_262 : vector<16xf32> to vector<1x16xf32>
        tpu.vector_store %arg15[%parallel_loop3A_263, %parallel_loop3A_264], %parallel_loop3A_267 {strides = array<i32>} : memref<64x128xf32, #tpu.memory_space<vmem>>, vector<1x16xf32>,
        %parallel_loop3A_268 = arith.index_cast %parallel_loop3A_165 : i32 to index
        %parallel_loop3A_269 = arith.constant 96 : index
        %parallel_loop3A_270 = tpu.vector_load %arg15[%parallel_loop3A_268, %parallel_loop3A_269] {strides = array<i32>} : memref<64x128xf32, #tpu.memory_space<vmem>>, vector<1x16xf32>,
        %parallel_loop3A_271 = vector.shape_cast %parallel_loop3A_270 : vector<1x16xf32> to vector<16xf32>
        %parallel_loop3A_272 = arith.index_cast %parallel_loop3A_165 : i32 to index
        %parallel_loop3A_273 = arith.constant 96 : index
        %parallel_loop3A_274 = tpu.vector_load %arg16[%parallel_loop3A_272, %parallel_loop3A_273] {strides = array<i32>} : memref<64x128xf32, #tpu.memory_space<vmem>>, vector<1x16xf32>,
        %parallel_loop3A_275 = vector.shape_cast %parallel_loop3A_274 : vector<1x16xf32> to vector<16xf32>
        %parallel_loop3A_276 = arith.addf %parallel_loop3A_271, %parallel_loop3A_275 : vector<16xf32>
        %parallel_loop3A_277 = arith.constant 0.000000e+00 : f32
        %parallel_loop3A_278 = vector.broadcast %parallel_loop3A_277 : f32 to vector<16xf32>
        %parallel_loop3A_279 = arith.maximumf %parallel_loop3A_276, %parallel_loop3A_278 : vector<16xf32>
        %parallel_loop3A_280 = arith.index_cast %parallel_loop3A_165 : i32 to index
        %parallel_loop3A_281 = arith.constant 96 : index
        %parallel_loop3A_282 = tpu.vector_load %arg15[%parallel_loop3A_280, %parallel_loop3A_281] {strides = array<i32>} : memref<64x128xf32, #tpu.memory_space<vmem>>, vector<1x16xf32>,
        %parallel_loop3A_283 = vector.shape_cast %parallel_loop3A_282 : vector<1x16xf32> to vector<16xf32>
        %parallel_loop3A_284 = vector.shape_cast %parallel_loop3A_279 : vector<16xf32> to vector<1x16xf32>
        tpu.vector_store %arg15[%parallel_loop3A_280, %parallel_loop3A_281], %parallel_loop3A_284 {strides = array<i32>} : memref<64x128xf32, #tpu.memory_space<vmem>>, vector<1x16xf32>,
        %parallel_loop3A_285 = arith.index_cast %parallel_loop3A_165 : i32 to index
        %parallel_loop3A_286 = arith.constant 112 : index
        %parallel_loop3A_287 = tpu.vector_load %arg15[%parallel_loop3A_285, %parallel_loop3A_286] {strides = array<i32>} : memref<64x128xf32, #tpu.memory_space<vmem>>, vector<1x16xf32>,
        %parallel_loop3A_288 = vector.shape_cast %parallel_loop3A_287 : vector<1x16xf32> to vector<16xf32>
        %parallel_loop3A_289 = arith.index_cast %parallel_loop3A_165 : i32 to index
        %parallel_loop3A_290 = arith.constant 112 : index
        %parallel_loop3A_291 = tpu.vector_load %arg16[%parallel_loop3A_289, %parallel_loop3A_290] {strides = array<i32>} : memref<64x128xf32, #tpu.memory_space<vmem>>, vector<1x16xf32>,
        %parallel_loop3A_292 = vector.shape_cast %parallel_loop3A_291 : vector<1x16xf32> to vector<16xf32>
        %parallel_loop3A_293 = arith.addf %parallel_loop3A_288, %parallel_loop3A_292 : vector<16xf32>
        %parallel_loop3A_294 = arith.constant 0.000000e+00 : f32
        %parallel_loop3A_295 = vector.broadcast %parallel_loop3A_294 : f32 to vector<16xf32>
        %parallel_loop3A_296 = arith.maximumf %parallel_loop3A_293, %parallel_loop3A_295 : vector<16xf32>
        %parallel_loop3A_297 = arith.index_cast %parallel_loop3A_165 : i32 to index
        %parallel_loop3A_298 = arith.constant 112 : index
        %parallel_loop3A_299 = tpu.vector_load %arg15[%parallel_loop3A_297, %parallel_loop3A_298] {strides = array<i32>} : memref<64x128xf32, #tpu.memory_space<vmem>>, vector<1x16xf32>,
        %parallel_loop3A_300 = vector.shape_cast %parallel_loop3A_299 : vector<1x16xf32> to vector<16xf32>
        %parallel_loop3A_301 = vector.shape_cast %parallel_loop3A_296 : vector<16xf32> to vector<1x16xf32>
        tpu.vector_store %arg15[%parallel_loop3A_297, %parallel_loop3A_298], %parallel_loop3A_301 {strides = array<i32>} : memref<64x128xf32, #tpu.memory_space<vmem>>, vector<1x16xf32>,
      } {sc.loop_unroll_factor = 2 : i64, sc.parallel_access}
      "tpu.region"() ({
        %run_scoped3A = tpu.sem_alloc : memref<!tpu.dma_semaphore, #tpu.memory_space<semaphore_mem>>
        %dma_start3A_165 = arith.constant 0 : i32
        %dma_start3A_166 = arith.constant 0 : i32
        %dma_start3A_167 = tpu.memref_slice %arg17[%dma_start3A_165, %dma_start3A_166] : memref<10240x128xf32, #tpu.memory_space<vmem_shared>> -> memref<10240x128xf32, #tpu.memory_space<vmem_shared>>
        tpu.enqueue_indirect_dma source(%arg15 : memref<64x128xf32, #tpu.memory_space<vmem>>) target(%dma_start3A_167 : memref<10240x128xf32, #tpu.memory_space<vmem_shared>>) offsets(%arg12 : memref<64xi32, #tpu.memory_space<vmem>>) semaphore(%run_scoped3A : memref<!tpu.dma_semaphore, #tpu.memory_space<semaphore_mem>>) {add = true}
        %dma_wait3A_168 = arith.constant 0 : i32
        %dma_wait3A_169 = arith.constant 0 : i32
        %dma_wait3A_170 = tpu.memref_slice %arg17[%dma_wait3A_168, %dma_wait3A_169] : memref<10240x128xf32, #tpu.memory_space<vmem_shared>> -> memref<10240x128xf32, #tpu.memory_space<vmem_shared>>
        tpu.wait_indirect_dma semaphore(%run_scoped3A : memref<!tpu.dma_semaphore, #tpu.memory_space<semaphore_mem>>) src(%arg15 : memref<64x128xf32, #tpu.memory_space<vmem>>) dst(%dma_wait3A_170 : memref<10240x128xf32, #tpu.memory_space<vmem_shared>>)
        tpu.yield
      }) : () -> ()
    }
    %while3A_89 = arith.constant 1 : i32
    scf.for %while3A_103 = %while3A_87 to %while3A_83 step %while3A_89  : i32 {
      %mul3A_104 = arith.constant 2 : i32
      %mul3A_105 = arith.muli %mul3A_104, %while3A_103 : i32
      %add3A_106 = arith.constant 1 : i32
      %add3A_107 = arith.addi %mul3A_105, %add3A_106 : i32
      %mul3A_108 = arith.constant 64 : i32
      %mul3A_109 = arith.muli %add3A_107, %mul3A_108 : i32
      %add3A_110 = arith.addi %mul3A_38, %mul3A_109 : i32
      %dma_wait3A_111 = tpu.memref_slice %arg4[%add3A_110] : memref<327680xi32, #tpu.memory_space<hbm>> -> memref<64xi32, #tpu.memory_space<hbm>>
      %dma_wait3A_112 = tpu.memref_slice %arg4[%add3A_110] : memref<327680xi32, #tpu.memory_space<hbm>> -> memref<64xi32, #tpu.memory_space<hbm>>
      tpu.wait_dma2 semaphore(%arg19 : memref<!tpu.dma_semaphore, #tpu.memory_space<semaphore_mem>>) src(%dma_wait3A_112 : memref<64xi32, #tpu.memory_space<hbm>>) dst(%arg8 : memref<64xi32, #tpu.memory_space<vmem>>)
      %parallel_loop3A_113 = arith.constant 0 : i32
      %parallel_loop3A_114 = arith.constant 4 : i32
      %parallel_loop3A_115 = arith.constant 1 : i32
      scf.for %parallel_loop3A_165 = %parallel_loop3A_113 to %parallel_loop3A_114 step %parallel_loop3A_115  : i32 {
        %parallel_loop3A_166 = arith.constant 16 : i32
        %parallel_loop3A_167 = arith.muli %parallel_loop3A_165, %parallel_loop3A_166 : i32
        %parallel_loop3A_168 = arith.index_cast %parallel_loop3A_167 : i32 to index
        %parallel_loop3A_169 = tpu.vector_load %arg8[%parallel_loop3A_168] {strides = array<i32>} : memref<64xi32, #tpu.memory_space<vmem>>, vector<16xi32>,
        %parallel_loop3A_170 = vector.shape_cast %parallel_loop3A_169 : vector<16xi32> to vector<16xi32>
        %parallel_loop3A_171 = arith.constant 65535 : i32
        %parallel_loop3A_172 = vector.broadcast %parallel_loop3A_171 : i32 to vector<16xi32>
        %parallel_loop3A_173 = arith.andi %parallel_loop3A_170, %parallel_loop3A_172 : vector<16xi32>
        %parallel_loop3A_174 = arith.index_cast %parallel_loop3A_167 : i32 to index
        %parallel_loop3A_175 = tpu.vector_load %arg11[%parallel_loop3A_174] {strides = array<i32>} : memref<64xi32, #tpu.memory_space<vmem>>, vector<16xi32>,
        %parallel_loop3A_176 = vector.shape_cast %parallel_loop3A_175 : vector<16xi32> to vector<16xi32>
        %parallel_loop3A_177 = vector.shape_cast %parallel_loop3A_173 : vector<16xi32> to vector<16xi32>
        tpu.vector_store %arg11[%parallel_loop3A_174], %parallel_loop3A_177 {strides = array<i32>} : memref<64xi32, #tpu.memory_space<vmem>>, vector<16xi32>,
        %parallel_loop3A_178 = arith.constant 16 : i32
        %parallel_loop3A_179 = vector.broadcast %parallel_loop3A_178 : i32 to vector<16xi32>
        %parallel_loop3A_180 = arith.shrui %parallel_loop3A_170, %parallel_loop3A_179 : vector<16xi32>
        %parallel_loop3A_181 = arith.index_cast %parallel_loop3A_167 : i32 to index
        %parallel_loop3A_182 = tpu.vector_load %arg12[%parallel_loop3A_181] {strides = array<i32>} : memref<64xi32, #tpu.memory_space<vmem>>, vector<16xi32>,
        %parallel_loop3A_183 = vector.shape_cast %parallel_loop3A_182 : vector<16xi32> to vector<16xi32>
        %parallel_loop3A_184 = vector.shape_cast %parallel_loop3A_180 : vector<16xi32> to vector<16xi32>
        tpu.vector_store %arg12[%parallel_loop3A_181], %parallel_loop3A_184 {strides = array<i32>} : memref<64xi32, #tpu.memory_space<vmem>>, vector<16xi32>,
      } {sc.loop_unroll_factor = 1 : i64, sc.parallel_access}
      %dma_start3A_116 = arith.constant 0 : i32
      %dma_start3A_117 = arith.constant 0 : i32
      %dma_start3A_118 = tpu.memref_slice %arg2[%dma_start3A_116, %dma_start3A_117] : memref<10000x128xf32, #tpu.memory_space<hbm>> -> memref<10000x128xf32, #tpu.memory_space<hbm>>
      tpu.enqueue_indirect_dma source(%dma_start3A_118 : memref<10000x128xf32, #tpu.memory_space<hbm>>) target(%arg15 : memref<64x128xf32, #tpu.memory_space<vmem>>) offsets(%arg11 : memref<64xi32, #tpu.memory_space<vmem>>) semaphore(%arg22 : memref<!tpu.dma_semaphore, #tpu.memory_space<semaphore_mem>>)
      %mul3A_119 = arith.constant 64 : i32
      %mul3A_120 = arith.muli %add3A_107, %mul3A_119 : i32
      %add3A_121 = arith.addi %mul3A_38, %mul3A_120 : i32
      %dma_start3A_122 = arith.constant 0 : i32
      %dma_start3A_123 = tpu.memref_slice %arg3[%add3A_121, %dma_start3A_122] : memref<327680x128xf32, #tpu.memory_space<hbm>> -> memref<64x128xf32, #tpu.memory_space<hbm>>
      %dma_start3A_124 = arith.constant 0 : i32
      %dma_start3A_125 = tpu.memref_slice %arg3[%add3A_121, %dma_start3A_124] : memref<327680x128xf32, #tpu.memory_space<hbm>> -> memref<64x128xf32, #tpu.memory_space<hbm>>
      tpu.enqueue_dma source(%dma_start3A_125 : memref<64x128xf32, #tpu.memory_space<hbm>>) target(%arg16 : memref<64x128xf32, #tpu.memory_space<vmem>>) target_semaphore(%arg23 : memref<!tpu.dma_semaphore, #tpu.memory_space<semaphore_mem>>)
      %add3A_126 = arith.constant 2 : i32
      %add3A_127 = arith.addi %add3A_107, %add3A_126 : i32
      %lt3A = arith.cmpi slt, %add3A_127, %select_n3A : i32
      %convert_element_type3A_128 = arith.extui %lt3A : i1 to i32
      %cond3A_129 = arith.constant 0 : i32
      %cond3A_130 = arith.cmpi ne, %convert_element_type3A_128, %cond3A_129 : i32
      scf.if %cond3A_130 {
        %add3A_165 = arith.constant 2 : i32
        %add3A_166 = arith.addi %add3A_107, %add3A_165 : i32
        %mul3A_167 = arith.constant 64 : i32
        %mul3A_168 = arith.muli %add3A_166, %mul3A_167 : i32
        %add3A_169 = arith.addi %mul3A_38, %mul3A_168 : i32
        %dma_start3A_170 = tpu.memref_slice %arg4[%add3A_169] : memref<327680xi32, #tpu.memory_space<hbm>> -> memref<64xi32, #tpu.memory_space<hbm>>
        %dma_start3A_171 = tpu.memref_slice %arg4[%add3A_169] : memref<327680xi32, #tpu.memory_space<hbm>> -> memref<64xi32, #tpu.memory_space<hbm>>
        tpu.enqueue_dma source(%dma_start3A_171 : memref<64xi32, #tpu.memory_space<hbm>>) target(%arg8 : memref<64xi32, #tpu.memory_space<vmem>>) target_semaphore(%arg19 : memref<!tpu.dma_semaphore, #tpu.memory_space<semaphore_mem>>)
      } else {
      }
      %dma_wait3A_131 = arith.constant 0 : i32
      %dma_wait3A_132 = arith.constant 0 : i32
      %dma_wait3A_133 = tpu.memref_slice %arg2[%dma_wait3A_131, %dma_wait3A_132] : memref<10000x128xf32, #tpu.memory_space<hbm>> -> memref<10000x128xf32, #tpu.memory_space<hbm>>
      tpu.wait_indirect_dma semaphore(%arg20 : memref<!tpu.dma_semaphore, #tpu.memory_space<semaphore_mem>>) src(%dma_wait3A_133 : memref<10000x128xf32, #tpu.memory_space<hbm>>) dst(%arg13 : memref<64x128xf32, #tpu.memory_space<vmem>>)
      %mul3A_134 = arith.constant 64 : i32
      %mul3A_135 = arith.muli %mul3A_105, %mul3A_134 : i32
      %add3A_136 = arith.addi %mul3A_38, %mul3A_135 : i32
      %dma_wait3A_137 = arith.constant 0 : i32
      %dma_wait3A_138 = tpu.memref_slice %arg3[%add3A_136, %dma_wait3A_137] : memref<327680x128xf32, #tpu.memory_space<hbm>> -> memref<64x128xf32, #tpu.memory_space<hbm>>
      %dma_wait3A_139 = arith.constant 0 : i32
      %dma_wait3A_140 = tpu.memref_slice %arg3[%add3A_136, %dma_wait3A_139] : memref<327680x128xf32, #tpu.memory_space<hbm>> -> memref<64x128xf32, #tpu.memory_space<hbm>>
      tpu.wait_dma2 semaphore(%arg21 : memref<!tpu.dma_semaphore, #tpu.memory_space<semaphore_mem>>) src(%dma_wait3A_140 : memref<64x128xf32, #tpu.memory_space<hbm>>) dst(%arg14 : memref<64x128xf32, #tpu.memory_space<vmem>>)
      %parallel_loop3A_141 = arith.constant 0 : i32
      %parallel_loop3A_142 = arith.constant 64 : i32
      %parallel_loop3A_143 = arith.constant 1 : i32
      scf.for %parallel_loop3A_165 = %parallel_loop3A_141 to %parallel_loop3A_142 step %parallel_loop3A_143  : i32 {
        %parallel_loop3A_166 = arith.index_cast %parallel_loop3A_165 : i32 to index
        %parallel_loop3A_167 = arith.constant 0 : index
        %parallel_loop3A_168 = tpu.vector_load %arg13[%parallel_loop3A_166, %parallel_loop3A_167] {strides = array<i32>} : memref<64x128xf32, #tpu.memory_space<vmem>>, vector<1x16xf32>,
        %parallel_loop3A_169 = vector.shape_cast %parallel_loop3A_168 : vector<1x16xf32> to vector<16xf32>
        %parallel_loop3A_170 = arith.index_cast %parallel_loop3A_165 : i32 to index
        %parallel_loop3A_171 = arith.constant 0 : index
        %parallel_loop3A_172 = tpu.vector_load %arg14[%parallel_loop3A_170, %parallel_loop3A_171] {strides = array<i32>} : memref<64x128xf32, #tpu.memory_space<vmem>>, vector<1x16xf32>,
        %parallel_loop3A_173 = vector.shape_cast %parallel_loop3A_172 : vector<1x16xf32> to vector<16xf32>
        %parallel_loop3A_174 = arith.addf %parallel_loop3A_169, %parallel_loop3A_173 : vector<16xf32>
        %parallel_loop3A_175 = arith.constant 0.000000e+00 : f32
        %parallel_loop3A_176 = vector.broadcast %parallel_loop3A_175 : f32 to vector<16xf32>
        %parallel_loop3A_177 = arith.maximumf %parallel_loop3A_174, %parallel_loop3A_176 : vector<16xf32>
        %parallel_loop3A_178 = arith.index_cast %parallel_loop3A_165 : i32 to index
        %parallel_loop3A_179 = arith.constant 0 : index
        %parallel_loop3A_180 = tpu.vector_load %arg13[%parallel_loop3A_178, %parallel_loop3A_179] {strides = array<i32>} : memref<64x128xf32, #tpu.memory_space<vmem>>, vector<1x16xf32>,
        %parallel_loop3A_181 = vector.shape_cast %parallel_loop3A_180 : vector<1x16xf32> to vector<16xf32>
        %parallel_loop3A_182 = vector.shape_cast %parallel_loop3A_177 : vector<16xf32> to vector<1x16xf32>
        tpu.vector_store %arg13[%parallel_loop3A_178, %parallel_loop3A_179], %parallel_loop3A_182 {strides = array<i32>} : memref<64x128xf32, #tpu.memory_space<vmem>>, vector<1x16xf32>,
        %parallel_loop3A_183 = arith.index_cast %parallel_loop3A_165 : i32 to index
        %parallel_loop3A_184 = arith.constant 16 : index
        %parallel_loop3A_185 = tpu.vector_load %arg13[%parallel_loop3A_183, %parallel_loop3A_184] {strides = array<i32>} : memref<64x128xf32, #tpu.memory_space<vmem>>, vector<1x16xf32>,
        %parallel_loop3A_186 = vector.shape_cast %parallel_loop3A_185 : vector<1x16xf32> to vector<16xf32>
        %parallel_loop3A_187 = arith.index_cast %parallel_loop3A_165 : i32 to index
        %parallel_loop3A_188 = arith.constant 16 : index
        %parallel_loop3A_189 = tpu.vector_load %arg14[%parallel_loop3A_187, %parallel_loop3A_188] {strides = array<i32>} : memref<64x128xf32, #tpu.memory_space<vmem>>, vector<1x16xf32>,
        %parallel_loop3A_190 = vector.shape_cast %parallel_loop3A_189 : vector<1x16xf32> to vector<16xf32>
        %parallel_loop3A_191 = arith.addf %parallel_loop3A_186, %parallel_loop3A_190 : vector<16xf32>
        %parallel_loop3A_192 = arith.constant 0.000000e+00 : f32
        %parallel_loop3A_193 = vector.broadcast %parallel_loop3A_192 : f32 to vector<16xf32>
        %parallel_loop3A_194 = arith.maximumf %parallel_loop3A_191, %parallel_loop3A_193 : vector<16xf32>
        %parallel_loop3A_195 = arith.index_cast %parallel_loop3A_165 : i32 to index
        %parallel_loop3A_196 = arith.constant 16 : index
        %parallel_loop3A_197 = tpu.vector_load %arg13[%parallel_loop3A_195, %parallel_loop3A_196] {strides = array<i32>} : memref<64x128xf32, #tpu.memory_space<vmem>>, vector<1x16xf32>,
        %parallel_loop3A_198 = vector.shape_cast %parallel_loop3A_197 : vector<1x16xf32> to vector<16xf32>
        %parallel_loop3A_199 = vector.shape_cast %parallel_loop3A_194 : vector<16xf32> to vector<1x16xf32>
        tpu.vector_store %arg13[%parallel_loop3A_195, %parallel_loop3A_196], %parallel_loop3A_199 {strides = array<i32>} : memref<64x128xf32, #tpu.memory_space<vmem>>, vector<1x16xf32>,
        %parallel_loop3A_200 = arith.index_cast %parallel_loop3A_165 : i32 to index
        %parallel_loop3A_201 = arith.constant 32 : index
        %parallel_loop3A_202 = tpu.vector_load %arg13[%parallel_loop3A_200, %parallel_loop3A_201] {strides = array<i32>} : memref<64x128xf32, #tpu.memory_space<vmem>>, vector<1x16xf32>,
        %parallel_loop3A_203 = vector.shape_cast %parallel_loop3A_202 : vector<1x16xf32> to vector<16xf32>
        %parallel_loop3A_204 = arith.index_cast %parallel_loop3A_165 : i32 to index
        %parallel_loop3A_205 = arith.constant 32 : index
        %parallel_loop3A_206 = tpu.vector_load %arg14[%parallel_loop3A_204, %parallel_loop3A_205] {strides = array<i32>} : memref<64x128xf32, #tpu.memory_space<vmem>>, vector<1x16xf32>,
        %parallel_loop3A_207 = vector.shape_cast %parallel_loop3A_206 : vector<1x16xf32> to vector<16xf32>
        %parallel_loop3A_208 = arith.addf %parallel_loop3A_203, %parallel_loop3A_207 : vector<16xf32>
        %parallel_loop3A_209 = arith.constant 0.000000e+00 : f32
        %parallel_loop3A_210 = vector.broadcast %parallel_loop3A_209 : f32 to vector<16xf32>
        %parallel_loop3A_211 = arith.maximumf %parallel_loop3A_208, %parallel_loop3A_210 : vector<16xf32>
        %parallel_loop3A_212 = arith.index_cast %parallel_loop3A_165 : i32 to index
        %parallel_loop3A_213 = arith.constant 32 : index
        %parallel_loop3A_214 = tpu.vector_load %arg13[%parallel_loop3A_212, %parallel_loop3A_213] {strides = array<i32>} : memref<64x128xf32, #tpu.memory_space<vmem>>, vector<1x16xf32>,
        %parallel_loop3A_215 = vector.shape_cast %parallel_loop3A_214 : vector<1x16xf32> to vector<16xf32>
        %parallel_loop3A_216 = vector.shape_cast %parallel_loop3A_211 : vector<16xf32> to vector<1x16xf32>
        tpu.vector_store %arg13[%parallel_loop3A_212, %parallel_loop3A_213], %parallel_loop3A_216 {strides = array<i32>} : memref<64x128xf32, #tpu.memory_space<vmem>>, vector<1x16xf32>,
        %parallel_loop3A_217 = arith.index_cast %parallel_loop3A_165 : i32 to index
        %parallel_loop3A_218 = arith.constant 48 : index
        %parallel_loop3A_219 = tpu.vector_load %arg13[%parallel_loop3A_217, %parallel_loop3A_218] {strides = array<i32>} : memref<64x128xf32, #tpu.memory_space<vmem>>, vector<1x16xf32>,
        %parallel_loop3A_220 = vector.shape_cast %parallel_loop3A_219 : vector<1x16xf32> to vector<16xf32>
        %parallel_loop3A_221 = arith.index_cast %parallel_loop3A_165 : i32 to index
        %parallel_loop3A_222 = arith.constant 48 : index
        %parallel_loop3A_223 = tpu.vector_load %arg14[%parallel_loop3A_221, %parallel_loop3A_222] {strides = array<i32>} : memref<64x128xf32, #tpu.memory_space<vmem>>, vector<1x16xf32>,
        %parallel_loop3A_224 = vector.shape_cast %parallel_loop3A_223 : vector<1x16xf32> to vector<16xf32>
        %parallel_loop3A_225 = arith.addf %parallel_loop3A_220, %parallel_loop3A_224 : vector<16xf32>
        %parallel_loop3A_226 = arith.constant 0.000000e+00 : f32
        %parallel_loop3A_227 = vector.broadcast %parallel_loop3A_226 : f32 to vector<16xf32>
        %parallel_loop3A_228 = arith.maximumf %parallel_loop3A_225, %parallel_loop3A_227 : vector<16xf32>
        %parallel_loop3A_229 = arith.index_cast %parallel_loop3A_165 : i32 to index
        %parallel_loop3A_230 = arith.constant 48 : index
        %parallel_loop3A_231 = tpu.vector_load %arg13[%parallel_loop3A_229, %parallel_loop3A_230] {strides = array<i32>} : memref<64x128xf32, #tpu.memory_space<vmem>>, vector<1x16xf32>,
        %parallel_loop3A_232 = vector.shape_cast %parallel_loop3A_231 : vector<1x16xf32> to vector<16xf32>
        %parallel_loop3A_233 = vector.shape_cast %parallel_loop3A_228 : vector<16xf32> to vector<1x16xf32>
        tpu.vector_store %arg13[%parallel_loop3A_229, %parallel_loop3A_230], %parallel_loop3A_233 {strides = array<i32>} : memref<64x128xf32, #tpu.memory_space<vmem>>, vector<1x16xf32>,
        %parallel_loop3A_234 = arith.index_cast %parallel_loop3A_165 : i32 to index
        %parallel_loop3A_235 = arith.constant 64 : index
        %parallel_loop3A_236 = tpu.vector_load %arg13[%parallel_loop3A_234, %parallel_loop3A_235] {strides = array<i32>} : memref<64x128xf32, #tpu.memory_space<vmem>>, vector<1x16xf32>,
        %parallel_loop3A_237 = vector.shape_cast %parallel_loop3A_236 : vector<1x16xf32> to vector<16xf32>
        %parallel_loop3A_238 = arith.index_cast %parallel_loop3A_165 : i32 to index
        %parallel_loop3A_239 = arith.constant 64 : index
        %parallel_loop3A_240 = tpu.vector_load %arg14[%parallel_loop3A_238, %parallel_loop3A_239] {strides = array<i32>} : memref<64x128xf32, #tpu.memory_space<vmem>>, vector<1x16xf32>,
        %parallel_loop3A_241 = vector.shape_cast %parallel_loop3A_240 : vector<1x16xf32> to vector<16xf32>
        %parallel_loop3A_242 = arith.addf %parallel_loop3A_237, %parallel_loop3A_241 : vector<16xf32>
        %parallel_loop3A_243 = arith.constant 0.000000e+00 : f32
        %parallel_loop3A_244 = vector.broadcast %parallel_loop3A_243 : f32 to vector<16xf32>
        %parallel_loop3A_245 = arith.maximumf %parallel_loop3A_242, %parallel_loop3A_244 : vector<16xf32>
        %parallel_loop3A_246 = arith.index_cast %parallel_loop3A_165 : i32 to index
        %parallel_loop3A_247 = arith.constant 64 : index
        %parallel_loop3A_248 = tpu.vector_load %arg13[%parallel_loop3A_246, %parallel_loop3A_247] {strides = array<i32>} : memref<64x128xf32, #tpu.memory_space<vmem>>, vector<1x16xf32>,
        %parallel_loop3A_249 = vector.shape_cast %parallel_loop3A_248 : vector<1x16xf32> to vector<16xf32>
        %parallel_loop3A_250 = vector.shape_cast %parallel_loop3A_245 : vector<16xf32> to vector<1x16xf32>
        tpu.vector_store %arg13[%parallel_loop3A_246, %parallel_loop3A_247], %parallel_loop3A_250 {strides = array<i32>} : memref<64x128xf32, #tpu.memory_space<vmem>>, vector<1x16xf32>,
        %parallel_loop3A_251 = arith.index_cast %parallel_loop3A_165 : i32 to index
        %parallel_loop3A_252 = arith.constant 80 : index
        %parallel_loop3A_253 = tpu.vector_load %arg13[%parallel_loop3A_251, %parallel_loop3A_252] {strides = array<i32>} : memref<64x128xf32, #tpu.memory_space<vmem>>, vector<1x16xf32>,
        %parallel_loop3A_254 = vector.shape_cast %parallel_loop3A_253 : vector<1x16xf32> to vector<16xf32>
        %parallel_loop3A_255 = arith.index_cast %parallel_loop3A_165 : i32 to index
        %parallel_loop3A_256 = arith.constant 80 : index
        %parallel_loop3A_257 = tpu.vector_load %arg14[%parallel_loop3A_255, %parallel_loop3A_256] {strides = array<i32>} : memref<64x128xf32, #tpu.memory_space<vmem>>, vector<1x16xf32>,
        %parallel_loop3A_258 = vector.shape_cast %parallel_loop3A_257 : vector<1x16xf32> to vector<16xf32>
        %parallel_loop3A_259 = arith.addf %parallel_loop3A_254, %parallel_loop3A_258 : vector<16xf32>
        %parallel_loop3A_260 = arith.constant 0.000000e+00 : f32
        %parallel_loop3A_261 = vector.broadcast %parallel_loop3A_260 : f32 to vector<16xf32>
        %parallel_loop3A_262 = arith.maximumf %parallel_loop3A_259, %parallel_loop3A_261 : vector<16xf32>
        %parallel_loop3A_263 = arith.index_cast %parallel_loop3A_165 : i32 to index
        %parallel_loop3A_264 = arith.constant 80 : index
        %parallel_loop3A_265 = tpu.vector_load %arg13[%parallel_loop3A_263, %parallel_loop3A_264] {strides = array<i32>} : memref<64x128xf32, #tpu.memory_space<vmem>>, vector<1x16xf32>,
        %parallel_loop3A_266 = vector.shape_cast %parallel_loop3A_265 : vector<1x16xf32> to vector<16xf32>
        %parallel_loop3A_267 = vector.shape_cast %parallel_loop3A_262 : vector<16xf32> to vector<1x16xf32>
        tpu.vector_store %arg13[%parallel_loop3A_263, %parallel_loop3A_264], %parallel_loop3A_267 {strides = array<i32>} : memref<64x128xf32, #tpu.memory_space<vmem>>, vector<1x16xf32>,
        %parallel_loop3A_268 = arith.index_cast %parallel_loop3A_165 : i32 to index
        %parallel_loop3A_269 = arith.constant 96 : index
        %parallel_loop3A_270 = tpu.vector_load %arg13[%parallel_loop3A_268, %parallel_loop3A_269] {strides = array<i32>} : memref<64x128xf32, #tpu.memory_space<vmem>>, vector<1x16xf32>,
        %parallel_loop3A_271 = vector.shape_cast %parallel_loop3A_270 : vector<1x16xf32> to vector<16xf32>
        %parallel_loop3A_272 = arith.index_cast %parallel_loop3A_165 : i32 to index
        %parallel_loop3A_273 = arith.constant 96 : index
        %parallel_loop3A_274 = tpu.vector_load %arg14[%parallel_loop3A_272, %parallel_loop3A_273] {strides = array<i32>} : memref<64x128xf32, #tpu.memory_space<vmem>>, vector<1x16xf32>,
        %parallel_loop3A_275 = vector.shape_cast %parallel_loop3A_274 : vector<1x16xf32> to vector<16xf32>
        %parallel_loop3A_276 = arith.addf %parallel_loop3A_271, %parallel_loop3A_275 : vector<16xf32>
        %parallel_loop3A_277 = arith.constant 0.000000e+00 : f32
        %parallel_loop3A_278 = vector.broadcast %parallel_loop3A_277 : f32 to vector<16xf32>
        %parallel_loop3A_279 = arith.maximumf %parallel_loop3A_276, %parallel_loop3A_278 : vector<16xf32>
        %parallel_loop3A_280 = arith.index_cast %parallel_loop3A_165 : i32 to index
        %parallel_loop3A_281 = arith.constant 96 : index
        %parallel_loop3A_282 = tpu.vector_load %arg13[%parallel_loop3A_280, %parallel_loop3A_281] {strides = array<i32>} : memref<64x128xf32, #tpu.memory_space<vmem>>, vector<1x16xf32>,
        %parallel_loop3A_283 = vector.shape_cast %parallel_loop3A_282 : vector<1x16xf32> to vector<16xf32>
        %parallel_loop3A_284 = vector.shape_cast %parallel_loop3A_279 : vector<16xf32> to vector<1x16xf32>
        tpu.vector_store %arg13[%parallel_loop3A_280, %parallel_loop3A_281], %parallel_loop3A_284 {strides = array<i32>} : memref<64x128xf32, #tpu.memory_space<vmem>>, vector<1x16xf32>,
        %parallel_loop3A_285 = arith.index_cast %parallel_loop3A_165 : i32 to index
        %parallel_loop3A_286 = arith.constant 112 : index
        %parallel_loop3A_287 = tpu.vector_load %arg13[%parallel_loop3A_285, %parallel_loop3A_286] {strides = array<i32>} : memref<64x128xf32, #tpu.memory_space<vmem>>, vector<1x16xf32>,
        %parallel_loop3A_288 = vector.shape_cast %parallel_loop3A_287 : vector<1x16xf32> to vector<16xf32>
        %parallel_loop3A_289 = arith.index_cast %parallel_loop3A_165 : i32 to index
        %parallel_loop3A_290 = arith.constant 112 : index
        %parallel_loop3A_291 = tpu.vector_load %arg14[%parallel_loop3A_289, %parallel_loop3A_290] {strides = array<i32>} : memref<64x128xf32, #tpu.memory_space<vmem>>, vector<1x16xf32>,
        %parallel_loop3A_292 = vector.shape_cast %parallel_loop3A_291 : vector<1x16xf32> to vector<16xf32>
        %parallel_loop3A_293 = arith.addf %parallel_loop3A_288, %parallel_loop3A_292 : vector<16xf32>
        %parallel_loop3A_294 = arith.constant 0.000000e+00 : f32
        %parallel_loop3A_295 = vector.broadcast %parallel_loop3A_294 : f32 to vector<16xf32>
        %parallel_loop3A_296 = arith.maximumf %parallel_loop3A_293, %parallel_loop3A_295 : vector<16xf32>
        %parallel_loop3A_297 = arith.index_cast %parallel_loop3A_165 : i32 to index
        %parallel_loop3A_298 = arith.constant 112 : index
        %parallel_loop3A_299 = tpu.vector_load %arg13[%parallel_loop3A_297, %parallel_loop3A_298] {strides = array<i32>} : memref<64x128xf32, #tpu.memory_space<vmem>>, vector<1x16xf32>,
        %parallel_loop3A_300 = vector.shape_cast %parallel_loop3A_299 : vector<1x16xf32> to vector<16xf32>
        %parallel_loop3A_301 = vector.shape_cast %parallel_loop3A_296 : vector<16xf32> to vector<1x16xf32>
        tpu.vector_store %arg13[%parallel_loop3A_297, %parallel_loop3A_298], %parallel_loop3A_301 {strides = array<i32>} : memref<64x128xf32, #tpu.memory_space<vmem>>, vector<1x16xf32>,
      } {sc.loop_unroll_factor = 2 : i64, sc.parallel_access}
      "tpu.region"() ({
        %run_scoped3A = tpu.sem_alloc : memref<!tpu.dma_semaphore, #tpu.memory_space<semaphore_mem>>
        %dma_start3A_165 = arith.constant 0 : i32
        %dma_start3A_166 = arith.constant 0 : i32
        %dma_start3A_167 = tpu.memref_slice %arg17[%dma_start3A_165, %dma_start3A_166] : memref<10240x128xf32, #tpu.memory_space<vmem_shared>> -> memref<10240x128xf32, #tpu.memory_space<vmem_shared>>
        tpu.enqueue_indirect_dma source(%arg13 : memref<64x128xf32, #tpu.memory_space<vmem>>) target(%dma_start3A_167 : memref<10240x128xf32, #tpu.memory_space<vmem_shared>>) offsets(%arg10 : memref<64xi32, #tpu.memory_space<vmem>>) semaphore(%run_scoped3A : memref<!tpu.dma_semaphore, #tpu.memory_space<semaphore_mem>>) {add = true}
        %dma_wait3A_168 = arith.constant 0 : i32
        %dma_wait3A_169 = arith.constant 0 : i32
        %dma_wait3A_170 = tpu.memref_slice %arg17[%dma_wait3A_168, %dma_wait3A_169] : memref<10240x128xf32, #tpu.memory_space<vmem_shared>> -> memref<10240x128xf32, #tpu.memory_space<vmem_shared>>
        tpu.wait_indirect_dma semaphore(%run_scoped3A : memref<!tpu.dma_semaphore, #tpu.memory_space<semaphore_mem>>) src(%arg13 : memref<64x128xf32, #tpu.memory_space<vmem>>) dst(%dma_wait3A_170 : memref<10240x128xf32, #tpu.memory_space<vmem_shared>>)
        tpu.yield
      }) : () -> ()
      %sub3A_144 = arith.constant 1 : i32
      %sub3A_145 = arith.subi %select_n3A_80, %sub3A_144 : i32
      %lt3A_146 = arith.cmpi slt, %while3A_103, %sub3A_145 : i32
      %convert_element_type3A_147 = arith.extui %lt3A_146 : i1 to i32
      %cond3A_148 = arith.constant 0 : i32
      %cond3A_149 = arith.cmpi ne, %convert_element_type3A_147, %cond3A_148 : i32
      scf.if %cond3A_149 {
        %add3A_165 = arith.constant 2 : i32
        %add3A_166 = arith.addi %mul3A_105, %add3A_165 : i32
        %mul3A_167 = arith.constant 64 : i32
        %mul3A_168 = arith.muli %add3A_166, %mul3A_167 : i32
        %add3A_169 = arith.addi %mul3A_38, %mul3A_168 : i32
        %dma_wait3A_170 = tpu.memref_slice %arg4[%add3A_169] : memref<327680xi32, #tpu.memory_space<hbm>> -> memref<64xi32, #tpu.memory_space<hbm>>
        %dma_wait3A_171 = tpu.memref_slice %arg4[%add3A_169] : memref<327680xi32, #tpu.memory_space<hbm>> -> memref<64xi32, #tpu.memory_space<hbm>>
        tpu.wait_dma2 semaphore(%arg18 : memref<!tpu.dma_semaphore, #tpu.memory_space<semaphore_mem>>) src(%dma_wait3A_171 : memref<64xi32, #tpu.memory_space<hbm>>) dst(%arg7 : memref<64xi32, #tpu.memory_space<vmem>>)
        %parallel_loop3A_172 = arith.constant 0 : i32
        %parallel_loop3A_173 = arith.constant 4 : i32
        %parallel_loop3A_174 = arith.constant 1 : i32
        scf.for %parallel_loop3A_191 = %parallel_loop3A_172 to %parallel_loop3A_173 step %parallel_loop3A_174  : i32 {
          %parallel_loop3A_192 = arith.constant 16 : i32
          %parallel_loop3A_193 = arith.muli %parallel_loop3A_191, %parallel_loop3A_192 : i32
          %parallel_loop3A_194 = arith.index_cast %parallel_loop3A_193 : i32 to index
          %parallel_loop3A_195 = tpu.vector_load %arg7[%parallel_loop3A_194] {strides = array<i32>} : memref<64xi32, #tpu.memory_space<vmem>>, vector<16xi32>,
          %parallel_loop3A_196 = vector.shape_cast %parallel_loop3A_195 : vector<16xi32> to vector<16xi32>
          %parallel_loop3A_197 = arith.constant 65535 : i32
          %parallel_loop3A_198 = vector.broadcast %parallel_loop3A_197 : i32 to vector<16xi32>
          %parallel_loop3A_199 = arith.andi %parallel_loop3A_196, %parallel_loop3A_198 : vector<16xi32>
          %parallel_loop3A_200 = arith.index_cast %parallel_loop3A_193 : i32 to index
          %parallel_loop3A_201 = tpu.vector_load %arg9[%parallel_loop3A_200] {strides = array<i32>} : memref<64xi32, #tpu.memory_space<vmem>>, vector<16xi32>,
          %parallel_loop3A_202 = vector.shape_cast %parallel_loop3A_201 : vector<16xi32> to vector<16xi32>
          %parallel_loop3A_203 = vector.shape_cast %parallel_loop3A_199 : vector<16xi32> to vector<16xi32>
          tpu.vector_store %arg9[%parallel_loop3A_200], %parallel_loop3A_203 {strides = array<i32>} : memref<64xi32, #tpu.memory_space<vmem>>, vector<16xi32>,
          %parallel_loop3A_204 = arith.constant 16 : i32
          %parallel_loop3A_205 = vector.broadcast %parallel_loop3A_204 : i32 to vector<16xi32>
          %parallel_loop3A_206 = arith.shrui %parallel_loop3A_196, %parallel_loop3A_205 : vector<16xi32>
          %parallel_loop3A_207 = arith.index_cast %parallel_loop3A_193 : i32 to index
          %parallel_loop3A_208 = tpu.vector_load %arg10[%parallel_loop3A_207] {strides = array<i32>} : memref<64xi32, #tpu.memory_space<vmem>>, vector<16xi32>,
          %parallel_loop3A_209 = vector.shape_cast %parallel_loop3A_208 : vector<16xi32> to vector<16xi32>
          %parallel_loop3A_210 = vector.shape_cast %parallel_loop3A_206 : vector<16xi32> to vector<16xi32>
          tpu.vector_store %arg10[%parallel_loop3A_207], %parallel_loop3A_210 {strides = array<i32>} : memref<64xi32, #tpu.memory_space<vmem>>, vector<16xi32>,
        } {sc.loop_unroll_factor = 1 : i64, sc.parallel_access}
        %dma_start3A_175 = arith.constant 0 : i32
        %dma_start3A_176 = arith.constant 0 : i32
        %dma_start3A_177 = tpu.memref_slice %arg2[%dma_start3A_175, %dma_start3A_176] : memref<10000x128xf32, #tpu.memory_space<hbm>> -> memref<10000x128xf32, #tpu.memory_space<hbm>>
        tpu.enqueue_indirect_dma source(%dma_start3A_177 : memref<10000x128xf32, #tpu.memory_space<hbm>>) target(%arg13 : memref<64x128xf32, #tpu.memory_space<vmem>>) offsets(%arg9 : memref<64xi32, #tpu.memory_space<vmem>>) semaphore(%arg20 : memref<!tpu.dma_semaphore, #tpu.memory_space<semaphore_mem>>)
        %mul3A_178 = arith.constant 64 : i32
        %mul3A_179 = arith.muli %add3A_166, %mul3A_178 : i32
        %add3A_180 = arith.addi %mul3A_38, %mul3A_179 : i32
        %dma_start3A_181 = arith.constant 0 : i32
        %dma_start3A_182 = tpu.memref_slice %arg3[%add3A_180, %dma_start3A_181] : memref<327680x128xf32, #tpu.memory_space<hbm>> -> memref<64x128xf32, #tpu.memory_space<hbm>>
        %dma_start3A_183 = arith.constant 0 : i32
        %dma_start3A_184 = tpu.memref_slice %arg3[%add3A_180, %dma_start3A_183] : memref<327680x128xf32, #tpu.memory_space<hbm>> -> memref<64x128xf32, #tpu.memory_space<hbm>>
        tpu.enqueue_dma source(%dma_start3A_184 : memref<64x128xf32, #tpu.memory_space<hbm>>) target(%arg14 : memref<64x128xf32, #tpu.memory_space<vmem>>) target_semaphore(%arg21 : memref<!tpu.dma_semaphore, #tpu.memory_space<semaphore_mem>>)
        %add3A_185 = arith.constant 2 : i32
        %add3A_186 = arith.addi %add3A_166, %add3A_185 : i32
        %lt3A_187 = arith.cmpi slt, %add3A_186, %select_n3A : i32
        %convert_element_type3A_188 = arith.extui %lt3A_187 : i1 to i32
        %cond3A_189 = arith.constant 0 : i32
        %cond3A_190 = arith.cmpi ne, %convert_element_type3A_188, %cond3A_189 : i32
        scf.if %cond3A_190 {
          %add3A_191 = arith.constant 2 : i32
          %add3A_192 = arith.addi %add3A_166, %add3A_191 : i32
          %mul3A_193 = arith.constant 64 : i32
          %mul3A_194 = arith.muli %add3A_192, %mul3A_193 : i32
          %add3A_195 = arith.addi %mul3A_38, %mul3A_194 : i32
          %dma_start3A_196 = tpu.memref_slice %arg4[%add3A_195] : memref<327680xi32, #tpu.memory_space<hbm>> -> memref<64xi32, #tpu.memory_space<hbm>>
          %dma_start3A_197 = tpu.memref_slice %arg4[%add3A_195] : memref<327680xi32, #tpu.memory_space<hbm>> -> memref<64xi32, #tpu.memory_space<hbm>>
          tpu.enqueue_dma source(%dma_start3A_197 : memref<64xi32, #tpu.memory_space<hbm>>) target(%arg7 : memref<64xi32, #tpu.memory_space<vmem>>) target_semaphore(%arg18 : memref<!tpu.dma_semaphore, #tpu.memory_space<semaphore_mem>>)
        } else {
        }
      } else {
      }
      %add3A_150 = arith.constant 1 : i32
      %add3A_151 = arith.addi %mul3A_105, %add3A_150 : i32
      %dma_wait3A_152 = arith.constant 0 : i32
      %dma_wait3A_153 = arith.constant 0 : i32
      %dma_wait3A_154 = tpu.memref_slice %arg2[%dma_wait3A_152, %dma_wait3A_153] : memref<10000x128xf32, #tpu.memory_space<hbm>> -> memref<10000x128xf32, #tpu.memory_space<hbm>>
      tpu.wait_indirect_dma semaphore(%arg22 : memref<!tpu.dma_semaphore, #tpu.memory_space<semaphore_mem>>) src(%dma_wait3A_154 : memref<10000x128xf32, #tpu.memory_space<hbm>>) dst(%arg15 : memref<64x128xf32, #tpu.memory_space<vmem>>)
      %mul3A_155 = arith.constant 64 : i32
      %mul3A_156 = arith.muli %add3A_151, %mul3A_155 : i32
      %add3A_157 = arith.addi %mul3A_38, %mul3A_156 : i32
      %dma_wait3A_158 = arith.constant 0 : i32
      %dma_wait3A_159 = tpu.memref_slice %arg3[%add3A_157, %dma_wait3A_158] : memref<327680x128xf32, #tpu.memory_space<hbm>> -> memref<64x128xf32, #tpu.memory_space<hbm>>
      %dma_wait3A_160 = arith.constant 0 : i32
      %dma_wait3A_161 = tpu.memref_slice %arg3[%add3A_157, %dma_wait3A_160] : memref<327680x128xf32, #tpu.memory_space<hbm>> -> memref<64x128xf32, #tpu.memory_space<hbm>>
      tpu.wait_dma2 semaphore(%arg23 : memref<!tpu.dma_semaphore, #tpu.memory_space<semaphore_mem>>) src(%dma_wait3A_161 : memref<64x128xf32, #tpu.memory_space<hbm>>) dst(%arg16 : memref<64x128xf32, #tpu.memory_space<vmem>>)
      %parallel_loop3A_162 = arith.constant 0 : i32
      %parallel_loop3A_163 = arith.constant 64 : i32
      %parallel_loop3A_164 = arith.constant 1 : i32
      scf.for %parallel_loop3A_165 = %parallel_loop3A_162 to %parallel_loop3A_163 step %parallel_loop3A_164  : i32 {
        %parallel_loop3A_166 = arith.index_cast %parallel_loop3A_165 : i32 to index
        %parallel_loop3A_167 = arith.constant 0 : index
        %parallel_loop3A_168 = tpu.vector_load %arg15[%parallel_loop3A_166, %parallel_loop3A_167] {strides = array<i32>} : memref<64x128xf32, #tpu.memory_space<vmem>>, vector<1x16xf32>,
        %parallel_loop3A_169 = vector.shape_cast %parallel_loop3A_168 : vector<1x16xf32> to vector<16xf32>
        %parallel_loop3A_170 = arith.index_cast %parallel_loop3A_165 : i32 to index
        %parallel_loop3A_171 = arith.constant 0 : index
        %parallel_loop3A_172 = tpu.vector_load %arg16[%parallel_loop3A_170, %parallel_loop3A_171] {strides = array<i32>} : memref<64x128xf32, #tpu.memory_space<vmem>>, vector<1x16xf32>,
        %parallel_loop3A_173 = vector.shape_cast %parallel_loop3A_172 : vector<1x16xf32> to vector<16xf32>
        %parallel_loop3A_174 = arith.addf %parallel_loop3A_169, %parallel_loop3A_173 : vector<16xf32>
        %parallel_loop3A_175 = arith.constant 0.000000e+00 : f32
        %parallel_loop3A_176 = vector.broadcast %parallel_loop3A_175 : f32 to vector<16xf32>
        %parallel_loop3A_177 = arith.maximumf %parallel_loop3A_174, %parallel_loop3A_176 : vector<16xf32>
        %parallel_loop3A_178 = arith.index_cast %parallel_loop3A_165 : i32 to index
        %parallel_loop3A_179 = arith.constant 0 : index
        %parallel_loop3A_180 = tpu.vector_load %arg15[%parallel_loop3A_178, %parallel_loop3A_179] {strides = array<i32>} : memref<64x128xf32, #tpu.memory_space<vmem>>, vector<1x16xf32>,
        %parallel_loop3A_181 = vector.shape_cast %parallel_loop3A_180 : vector<1x16xf32> to vector<16xf32>
        %parallel_loop3A_182 = vector.shape_cast %parallel_loop3A_177 : vector<16xf32> to vector<1x16xf32>
        tpu.vector_store %arg15[%parallel_loop3A_178, %parallel_loop3A_179], %parallel_loop3A_182 {strides = array<i32>} : memref<64x128xf32, #tpu.memory_space<vmem>>, vector<1x16xf32>,
        %parallel_loop3A_183 = arith.index_cast %parallel_loop3A_165 : i32 to index
        %parallel_loop3A_184 = arith.constant 16 : index
        %parallel_loop3A_185 = tpu.vector_load %arg15[%parallel_loop3A_183, %parallel_loop3A_184] {strides = array<i32>} : memref<64x128xf32, #tpu.memory_space<vmem>>, vector<1x16xf32>,
        %parallel_loop3A_186 = vector.shape_cast %parallel_loop3A_185 : vector<1x16xf32> to vector<16xf32>
        %parallel_loop3A_187 = arith.index_cast %parallel_loop3A_165 : i32 to index
        %parallel_loop3A_188 = arith.constant 16 : index
        %parallel_loop3A_189 = tpu.vector_load %arg16[%parallel_loop3A_187, %parallel_loop3A_188] {strides = array<i32>} : memref<64x128xf32, #tpu.memory_space<vmem>>, vector<1x16xf32>,
        %parallel_loop3A_190 = vector.shape_cast %parallel_loop3A_189 : vector<1x16xf32> to vector<16xf32>
        %parallel_loop3A_191 = arith.addf %parallel_loop3A_186, %parallel_loop3A_190 : vector<16xf32>
        %parallel_loop3A_192 = arith.constant 0.000000e+00 : f32
        %parallel_loop3A_193 = vector.broadcast %parallel_loop3A_192 : f32 to vector<16xf32>
        %parallel_loop3A_194 = arith.maximumf %parallel_loop3A_191, %parallel_loop3A_193 : vector<16xf32>
        %parallel_loop3A_195 = arith.index_cast %parallel_loop3A_165 : i32 to index
        %parallel_loop3A_196 = arith.constant 16 : index
        %parallel_loop3A_197 = tpu.vector_load %arg15[%parallel_loop3A_195, %parallel_loop3A_196] {strides = array<i32>} : memref<64x128xf32, #tpu.memory_space<vmem>>, vector<1x16xf32>,
        %parallel_loop3A_198 = vector.shape_cast %parallel_loop3A_197 : vector<1x16xf32> to vector<16xf32>
        %parallel_loop3A_199 = vector.shape_cast %parallel_loop3A_194 : vector<16xf32> to vector<1x16xf32>
        tpu.vector_store %arg15[%parallel_loop3A_195, %parallel_loop3A_196], %parallel_loop3A_199 {strides = array<i32>} : memref<64x128xf32, #tpu.memory_space<vmem>>, vector<1x16xf32>,
        %parallel_loop3A_200 = arith.index_cast %parallel_loop3A_165 : i32 to index
        %parallel_loop3A_201 = arith.constant 32 : index
        %parallel_loop3A_202 = tpu.vector_load %arg15[%parallel_loop3A_200, %parallel_loop3A_201] {strides = array<i32>} : memref<64x128xf32, #tpu.memory_space<vmem>>, vector<1x16xf32>,
        %parallel_loop3A_203 = vector.shape_cast %parallel_loop3A_202 : vector<1x16xf32> to vector<16xf32>
        %parallel_loop3A_204 = arith.index_cast %parallel_loop3A_165 : i32 to index
        %parallel_loop3A_205 = arith.constant 32 : index
        %parallel_loop3A_206 = tpu.vector_load %arg16[%parallel_loop3A_204, %parallel_loop3A_205] {strides = array<i32>} : memref<64x128xf32, #tpu.memory_space<vmem>>, vector<1x16xf32>,
        %parallel_loop3A_207 = vector.shape_cast %parallel_loop3A_206 : vector<1x16xf32> to vector<16xf32>
        %parallel_loop3A_208 = arith.addf %parallel_loop3A_203, %parallel_loop3A_207 : vector<16xf32>
        %parallel_loop3A_209 = arith.constant 0.000000e+00 : f32
        %parallel_loop3A_210 = vector.broadcast %parallel_loop3A_209 : f32 to vector<16xf32>
        %parallel_loop3A_211 = arith.maximumf %parallel_loop3A_208, %parallel_loop3A_210 : vector<16xf32>
        %parallel_loop3A_212 = arith.index_cast %parallel_loop3A_165 : i32 to index
        %parallel_loop3A_213 = arith.constant 32 : index
        %parallel_loop3A_214 = tpu.vector_load %arg15[%parallel_loop3A_212, %parallel_loop3A_213] {strides = array<i32>} : memref<64x128xf32, #tpu.memory_space<vmem>>, vector<1x16xf32>,
        %parallel_loop3A_215 = vector.shape_cast %parallel_loop3A_214 : vector<1x16xf32> to vector<16xf32>
        %parallel_loop3A_216 = vector.shape_cast %parallel_loop3A_211 : vector<16xf32> to vector<1x16xf32>
        tpu.vector_store %arg15[%parallel_loop3A_212, %parallel_loop3A_213], %parallel_loop3A_216 {strides = array<i32>} : memref<64x128xf32, #tpu.memory_space<vmem>>, vector<1x16xf32>,
        %parallel_loop3A_217 = arith.index_cast %parallel_loop3A_165 : i32 to index
        %parallel_loop3A_218 = arith.constant 48 : index
        %parallel_loop3A_219 = tpu.vector_load %arg15[%parallel_loop3A_217, %parallel_loop3A_218] {strides = array<i32>} : memref<64x128xf32, #tpu.memory_space<vmem>>, vector<1x16xf32>,
        %parallel_loop3A_220 = vector.shape_cast %parallel_loop3A_219 : vector<1x16xf32> to vector<16xf32>
        %parallel_loop3A_221 = arith.index_cast %parallel_loop3A_165 : i32 to index
        %parallel_loop3A_222 = arith.constant 48 : index
        %parallel_loop3A_223 = tpu.vector_load %arg16[%parallel_loop3A_221, %parallel_loop3A_222] {strides = array<i32>} : memref<64x128xf32, #tpu.memory_space<vmem>>, vector<1x16xf32>,
        %parallel_loop3A_224 = vector.shape_cast %parallel_loop3A_223 : vector<1x16xf32> to vector<16xf32>
        %parallel_loop3A_225 = arith.addf %parallel_loop3A_220, %parallel_loop3A_224 : vector<16xf32>
        %parallel_loop3A_226 = arith.constant 0.000000e+00 : f32
        %parallel_loop3A_227 = vector.broadcast %parallel_loop3A_226 : f32 to vector<16xf32>
        %parallel_loop3A_228 = arith.maximumf %parallel_loop3A_225, %parallel_loop3A_227 : vector<16xf32>
        %parallel_loop3A_229 = arith.index_cast %parallel_loop3A_165 : i32 to index
        %parallel_loop3A_230 = arith.constant 48 : index
        %parallel_loop3A_231 = tpu.vector_load %arg15[%parallel_loop3A_229, %parallel_loop3A_230] {strides = array<i32>} : memref<64x128xf32, #tpu.memory_space<vmem>>, vector<1x16xf32>,
        %parallel_loop3A_232 = vector.shape_cast %parallel_loop3A_231 : vector<1x16xf32> to vector<16xf32>
        %parallel_loop3A_233 = vector.shape_cast %parallel_loop3A_228 : vector<16xf32> to vector<1x16xf32>
        tpu.vector_store %arg15[%parallel_loop3A_229, %parallel_loop3A_230], %parallel_loop3A_233 {strides = array<i32>} : memref<64x128xf32, #tpu.memory_space<vmem>>, vector<1x16xf32>,
        %parallel_loop3A_234 = arith.index_cast %parallel_loop3A_165 : i32 to index
        %parallel_loop3A_235 = arith.constant 64 : index
        %parallel_loop3A_236 = tpu.vector_load %arg15[%parallel_loop3A_234, %parallel_loop3A_235] {strides = array<i32>} : memref<64x128xf32, #tpu.memory_space<vmem>>, vector<1x16xf32>,
        %parallel_loop3A_237 = vector.shape_cast %parallel_loop3A_236 : vector<1x16xf32> to vector<16xf32>
        %parallel_loop3A_238 = arith.index_cast %parallel_loop3A_165 : i32 to index
        %parallel_loop3A_239 = arith.constant 64 : index
        %parallel_loop3A_240 = tpu.vector_load %arg16[%parallel_loop3A_238, %parallel_loop3A_239] {strides = array<i32>} : memref<64x128xf32, #tpu.memory_space<vmem>>, vector<1x16xf32>,
        %parallel_loop3A_241 = vector.shape_cast %parallel_loop3A_240 : vector<1x16xf32> to vector<16xf32>
        %parallel_loop3A_242 = arith.addf %parallel_loop3A_237, %parallel_loop3A_241 : vector<16xf32>
        %parallel_loop3A_243 = arith.constant 0.000000e+00 : f32
        %parallel_loop3A_244 = vector.broadcast %parallel_loop3A_243 : f32 to vector<16xf32>
        %parallel_loop3A_245 = arith.maximumf %parallel_loop3A_242, %parallel_loop3A_244 : vector<16xf32>
        %parallel_loop3A_246 = arith.index_cast %parallel_loop3A_165 : i32 to index
        %parallel_loop3A_247 = arith.constant 64 : index
        %parallel_loop3A_248 = tpu.vector_load %arg15[%parallel_loop3A_246, %parallel_loop3A_247] {strides = array<i32>} : memref<64x128xf32, #tpu.memory_space<vmem>>, vector<1x16xf32>,
        %parallel_loop3A_249 = vector.shape_cast %parallel_loop3A_248 : vector<1x16xf32> to vector<16xf32>
        %parallel_loop3A_250 = vector.shape_cast %parallel_loop3A_245 : vector<16xf32> to vector<1x16xf32>
        tpu.vector_store %arg15[%parallel_loop3A_246, %parallel_loop3A_247], %parallel_loop3A_250 {strides = array<i32>} : memref<64x128xf32, #tpu.memory_space<vmem>>, vector<1x16xf32>,
        %parallel_loop3A_251 = arith.index_cast %parallel_loop3A_165 : i32 to index
        %parallel_loop3A_252 = arith.constant 80 : index
        %parallel_loop3A_253 = tpu.vector_load %arg15[%parallel_loop3A_251, %parallel_loop3A_252] {strides = array<i32>} : memref<64x128xf32, #tpu.memory_space<vmem>>, vector<1x16xf32>,
        %parallel_loop3A_254 = vector.shape_cast %parallel_loop3A_253 : vector<1x16xf32> to vector<16xf32>
        %parallel_loop3A_255 = arith.index_cast %parallel_loop3A_165 : i32 to index
        %parallel_loop3A_256 = arith.constant 80 : index
        %parallel_loop3A_257 = tpu.vector_load %arg16[%parallel_loop3A_255, %parallel_loop3A_256] {strides = array<i32>} : memref<64x128xf32, #tpu.memory_space<vmem>>, vector<1x16xf32>,
        %parallel_loop3A_258 = vector.shape_cast %parallel_loop3A_257 : vector<1x16xf32> to vector<16xf32>
        %parallel_loop3A_259 = arith.addf %parallel_loop3A_254, %parallel_loop3A_258 : vector<16xf32>
        %parallel_loop3A_260 = arith.constant 0.000000e+00 : f32
        %parallel_loop3A_261 = vector.broadcast %parallel_loop3A_260 : f32 to vector<16xf32>
        %parallel_loop3A_262 = arith.maximumf %parallel_loop3A_259, %parallel_loop3A_261 : vector<16xf32>
        %parallel_loop3A_263 = arith.index_cast %parallel_loop3A_165 : i32 to index
        %parallel_loop3A_264 = arith.constant 80 : index
        %parallel_loop3A_265 = tpu.vector_load %arg15[%parallel_loop3A_263, %parallel_loop3A_264] {strides = array<i32>} : memref<64x128xf32, #tpu.memory_space<vmem>>, vector<1x16xf32>,
        %parallel_loop3A_266 = vector.shape_cast %parallel_loop3A_265 : vector<1x16xf32> to vector<16xf32>
        %parallel_loop3A_267 = vector.shape_cast %parallel_loop3A_262 : vector<16xf32> to vector<1x16xf32>
        tpu.vector_store %arg15[%parallel_loop3A_263, %parallel_loop3A_264], %parallel_loop3A_267 {strides = array<i32>} : memref<64x128xf32, #tpu.memory_space<vmem>>, vector<1x16xf32>,
        %parallel_loop3A_268 = arith.index_cast %parallel_loop3A_165 : i32 to index
        %parallel_loop3A_269 = arith.constant 96 : index
        %parallel_loop3A_270 = tpu.vector_load %arg15[%parallel_loop3A_268, %parallel_loop3A_269] {strides = array<i32>} : memref<64x128xf32, #tpu.memory_space<vmem>>, vector<1x16xf32>,
        %parallel_loop3A_271 = vector.shape_cast %parallel_loop3A_270 : vector<1x16xf32> to vector<16xf32>
        %parallel_loop3A_272 = arith.index_cast %parallel_loop3A_165 : i32 to index
        %parallel_loop3A_273 = arith.constant 96 : index
        %parallel_loop3A_274 = tpu.vector_load %arg16[%parallel_loop3A_272, %parallel_loop3A_273] {strides = array<i32>} : memref<64x128xf32, #tpu.memory_space<vmem>>, vector<1x16xf32>,
        %parallel_loop3A_275 = vector.shape_cast %parallel_loop3A_274 : vector<1x16xf32> to vector<16xf32>
        %parallel_loop3A_276 = arith.addf %parallel_loop3A_271, %parallel_loop3A_275 : vector<16xf32>
        %parallel_loop3A_277 = arith.constant 0.000000e+00 : f32
        %parallel_loop3A_278 = vector.broadcast %parallel_loop3A_277 : f32 to vector<16xf32>
        %parallel_loop3A_279 = arith.maximumf %parallel_loop3A_276, %parallel_loop3A_278 : vector<16xf32>
        %parallel_loop3A_280 = arith.index_cast %parallel_loop3A_165 : i32 to index
        %parallel_loop3A_281 = arith.constant 96 : index
        %parallel_loop3A_282 = tpu.vector_load %arg15[%parallel_loop3A_280, %parallel_loop3A_281] {strides = array<i32>} : memref<64x128xf32, #tpu.memory_space<vmem>>, vector<1x16xf32>,
        %parallel_loop3A_283 = vector.shape_cast %parallel_loop3A_282 : vector<1x16xf32> to vector<16xf32>
        %parallel_loop3A_284 = vector.shape_cast %parallel_loop3A_279 : vector<16xf32> to vector<1x16xf32>
        tpu.vector_store %arg15[%parallel_loop3A_280, %parallel_loop3A_281], %parallel_loop3A_284 {strides = array<i32>} : memref<64x128xf32, #tpu.memory_space<vmem>>, vector<1x16xf32>,
        %parallel_loop3A_285 = arith.index_cast %parallel_loop3A_165 : i32 to index
        %parallel_loop3A_286 = arith.constant 112 : index
        %parallel_loop3A_287 = tpu.vector_load %arg15[%parallel_loop3A_285, %parallel_loop3A_286] {strides = array<i32>} : memref<64x128xf32, #tpu.memory_space<vmem>>, vector<1x16xf32>,
        %parallel_loop3A_288 = vector.shape_cast %parallel_loop3A_287 : vector<1x16xf32> to vector<16xf32>
        %parallel_loop3A_289 = arith.index_cast %parallel_loop3A_165 : i32 to index
        %parallel_loop3A_290 = arith.constant 112 : index
        %parallel_loop3A_291 = tpu.vector_load %arg16[%parallel_loop3A_289, %parallel_loop3A_290] {strides = array<i32>} : memref<64x128xf32, #tpu.memory_space<vmem>>, vector<1x16xf32>,
        %parallel_loop3A_292 = vector.shape_cast %parallel_loop3A_291 : vector<1x16xf32> to vector<16xf32>
        %parallel_loop3A_293 = arith.addf %parallel_loop3A_288, %parallel_loop3A_292 : vector<16xf32>
        %parallel_loop3A_294 = arith.constant 0.000000e+00 : f32
        %parallel_loop3A_295 = vector.broadcast %parallel_loop3A_294 : f32 to vector<16xf32>
        %parallel_loop3A_296 = arith.maximumf %parallel_loop3A_293, %parallel_loop3A_295 : vector<16xf32>
        %parallel_loop3A_297 = arith.index_cast %parallel_loop3A_165 : i32 to index
        %parallel_loop3A_298 = arith.constant 112 : index
        %parallel_loop3A_299 = tpu.vector_load %arg15[%parallel_loop3A_297, %parallel_loop3A_298] {strides = array<i32>} : memref<64x128xf32, #tpu.memory_space<vmem>>, vector<1x16xf32>,
        %parallel_loop3A_300 = vector.shape_cast %parallel_loop3A_299 : vector<1x16xf32> to vector<16xf32>
        %parallel_loop3A_301 = vector.shape_cast %parallel_loop3A_296 : vector<16xf32> to vector<1x16xf32>
        tpu.vector_store %arg15[%parallel_loop3A_297, %parallel_loop3A_298], %parallel_loop3A_301 {strides = array<i32>} : memref<64x128xf32, #tpu.memory_space<vmem>>, vector<1x16xf32>,
      } {sc.loop_unroll_factor = 2 : i64, sc.parallel_access}
      "tpu.region"() ({
        %run_scoped3A = tpu.sem_alloc : memref<!tpu.dma_semaphore, #tpu.memory_space<semaphore_mem>>
        %dma_start3A_165 = arith.constant 0 : i32
        %dma_start3A_166 = arith.constant 0 : i32
        %dma_start3A_167 = tpu.memref_slice %arg17[%dma_start3A_165, %dma_start3A_166] : memref<10240x128xf32, #tpu.memory_space<vmem_shared>> -> memref<10240x128xf32, #tpu.memory_space<vmem_shared>>
        tpu.enqueue_indirect_dma source(%arg15 : memref<64x128xf32, #tpu.memory_space<vmem>>) target(%dma_start3A_167 : memref<10240x128xf32, #tpu.memory_space<vmem_shared>>) offsets(%arg12 : memref<64xi32, #tpu.memory_space<vmem>>) semaphore(%run_scoped3A : memref<!tpu.dma_semaphore, #tpu.memory_space<semaphore_mem>>) {add = true}
        %dma_wait3A_168 = arith.constant 0 : i32
        %dma_wait3A_169 = arith.constant 0 : i32
        %dma_wait3A_170 = tpu.memref_slice %arg17[%dma_wait3A_168, %dma_wait3A_169] : memref<10240x128xf32, #tpu.memory_space<vmem_shared>> -> memref<10240x128xf32, #tpu.memory_space<vmem_shared>>
        tpu.wait_indirect_dma semaphore(%run_scoped3A : memref<!tpu.dma_semaphore, #tpu.memory_space<semaphore_mem>>) src(%arg15 : memref<64x128xf32, #tpu.memory_space<vmem>>) dst(%dma_wait3A_170 : memref<10240x128xf32, #tpu.memory_space<vmem_shared>>)
        tpu.yield
      }) : () -> ()
    }
    %barrier3A_90 = arith.constant 0 : index
    tpu.barrier barrier_id(%barrier3A_90)
    %mul3A_91 = arith.constant 640 : i32
    %mul3A_92 = arith.muli %arg1, %mul3A_91 : i32
    %eq3A_93 = arith.constant 0 : i32
    %eq3A_94 = arith.cmpi eq, %arg0, %eq3A_93 : i32
    %convert_element_type3A_95 = arith.extui %eq3A_94 : i1 to i32
    %cond3A_96 = arith.constant 0 : i32
    %cond3A_97 = arith.cmpi ne, %convert_element_type3A_95, %cond3A_96 : i32
    scf.if %cond3A_97 {
      "tpu.region"() ({
        %run_scoped3A = tpu.sem_alloc : memref<!tpu.dma_semaphore, #tpu.memory_space<semaphore_mem>>
        %dma_start3A_103 = arith.constant 0 : i32
        %dma_start3A_104 = tpu.memref_slice %arg5[%mul3A_92, %dma_start3A_103] : memref<10240x128xf32, #tpu.memory_space<hbm>> -> memref<640x128xf32, #tpu.memory_space<hbm>>
        %dma_start3A_105 = arith.constant 0 : i32
        %dma_start3A_106 = tpu.memref_slice %arg17[%mul3A_92, %dma_start3A_105] : memref<10240x128xf32, #tpu.memory_space<vmem_shared>> -> memref<640x128xf32, #tpu.memory_space<vmem_shared>>
        tpu.enqueue_dma source(%dma_start3A_106 : memref<640x128xf32, #tpu.memory_space<vmem_shared>>) target(%dma_start3A_104 : memref<640x128xf32, #tpu.memory_space<hbm>>) target_semaphore(%run_scoped3A : memref<!tpu.dma_semaphore, #tpu.memory_space<semaphore_mem>>)
        %dma_wait3A_107 = arith.constant 0 : i32
        %dma_wait3A_108 = tpu.memref_slice %arg5[%mul3A_92, %dma_wait3A_107] : memref<10240x128xf32, #tpu.memory_space<hbm>> -> memref<640x128xf32, #tpu.memory_space<hbm>>
        %dma_wait3A_109 = arith.constant 0 : i32
        %dma_wait3A_110 = tpu.memref_slice %arg17[%mul3A_92, %dma_wait3A_109] : memref<10240x128xf32, #tpu.memory_space<vmem_shared>> -> memref<640x128xf32, #tpu.memory_space<vmem_shared>>
        tpu.wait_dma2 semaphore(%run_scoped3A : memref<!tpu.dma_semaphore, #tpu.memory_space<semaphore_mem>>) src(%dma_wait3A_110 : memref<640x128xf32, #tpu.memory_space<vmem_shared>>) dst(%dma_wait3A_108 : memref<640x128xf32, #tpu.memory_space<hbm>>)
        tpu.yield
      }) : () -> ()
    } else {
    }
    %eq3A_98 = arith.constant 1 : i32
    %eq3A_99 = arith.cmpi eq, %arg0, %eq3A_98 : i32
    %convert_element_type3A_100 = arith.extui %eq3A_99 : i1 to i32
    %cond3A_101 = arith.constant 0 : i32
    %cond3A_102 = arith.cmpi ne, %convert_element_type3A_100, %cond3A_101 : i32
    scf.if %cond3A_102 {
      "tpu.region"() ({
        %run_scoped3A = tpu.sem_alloc : memref<!tpu.dma_semaphore, #tpu.memory_space<semaphore_mem>>
        %dma_start3A_103 = arith.constant 0 : i32
        %dma_start3A_104 = tpu.memref_slice %arg6[%mul3A_92, %dma_start3A_103] : memref<10240x128xf32, #tpu.memory_space<hbm>> -> memref<640x128xf32, #tpu.memory_space<hbm>>
        %dma_start3A_105 = arith.constant 0 : i32
        %dma_start3A_106 = tpu.memref_slice %arg17[%mul3A_92, %dma_start3A_105] : memref<10240x128xf32, #tpu.memory_space<vmem_shared>> -> memref<640x128xf32, #tpu.memory_space<vmem_shared>>
        tpu.enqueue_dma source(%dma_start3A_106 : memref<640x128xf32, #tpu.memory_space<vmem_shared>>) target(%dma_start3A_104 : memref<640x128xf32, #tpu.memory_space<hbm>>) target_semaphore(%run_scoped3A : memref<!tpu.dma_semaphore, #tpu.memory_space<semaphore_mem>>)
        %dma_wait3A_107 = arith.constant 0 : i32
        %dma_wait3A_108 = tpu.memref_slice %arg6[%mul3A_92, %dma_wait3A_107] : memref<10240x128xf32, #tpu.memory_space<hbm>> -> memref<640x128xf32, #tpu.memory_space<hbm>>
        %dma_wait3A_109 = arith.constant 0 : i32
        %dma_wait3A_110 = tpu.memref_slice %arg17[%mul3A_92, %dma_wait3A_109] : memref<10240x128xf32, #tpu.memory_space<vmem_shared>> -> memref<640x128xf32, #tpu.memory_space<vmem_shared>>
        tpu.wait_dma2 semaphore(%run_scoped3A : memref<!tpu.dma_semaphore, #tpu.memory_space<semaphore_mem>>) src(%dma_wait3A_110 : memref<640x128xf32, #tpu.memory_space<vmem_shared>>) dst(%dma_wait3A_108 : memref<640x128xf32, #tpu.memory_space<hbm>>)
        tpu.yield
      }) : () -> ()
    } else {
    }
    return
  }
}

module attributes {stable_mosaic.version = 14 : i64} {
  func.func @_mm_bias_body(%arg0: i32, %arg1: memref<1000x128xf32, #tpu.memory_space<vmem>>, %arg2: memref<128x128xf32, #tpu.memory_space<vmem>>, %arg3: memref<1x128xf32, #tpu.memory_space<vmem>>, %arg4: memref<1000x128xf32, #tpu.memory_space<vmem>>) attributes {dimension_semantics = [#tpu.dimension_semantics<arbitrary>], iteration_bounds = array<i64: 10>, scalar_prefetch = 0 : i64, scratch_operands = 0 : i64, tpu.core_type = #tpu.core_type<tc>, window_params = [{transform_indices = @transform_0, window_bounds = array<i64: 1000, 128>}, {pipeline_mode = #tpu.pipeline_mode<synchronous>, transform_indices = @transform_1, window_bounds = array<i64: 128, 128>}, {pipeline_mode = #tpu.pipeline_mode<synchronous>, transform_indices = @transform_2, window_bounds = array<i64: 1, 128>}, {transform_indices = @transform_3, window_bounds = array<i64: 1000, 128>}]} {
    %get3A = arith.constant 0 : index
    %get3A_0 = arith.constant 0 : index
    %get3A_1 = vector.load %arg1[%get3A, %get3A_0] : memref<1000x128xf32, #tpu.memory_space<vmem>>, vector<1000x128xf32>
    %get3A_2 = arith.constant 0 : index
    %get3A_3 = arith.constant 0 : index
    %get3A_4 = vector.load %arg2[%get3A_2, %get3A_3] : memref<128x128xf32, #tpu.memory_space<vmem>>, vector<128x128xf32>
    %dot_general3A = arith.constant dense<0.000000e+00> : vector<1000x128xf32>
    %dot_general3A_5 = tpu.matmul %get3A_1, %get3A_4, %dot_general3A {dimension_numbers = #tpu.dot_dimension_numbers<[1], [0], [0], [1], [0, 0, 1, 1], [], []>, transpose_lhs_hint = false} : vector<1000x128xf32>, vector<128x128xf32>, vector<1000x128xf32> -> vector<1000x128xf32>
    %get3A_6 = arith.constant 0 : index
    %get3A_7 = arith.constant 0 : index
    %get3A_8 = vector.load %arg3[%get3A_6, %get3A_7] : memref<1x128xf32, #tpu.memory_space<vmem>>, vector<1x128xf32>
    %add3A = vector.broadcast %get3A_8 : vector<1x128xf32> to vector<1000x128xf32>
    %add3A_9 = arith.addf %dot_general3A_5, %add3A : vector<1000x128xf32>
    %swap3A = arith.constant 0 : index
    %swap3A_10 = arith.constant 0 : index
    %swap3A_11 = vector.load %arg4[%swap3A, %swap3A_10] : memref<1000x128xf32, #tpu.memory_space<vmem>>, vector<1000x128xf32>
    tpu.vector_store %arg4[%swap3A, %swap3A_10], %add3A_9 {strides = array<i32>} : memref<1000x128xf32, #tpu.memory_space<vmem>>, vector<1000x128xf32>,
    return
  }
  func.func @transform_0(%arg0: i32) -> (i32, i32) {
    %c0_i32 = arith.constant 0 : i32
    %c0_i32_0 = arith.constant 0 : i32
    return %arg0, %c0_i32 : i32, i32
  }
  func.func @transform_1(%arg0: i32) -> (i32, i32) {
    %c0_i32 = arith.constant 0 : i32
    %c0_i32_0 = arith.constant 0 : i32
    %c0_i32_1 = arith.constant 0 : i32
    return %c0_i32, %c0_i32_0 : i32, i32
  }
  func.func @transform_2(%arg0: i32) -> (i32, i32) {
    %c0_i32 = arith.constant 0 : i32
    %c0_i32_0 = arith.constant 0 : i32
    %c0_i32_1 = arith.constant 0 : i32
    return %c0_i32, %c0_i32_0 : i32, i32
  }
  func.func @transform_3(%arg0: i32) -> (i32, i32) {
    %c0_i32 = arith.constant 0 : i32
    %c0_i32_0 = arith.constant 0 : i32
    return %arg0, %c0_i32 : i32, i32
  }
}

module attributes {stable_mosaic.version = 14 : i64} {
  func.func @_mm_t_body(%arg0: i32, %arg1: memref<16x3200xf32, #tpu.memory_space<vmem>>, %arg2: memref<16x128xf32, #tpu.memory_space<vmem>>, %arg3: memref<3200x128xf32, #tpu.memory_space<vmem>>) attributes {dimension_semantics = [#tpu.dimension_semantics<arbitrary>], iteration_bounds = array<i64: 100>, scalar_prefetch = 0 : i64, scratch_operands = 0 : i64, tpu.core_type = #tpu.core_type<tc>, window_params = [{transform_indices = @transform_0, window_bounds = array<i64: 16, 3200>}, {pipeline_mode = #tpu.pipeline_mode<synchronous>, transform_indices = @transform_1, window_bounds = array<i64: 16, 128>}, {transform_indices = @transform_2, window_bounds = array<i64: 3200, 128>}]} {
    %get3A = arith.constant 0 : index
    %get3A_0 = arith.constant 0 : index
    %get3A_1 = vector.load %arg1[%get3A, %get3A_0] : memref<16x3200xf32, #tpu.memory_space<vmem>>, vector<16x3200xf32>
    %get3A_2 = arith.constant 0 : index
    %get3A_3 = arith.constant 0 : index
    %get3A_4 = vector.load %arg2[%get3A_2, %get3A_3] : memref<16x128xf32, #tpu.memory_space<vmem>>, vector<16x128xf32>
    %dot_general3A = arith.constant dense<0.000000e+00> : vector<3200x128xf32>
    %dot_general3A_5 = tpu.matmul %get3A_1, %get3A_4, %dot_general3A {dimension_numbers = #tpu.dot_dimension_numbers<[0], [0], [1], [1], [0, 1, 1, 1], [], []>, transpose_lhs_hint = false} : vector<16x3200xf32>, vector<16x128xf32>, vector<3200x128xf32> -> vector<3200x128xf32>
    %swap3A = arith.constant 0 : index
    %swap3A_6 = arith.constant 0 : index
    %swap3A_7 = vector.load %arg3[%swap3A, %swap3A_6] : memref<3200x128xf32, #tpu.memory_space<vmem>>, vector<3200x128xf32>
    tpu.vector_store %arg3[%swap3A, %swap3A_6], %dot_general3A_5 {strides = array<i32>} : memref<3200x128xf32, #tpu.memory_space<vmem>>, vector<3200x128xf32>,
    return
  }
  func.func @transform_0(%arg0: i32) -> (i32, i32) {
    %c0_i32 = arith.constant 0 : i32
    %c0_i32_0 = arith.constant 0 : i32
    return %c0_i32, %arg0 : i32, i32
  }
  func.func @transform_1(%arg0: i32) -> (i32, i32) {
    %c0_i32 = arith.constant 0 : i32
    %c0_i32_0 = arith.constant 0 : i32
    %c0_i32_1 = arith.constant 0 : i32
    return %c0_i32, %c0_i32_0 : i32, i32
  }
  func.func @transform_2(%arg0: i32) -> (i32, i32) {
    %c0_i32 = arith.constant 0 : i32
    %c0_i32_0 = arith.constant 0 : i32
    return %arg0, %c0_i32 : i32, i32
  }
}

module attributes {stable_mosaic.version = 14 : i64} {
  func.func @_apply_body(%arg0: i32, %arg1: memref<1000x128xf32, #tpu.memory_space<vmem>>, %arg2: memref<1000x128xf32, #tpu.memory_space<vmem>>, %arg3: memref<1000x128xf32, #tpu.memory_space<vmem>>, %arg4: memref<128x128xf32, #tpu.memory_space<vmem>>, %arg5: memref<128x128xf32, #tpu.memory_space<vmem>>, %arg6: memref<1x128xf32, #tpu.memory_space<vmem>>, %arg7: memref<1000x128xf32, #tpu.memory_space<vmem>>) attributes {dimension_semantics = [#tpu.dimension_semantics<arbitrary>], iteration_bounds = array<i64: 10>, scalar_prefetch = 0 : i64, scratch_operands = 0 : i64, tpu.core_type = #tpu.core_type<tc>, window_params = [{transform_indices = @transform_0, window_bounds = array<i64: 1000, 128>}, {transform_indices = @transform_1, window_bounds = array<i64: 1000, 128>}, {transform_indices = @transform_2, window_bounds = array<i64: 1000, 128>}, {pipeline_mode = #tpu.pipeline_mode<synchronous>, transform_indices = @transform_3, window_bounds = array<i64: 128, 128>}, {pipeline_mode = #tpu.pipeline_mode<synchronous>, transform_indices = @transform_4, window_bounds = array<i64: 128, 128>}, {pipeline_mode = #tpu.pipeline_mode<synchronous>, transform_indices = @transform_5, window_bounds = array<i64: 1, 128>}, {transform_indices = @transform_6, window_bounds = array<i64: 1000, 128>}]} {
    %get3A = arith.constant 0 : index
    %get3A_0 = arith.constant 0 : index
    %get3A_1 = vector.load %arg2[%get3A, %get3A_0] : memref<1000x128xf32, #tpu.memory_space<vmem>>, vector<1000x128xf32>
    %get3A_2 = arith.constant 0 : index
    %get3A_3 = arith.constant 0 : index
    %get3A_4 = vector.load %arg3[%get3A_2, %get3A_3] : memref<1000x128xf32, #tpu.memory_space<vmem>>, vector<1000x128xf32>
    %add3A = arith.addf %get3A_1, %get3A_4 : vector<1000x128xf32>
    %get3A_5 = arith.constant 0 : index
    %get3A_6 = arith.constant 0 : index
    %get3A_7 = vector.load %arg1[%get3A_5, %get3A_6] : memref<1000x128xf32, #tpu.memory_space<vmem>>, vector<1000x128xf32>
    %get3A_8 = arith.constant 0 : index
    %get3A_9 = arith.constant 0 : index
    %get3A_10 = vector.load %arg4[%get3A_8, %get3A_9] : memref<128x128xf32, #tpu.memory_space<vmem>>, vector<128x128xf32>
    %dot_general3A = arith.constant dense<0.000000e+00> : vector<1000x128xf32>
    %dot_general3A_11 = tpu.matmul %get3A_7, %get3A_10, %dot_general3A {dimension_numbers = #tpu.dot_dimension_numbers<[1], [0], [0], [1], [0, 0, 1, 1], [], []>, transpose_lhs_hint = false} : vector<1000x128xf32>, vector<128x128xf32>, vector<1000x128xf32> -> vector<1000x128xf32>
    %get3A_12 = arith.constant 0 : index
    %get3A_13 = arith.constant 0 : index
    %get3A_14 = vector.load %arg5[%get3A_12, %get3A_13] : memref<128x128xf32, #tpu.memory_space<vmem>>, vector<128x128xf32>
    %dot_general3A_15 = arith.constant dense<0.000000e+00> : vector<1000x128xf32>
    %dot_general3A_16 = tpu.matmul %add3A, %get3A_14, %dot_general3A_15 {dimension_numbers = #tpu.dot_dimension_numbers<[1], [0], [0], [1], [0, 0, 1, 1], [], []>, transpose_lhs_hint = false} : vector<1000x128xf32>, vector<128x128xf32>, vector<1000x128xf32> -> vector<1000x128xf32>
    %add3A_17 = arith.addf %dot_general3A_11, %dot_general3A_16 : vector<1000x128xf32>
    %get3A_18 = arith.constant 0 : index
    %get3A_19 = arith.constant 0 : index
    %get3A_20 = vector.load %arg6[%get3A_18, %get3A_19] : memref<1x128xf32, #tpu.memory_space<vmem>>, vector<1x128xf32>
    %add3A_21 = vector.broadcast %get3A_20 : vector<1x128xf32> to vector<1000x128xf32>
    %add3A_22 = arith.addf %add3A_17, %add3A_21 : vector<1000x128xf32>
    %max3A = arith.constant 0.000000e+00 : f32
    %max3A_23 = vector.broadcast %max3A : f32 to vector<1000x128xf32>
    %max3A_24 = arith.maximumf %add3A_22, %max3A_23 : vector<1000x128xf32>
    %swap3A = arith.constant 0 : index
    %swap3A_25 = arith.constant 0 : index
    %swap3A_26 = vector.load %arg7[%swap3A, %swap3A_25] : memref<1000x128xf32, #tpu.memory_space<vmem>>, vector<1000x128xf32>
    tpu.vector_store %arg7[%swap3A, %swap3A_25], %max3A_24 {strides = array<i32>} : memref<1000x128xf32, #tpu.memory_space<vmem>>, vector<1000x128xf32>,
    return
  }
  func.func @transform_0(%arg0: i32) -> (i32, i32) {
    %c0_i32 = arith.constant 0 : i32
    %c0_i32_0 = arith.constant 0 : i32
    return %arg0, %c0_i32 : i32, i32
  }
  func.func @transform_1(%arg0: i32) -> (i32, i32) {
    %c0_i32 = arith.constant 0 : i32
    %c0_i32_0 = arith.constant 0 : i32
    return %arg0, %c0_i32 : i32, i32
  }
  func.func @transform_2(%arg0: i32) -> (i32, i32) {
    %c0_i32 = arith.constant 0 : i32
    %c0_i32_0 = arith.constant 0 : i32
    return %arg0, %c0_i32 : i32, i32
  }
  func.func @transform_3(%arg0: i32) -> (i32, i32) {
    %c0_i32 = arith.constant 0 : i32
    %c0_i32_0 = arith.constant 0 : i32
    %c0_i32_1 = arith.constant 0 : i32
    return %c0_i32, %c0_i32_0 : i32, i32
  }
  func.func @transform_4(%arg0: i32) -> (i32, i32) {
    %c0_i32 = arith.constant 0 : i32
    %c0_i32_0 = arith.constant 0 : i32
    %c0_i32_1 = arith.constant 0 : i32
    return %c0_i32, %c0_i32_0 : i32, i32
  }
  func.func @transform_5(%arg0: i32) -> (i32, i32) {
    %c0_i32 = arith.constant 0 : i32
    %c0_i32_0 = arith.constant 0 : i32
    %c0_i32_1 = arith.constant 0 : i32
    return %c0_i32, %c0_i32_0 : i32, i32
  }
  func.func @transform_6(%arg0: i32) -> (i32, i32) {
    %c0_i32 = arith.constant 0 : i32
    %c0_i32_0 = arith.constant 0 : i32
    return %arg0, %c0_i32 : i32, i32
  }
}

</mosaic_0001>

<sc_bundles>
// kernel: kernel.6.cloned.1.call-start
scs
__scs_entry_jumppad:
0x0: {  	(pc) =	sbr.rel $0x88, $3  }
0x1: {  	(tag) =	ssettag $0x0;
	lr =	simm.s32 $0x1  }
0x2: {  	[smem:$0x3F9A] =	sst lr;
	_ =	strace $0xD0000000  }
0x3: {  	_ = 	snop  }
0x4: {  	_ = 	snop  }
0x5: {  	_ = 	snop  }
0x6: {  	_ = 	snop  }
0x7: {  	_ = 	snop  }
__scs_overlays_trampoline_lowered:
0x8: {  	[smem:$0x3FA9] =	sst s0  }
0x9: {  	[smem:$0x3FAA] =	sst s1  }
0xa: {  	[smem:$0x3FAB] =	sst s2  }
0xb: {  	[smem:$0x3FAC] =	sst s3  }
0xc: {  	[smem:$0x3FAD] =	sst s4  }
0xd: {  	[smem:$0x3FAE] =	sst s5  }
0xe: {  	[smem:$0x3FAF] =	sst s6  }
0xf: {  	[smem:$0x3FB0] =	sst s7  }
0x10: {  	[smem:$0x3FB1] =	sst s8  }
0x11: {  	[smem:$0x3FB2] =	sst s9;
	s0 =	simm.s32 @!p0 $0x0  }
0x12: {  	s1 =	sld [smem:$0x3F98];
	s0 =	simm.s32 @p0 $0x1  }
0x13: {  	[smem:$0x3FB3] =	sst s0;
	s0 =	simm.s32 @!p1 $0x0  }
0x14: {  	s2 =	sld [smem:$0x3F97];
	s0 =	simm.s32 @p1 $0x1  }
0x15: {  	[smem:$0x3FB4] =	sst s0;
	s0 =	simm.s32 @!p2 $0x0  }
0x16: {  	s3 =	sld [smem:$0x3FDB];
	s0 =	simm.s32 @p2 $0x1  }
0x17: {  	s4 =	simm.s32 $0x1BF5;
	[smem:$0x3FB6] =	sst s0  }
0x18: {  	s0 =	sld [smem:$0x3F99];
	_ =	swait.ge [sflag:s4], $0x0  }
0x19: {  	s7 =	sld [smem:$0x3F9A]  }
0x1a: {  	s8 =	sadd.s32 $0xFFFFE003, lr  }
0x1b: {  	s9 =	sadd.s32 $0xFFFFFEF7, lr;
	s5 =	simm.s32 $0xFFFFFFFF;
	p2 =	slt.u32 s8, $0xFFFFF086  }
0x1c: {  	p1 =	slt.u32 s9, $0xF7A;
	s5 =	simm.s32 @!p2 $0x0  }
0x1d: {  	s5 =	simm.s32 @p1 $0x1;
	p0 =	seq.s32 s7, s2  }
0x1e: {  	s7 =	smul.u32 @!p0 $0xF7A, s2;
	p2 =	seq.s32 @!p0 s5, $0x0  }
0x1f: {  	s9 =	smul.u32 $0xF7A, s1;
	s8 =	simm.s32 @!p0 $0x1BF5;
	p2 =	por !p2, p0  }
0x20: {  	[sflag:s8] =	ssyncset.s32 @!p0 $0xFFFFF086;
	s6 =	sadd.s32 @!p0 s3, s7;
	s7 =	simm.s32 @!p0 $0x108  }
0x21: {  	s3 =	sadd.s32 s3, s9;
	s6 =	sadd.s32 @!p0 $0x88, s6;
	s7 =	simm.s32 @p2 $0x1082  }
0x22: {  	[simem:s7], [sflag:s8] =	dma.local @!p0 [hbm:s6], $0xF7A  }
0x23: {  	s9 =	sor.u32 $0xD0000000, s2;
	s6 =	simm.s32 $0x108;
	_ =	swait.ge @!p0 [sflag:s8], $0x0  }
0x24: {  	s3 =	sadd.s32 $0x88, s3;
	s6 =	simm.s32 @!p1 $0x1082;
	[sflag:s4] =	ssyncset.s32 $0xFFFFF086  }
0x25: {  	[simem:s6], [sflag:s4] =	dma.local [hbm:s3], $0xF7A  }
0x26: {  	[smem:$0x3F9A] =	sst s1;
	(tag) =	ssettag s2;
	_ =	strace s9  }
0x27: {  	s1 =	sld [smem:$0x3FAA]  }
0x28: {  	s2 =	sld [smem:$0x3FAB]  }
0x29: {  	s4 =	sld [smem:$0x3FAD]  }
0x2a: {  	p0 =	seq.s32 s5, $0x0;
	s5 =	sld [smem:$0x3FAE]  }
0x2b: {  	s6 =	sld [smem:$0x3FAF]  }
0x2c: {  	s7 =	sld [smem:$0x3FB0]  }
0x2d: {  	s3 =	simm.s32 $0x108;
	s8 =	sld [smem:$0x3FB1]  }
0x2e: {  	s3 =	simm.s32 @!p0 $0x1082;
	s9 =	sld [smem:$0x3FB2]  }
0x2f: {  	lr =	sadd.s32 s0, s3;
	s0 =	sld [smem:$0x3FA9]  }
0x30: {  	s3 =	sld [smem:$0x3FAC]  }
0x31: {  	[smem:$0x3FB5] =	sst s10  }
0x32: {  	s10 =	sld [smem:$0x3FB3];
	_ =	sdelay $0x3  }
0x33: {  	p0 =	seq.s32 s10, $0x1;
	s10 =	sld [smem:$0x3FB5];
	_ =	sdelay $0x3  }
0x34: {  	[smem:$0x3FB5] =	sst s10  }
0x35: {  	s10 =	sld [smem:$0x3FB4];
	_ =	sdelay $0x3  }
0x36: {  	p1 =	seq.s32 s10, $0x1;
	s10 =	sld [smem:$0x3FB5];
	_ =	sdelay $0x3  }
0x37: {  	[smem:$0x3FB5] =	sst s10  }
0x38: {  	s10 =	sld [smem:$0x3FB6]  }
0x39: {  	_ = 	snop;
	(pc) =	sbr.ind lr, $3  }
0x3a: {  	_ = 	snop  }
0x3b: {  	_ = 	snop  }
0x3c: {  	p2 =	seq.s32 s10, $0x1;
	s10 =	sld [smem:$0x3FB5]  }
0x3d: {  	_ =	shalt  }
0x3e: {  	_ =	shalt  }
0x3f: {  	_ =	shalt  }
0x40: {  	_ =	shalt  }
0x41: {  	_ =	shalt  }
0x42: {  	_ =	shalt  }
0x43: {  	_ =	shalt  }
0x44: {  	_ =	shalt  }
0x45: {  	_ =	shalt  }
0x46: {  	_ =	shalt  }
0x47: {  	_ =	shalt  }
0x48: {  	_ =	shalt  }
0x49: {  	_ =	shalt  }
0x4a: {  	_ =	shalt  }
0x4b: {  	_ =	shalt  }
0x4c: {  	_ =	shalt  }
0x4d: {  	_ =	shalt  }
0x4e: {  	_ =	shalt  }
0x4f: {  	_ =	shalt  }
0x50: {  	_ =	shalt  }
0x51: {  	_ =	shalt  }
0x52: {  	_ =	shalt  }
0x53: {  	_ =	shalt  }
0x54: {  	_ =	shalt  }
0x55: {  	_ =	shalt  }
0x56: {  	_ =	shalt  }
0x57: {  	_ =	shalt  }
0x58: {  	_ =	shalt  }
0x59: {  	_ =	shalt  }
0x5a: {  	_ =	shalt  }
0x5b: {  	_ =	shalt  }
0x5c: {  	_ =	shalt  }
0x5d: {  	_ =	shalt  }
0x5e: {  	_ =	shalt  }
0x5f: {  	_ =	shalt  }
0x60: {  	_ =	shalt  }
0x61: {  	_ =	shalt  }
0x62: {  	_ =	shalt  }
0x63: {  	_ =	shalt  }
0x64: {  	_ =	shalt  }
0x65: {  	_ =	shalt  }
0x66: {  	_ =	shalt  }
0x67: {  	_ =	shalt  }
0x68: {  	_ =	shalt  }
0x69: {  	_ =	shalt  }
0x6a: {  	_ =	shalt  }
0x6b: {  	_ =	shalt  }
0x6c: {  	_ =	shalt  }
0x6d: {  	_ =	shalt  }
0x6e: {  	_ =	shalt  }
0x6f: {  	_ =	shalt  }
0x70: {  	_ =	shalt  }
0x71: {  	_ =	shalt  }
0x72: {  	_ =	shalt  }
0x73: {  	_ =	shalt  }
0x74: {  	_ =	shalt  }
0x75: {  	_ =	shalt  }
0x76: {  	_ =	shalt  }
0x77: {  	_ =	shalt  }
0x78: {  	_ =	shalt  }
0x79: {  	_ =	shalt  }
0x7a: {  	_ =	shalt  }
0x7b: {  	_ =	shalt  }
0x7c: {  	_ =	shalt  }
0x7d: {  	_ =	shalt  }
0x7e: {  	_ =	shalt  }
0x7f: {  	_ =	shalt  }
0x80: {  	_ =	shalt  }
0x81: {  	_ =	shalt  }
0x82: {  	_ =	shalt  }
0x83: {  	_ =	shalt  }
0x84: {  	_ =	shalt  }
0x85: {  	_ =	shalt  }
0x86: {  	_ =	shalt  }
0x87: {  	_ =	shalt  }
.Lfunc_end0:
.L_simem_size_0:
called_computation_lowered:
.L_overlay_start_0:
0x88: {  	s2 =	sld [smem:$0x3FD9]  }
0x89: {  	s3 =	sld [smem:$0x3FFE];
	_ =	sdelay $0x1  }
0x8a: {  	s1 =	srdreg.scid  }
0x8b: {  	s0 =	sand.u32 $0x1, s1  }
0x8c: {  	s17 =	sshll.u32 s0, $0xA;
	s2 =	sadd.s32 s3, s2  }
0x8d: {  	s2 =	sadd.s32 s2, s17  }
0x8e: {  	[smem:$0x3FC1] =	sst s2  }
0x8f: {  	_ = 	snop  }
0x90: {  	s2 =	sld [smem:$0x3FD0];
	(tm) =	ssettm $0x1  }
0x91: {  	s18 =	sld [smem:$0x3FFB];
	_ =	sdelay $0x3  }
0x92: {  	_ =	strace s18  }
0x93: {  	s3 =	sld [smem:$0x3FFC];
	_ =	sdelay $0x3  }
0x94: {  	_ =	strace s3  }
0x95: {  	s3 =	sld [smem:$0x3FFD];
	_ =	sdelay $0x3  }
0x96: {  	_ =	strace s3  }
0x97: {  	_ =	strace $0x8FFFFFFF  }
0x98: {  	s19 =	sld [smem:$0x3FDB];
	_ =	sdelay $0x1  }
0x99: {  	s4 =	simm.s32 $_scs_section_size  }
0x9a: {  	s5 =	simm.s32 $_size__tile_overlayer_lowered;
	s6 =	simm.s32 $_tile_overlayer_lowered  }
0x9b: {  	s22 =	simm.s32 $0x1BFF;
	s21 =	sshll.u32 s6, $0x1;
	s3 =	sadd.s32 s4, s19  }
0x9c: {  	s7 =	simm.s32 $0x0;
	s20 =	sshll.u32 s5, $0x1;
	s5 =	sadd.s32 s21, s3  }
0x9d: {  	[timem:s7], [sflag:s22] =	dma.local [hbm:s5], s20  }
0x9e: {  	_ =	swait.ge [sflag:s22], s20  }
0x9f: {  	s4 =	ssub.s32 $0x0, s20;
	[sflag:s22] =	ssyncset.done $0x0  }
0xa0: {  	[sflag:s22] =	ssyncadd.s32 s4;
	_ =	sdelay $0x1  }
0xa1: {  	s23 =	simm.s32 $0x1B8B  }
0xa2: {  	_ =	swait.ge [sflag:s23], $0x1  }
0xa3: {  	[sflag:s23] =	ssyncset.done $0x0  }
0xa4: {  	s25 =	simm.s32 $0x1B8E;
	s24 =	sld [smem:$0x3FFE];
	[sflag:s23] =	ssyncadd.s32 $0xFFFFFFFF  }
0xa5: {  	s26 =	simm.s32 $execute0_lowered;
	[smem:$0x3FD2] =	sst s25  }
0xa6: {  	s5 =	sshll.u32 s26, $0x1;
	_ =	strace $0x80000046;
	[dreg:$0x1] =	wrdreg $0xFFFFFFFF  }
0xa7: {  	s28 =	simm.s32 $_size_execute0_lowered;
	s3 =	sadd.s32 s3, s5;
	[dreg:$0x0] =	wrdreg $0x0  }
0xa8: {  	s5 =	sshll.u32 s28, $0x1;
	[dreg:$0x2] =	wrdreg s3  }
0xa9: {  	[dreg:$0x3] =	wrdreg s5  }
0xaa: {  	[dreg:$0x4] =	wrdreg $0xC0  }
0xab: {  	_ =	task [dreg:s7], $0x5FFFF  }
0xac: {  	[dreg:$0x1] =	wrdreg $0xFFFFFFFF  }
0xad: {  	[dreg:$0x0] =	wrdreg $0x60  }
0xae: {  	[dreg:$0x2] =	wrdreg s2  }
0xaf: {  	[dreg:$0x3] =	wrdreg s24  }
0xb0: {  	[dreg:$0x4] =	wrdreg $0x83000  }
0xb1: {  	[dreg:$0x5] =	wrdreg $0x9  }
0xb2: {  	_ =	task.clear_ibuf [dreg:s7], $0x6FFFF;
	_ =	strace $0x90000046  }
0xb3: {  	s29 =	simm.s32 $0x9;
	_ =	strace $0x80000048  }
0xb4: {  	_ =	swait.ge [sflag:s29], $0x1  }
0xb5: {  	[sflag:s29] =	ssyncadd.s32 $0xFFFFFFFF  }
0xb6: {  	_ =	strace $0x90000048  }
0xb7: {  	_ =	sfence  }
0xb8: {  	s30 =	sld [smem:$0x0];
	_ =	sdelay $0x2  }
0xb9: {  	s31 =	sshll.u32 s1, $0xD;
	s1 =	sshrl.u32 s1, $0x2  }
0xba: {  	s3 =	sand.u32 $0x4000, s31;
	s1 =	sadd.s32 s1, s30  }
0xbb: {  	s0 =	sor.u32 s3, s0;
	s1 =	sshll.u32 s1, $0x11  }
0xbc: {  	s0 =	sor.u32 s1, s0  }
0xbd: {  	s0 =	sadd.s32 $0x8F2B, s0  }
0xbe: {  	[sflag:s0] =	ssyncadd.remote.s32 $0x1  }
0xbf: {  	_ =	sfence.sel $0xFFFF  }
0xc0: {  	[dreg:$0x0] =	wrdreg $0xFFFFFFFF;
	(pc) =	sbr.abs _section_cstart, $3  }
0xc1: {  	[dreg:$0x1] =	wrdreg $0xFFFFFFFF  }
0xc2: {  	_ =	task.clear_ibuf [dreg:s7], $0x2FFFF;
	_ =	strace $0x9FFFFFFF  }
0xc3: {  	(tm) =	ssettm $0x7FFFFFFF  }
tec
execute0_lowered:
.L_overlay_start_1:
0x0: {  	(tag) =	ssettag $0x1  }
0x1: {  	s1 =	rddreg [dreg:$0x0]  }
0x2: {  	s0 =	rddreg [dreg:$0x1]  }
0x3: {  	s4 =	simm.s32 $0x0;
	s11 =	stileid.u32;
	s2 =	srdreg.scid  }
0x4: {  	[smem:$0x7FF] =	sst s4;
	s7 =	smul.u32 $0x50000, s11;
	s5 =	sadd.s32 $0x1800, s0  }
0x5: {  	s6 =	sadd.s32 $0x501800, s0;
	s2 =	sand.u32 $0x1, s2;
	s8 =	sadd.s32 $0x50B800, s0  }
0x6: {  	s0 =	sadd.s32 $0x533800, s0;
	s24 =	smul.u32 $0x2800, s11;
	p0 =	seq.s32 s2, $0x0  }
0x7: {  	s3 =	rddreg [dreg:$0x2];
	_ =	strace $0x80000047;
	s0 =	smov.u32 @p0 s8  }
0x8: {  	s9 =	ssub.s32 $0x2, s2;
	s7 =	sshrl.u32 s7, $0x2;
	s0 =	sadd.s32 s0, s24  }
0x9: {  	s10 =	sshrl.u32 s9, $0x1;
	s13 =	sadd.s32 s7, s3;
	[dreg:$0x11] =	wrdreg s0  }
0xa: {  	s30 =	ssub.s32 s9, s10;
	s10 =	sadd.s32 $0x2000, s13;
	[dreg:$0x4] =	wrdreg s13  }
0xb: {  	s12 =	sadd.s32 $0x4000, s13;
	[dreg:$0x5] =	wrdreg s10  }
0xc: {  	s31 =	simm.s32 $0x7;
	s14 =	sadd.s32 $0x6000, s13;
	[dreg:$0x6] =	wrdreg s12  }
0xd: {  	s16 =	smul.u32 $0x4A, s11;
	s15 =	sadd.s32 $0x8000, s13;
	[dreg:$0x7] =	wrdreg s14  }
0xe: {  	s2 =	simm.s32 $0x40;
	s17 =	sadd.s32 $0xA000, s13;
	[dreg:$0x8] =	wrdreg s15  }
0xf: {  	s9 =	simm.s32 $0x300;
	s18 =	sadd.s32 $0xC000, s13;
	[dreg:$0x9] =	wrdreg s17  }
0x10: {  	s19 =	sadd.s32 $0x10000, s13;
	s26 =	smax.u32 s30, $0x1;
	[dreg:$0xa] =	wrdreg s18  }
0x11: {  	s28 =	sadd.s32 $0x12000, s13;
	s0 =	simm.s32 $0x1;
	[dreg:$0xc] =	wrdreg s19  }
0x12: {  	s10 =	smul.u32 $0xF6, s11;
	s12 =	sadd.s32 $0xE000, s13;
	[dreg:$0x12] =	wrdreg s26  }
0x13: {  	s15 =	sadd.s32 $0xF60, s16;
	s17 =	simm.s32 $0xF6;
	[dreg:$0x13] =	wrdreg s28  }
0x14: {  	s16 =	simm.s32 $0x4;
	[dreg:$0xb] =	wrdreg s12;
	s17 =	simm.s32 @!p0 $0x4A  }
0x15: {  	s12 =	simm.s32 $0x4300;
	s15 =	smov.u32 @p0 s10;
	s23 =	sshrl.u32 s17, $0x1  }
0x16: {  	s20 =	sshll.u32 s15, $0x6;
	s21 =	sshll.u32 s15, $0x3;
	s10 =	sshll.u32 s15, $0xA  }
0x17: {  	s29 =	sadd.s32 $0xFFFFFFFF, s23;
	s22 =	sadd.s32 s6, s21;
	s14 =	sadd.s32 $0x80, s20  }
0x18: {  	s10 =	sadd.s32 s5, s10;
	s24 =	sor.u32 $0x40, s20;
	[dreg:$0xe] =	wrdreg s14  }
0x19: {  	s21 =	simm.s32 $0x5;
	s25 =	sshrl.u32 s14, $0x3;
	[dreg:$0xf] =	wrdreg s10  }
0x1a: {  	[dreg:$0xd] =	wrdreg s22;
	s30 =	sadd.s32 $0x8, s22;
	s10 =	simm.s32 $0x2  }
0x1b: {  	s14 =	simm.s32 $0x3;
	s8 =	sadd.s32 s6, s25;
	[dreg:$0x14] =	wrdreg s30  }
0x1c: {  	v0 =	vimm.f32 $0.0e+00;
	s22 =	simm.s32 $0x6;
	[dreg:$0x10] =	wrdreg s8;
	s8 =	simm.s32 $0x0  }
.LBB2_1:
0x1d: {  	[dreg:$0x15] =	wrdreg s8;
	s7 =	simm.s32 $0x2380  }
0x1e: {  	[tilespmem:s7+$0xFFFFFF80] =	vst v0  }
0x1f: {  	[tilespmem:s7+$0x70] =	vst v0  }
0x20: {  	[tilespmem:s7+$0x60] =	vst v0  }
0x21: {  	[tilespmem:s7+$0x50] =	vst v0  }
0x22: {  	[tilespmem:s7+$0x40] =	vst v0  }
0x23: {  	[tilespmem:s7+$0x30] =	vst v0  }
0x24: {  	[tilespmem:s7+$0x20] =	vst v0  }
0x25: {  	[tilespmem:s7+$0x10] =	vst v0  }
0x26: {  	[tilespmem:s7+$0x0] =	vst v0  }
0x27: {  	[tilespmem:s7+$0xFFFFFFF0] =	vst v0  }
0x28: {  	[tilespmem:s7+$0xFFFFFFE0] =	vst v0  }
0x29: {  	[tilespmem:s7+$0xFFFFFFD0] =	vst v0  }
0x2a: {  	[tilespmem:s7+$0xFFFFFFC0] =	vst v0  }
0x2b: {  	[tilespmem:s7+$0xFFFFFFB0] =	vst v0  }
0x2c: {  	s8 =	simm.s32 $0x0;
	[tilespmem:s7+$0xFFFFFFA0] =	vst v0  }
.LBB2_2:
0x2d: {  	s8 =	sadd.s32 $0x2, s8;
	[tilespmem:s7+$0xFFFFFF90] =	vst v0;
	s7 =	sadd.s32 $0x100, s7  }
0x2e: {  	[tilespmem:s7+$0xFFFFFF80] =	vst v0;
	p0 =	slt.u32 s8, $0x3E  }
0x2f: {  	[tilespmem:s7+$0x70] =	vst v0  }
0x30: {  	[tilespmem:s7+$0x60] =	vst v0  }
0x31: {  	[tilespmem:s7+$0x50] =	vst v0  }
0x32: {  	[tilespmem:s7+$0x40] =	vst v0  }
0x33: {  	[tilespmem:s7+$0x30] =	vst v0  }
0x34: {  	[tilespmem:s7+$0x20] =	vst v0  }
0x35: {  	[tilespmem:s7+$0x10] =	vst v0  }
0x36: {  	[tilespmem:s7+$0x0] =	vst v0  }
0x37: {  	[tilespmem:s7+$0xFFFFFFF0] =	vst v0  }
.Ltmp0:
0x38: {  	[tilespmem:s7+$0xFFFFFFE0] =	vst v0;
	(pc) =	sbr.rel @p0 .LBB2_2-.Ltmp0, $4  }
0x39: {  	[tilespmem:s7+$0xFFFFFFD0] =	vst v0  }
0x3a: {  	[tilespmem:s7+$0xFFFFFFC0] =	vst v0  }
0x3b: {  	[tilespmem:s7+$0xFFFFFFB0] =	vst v0  }
0x3c: {  	[tilespmem:s7+$0xFFFFFFA0] =	vst v0  }
0x3d: {  	[tilespmem:s7+$0xFFFFFF90] =	vst v0;
	s8 =	simm.s32 $0x2300  }
0x3e: {  	[spmem:s13] =	stream.linear.scatter [tilespmem:s8], [sflag:$0x7], $0x2000, $0x38;
	[tilespmem:$0x1C300] =	vst v63  }
0x3f: {  	_ =	swait.ge [sflag:s31], $0x2000  }
0x40: {  	[sflag:s31] =	ssyncset.done $0x0  }
0x41: {  	s26 =	rddreg [dreg:$0x5];
	[sflag:s31] =	ssyncadd.s32 $0xFFFFE000  }
0x42: {  	[spmem:s26] =	stream.linear.scatter [tilespmem:s8], [sflag:$0x7], $0x2000, $0x38;
	[tilespmem:$0x1C300] =	vst v63  }
0x43: {  	_ =	swait.ge [sflag:s31], $0x2000  }
0x44: {  	[sflag:s31] =	ssyncset.done $0x0  }
0x45: {  	s28 =	rddreg [dreg:$0x6];
	[sflag:s31] =	ssyncadd.s32 $0xFFFFE000  }
0x46: {  	[spmem:s28] =	stream.linear.scatter [tilespmem:s8], [sflag:$0x7], $0x2000, $0x38;
	[tilespmem:$0x1C300] =	vst v63  }
0x47: {  	_ =	swait.ge [sflag:s31], $0x2000  }
0x48: {  	[sflag:s31] =	ssyncset.done $0x0  }
0x49: {  	s30 =	rddreg [dreg:$0x7];
	[sflag:s31] =	ssyncadd.s32 $0xFFFFE000  }
0x4a: {  	[spmem:s30] =	stream.linear.scatter [tilespmem:s8], [sflag:$0x7], $0x2000, $0x38;
	[tilespmem:$0x1C300] =	vst v63  }
0x4b: {  	_ =	swait.ge [sflag:s31], $0x2000  }
0x4c: {  	[sflag:s31] =	ssyncset.done $0x0  }
0x4d: {  	s11 =	rddreg [dreg:$0x8];
	[sflag:s31] =	ssyncadd.s32 $0xFFFFE000  }
0x4e: {  	[spmem:s11] =	stream.linear.scatter [tilespmem:s8], [sflag:$0x7], $0x2000, $0x38;
	[tilespmem:$0x1C300] =	vst v63  }
0x4f: {  	_ =	swait.ge [sflag:s31], $0x2000  }
0x50: {  	[sflag:s31] =	ssyncset.done $0x0  }
0x51: {  	s13 =	rddreg [dreg:$0x9];
	[sflag:s31] =	ssyncadd.s32 $0xFFFFE000  }
0x52: {  	[spmem:s13] =	stream.linear.scatter [tilespmem:s8], [sflag:$0x7], $0x2000, $0x38;
	[tilespmem:$0x1C300] =	vst v63  }
0x53: {  	_ =	swait.ge [sflag:s31], $0x2000  }
0x54: {  	[sflag:s31] =	ssyncset.done $0x0  }
0x55: {  	s18 =	rddreg [dreg:$0xa];
	[sflag:s31] =	ssyncadd.s32 $0xFFFFE000  }
0x56: {  	[spmem:s18] =	stream.linear.scatter [tilespmem:s8], [sflag:$0x7], $0x2000, $0x38;
	[tilespmem:$0x1C300] =	vst v63  }
0x57: {  	_ =	swait.ge [sflag:s31], $0x2000  }
0x58: {  	[sflag:s31] =	ssyncset.done $0x0  }
0x59: {  	s19 =	rddreg [dreg:$0xb];
	[sflag:s31] =	ssyncadd.s32 $0xFFFFE000  }
0x5a: {  	[spmem:s19] =	stream.linear.scatter [tilespmem:s8], [sflag:$0x7], $0x2000, $0x38;
	[tilespmem:$0x1C300] =	vst v63  }
0x5b: {  	_ =	swait.ge [sflag:s31], $0x2000  }
0x5c: {  	[sflag:s31] =	ssyncset.done $0x0  }
0x5d: {  	s20 =	rddreg [dreg:$0xc];
	[sflag:s31] =	ssyncadd.s32 $0xFFFFE000  }
0x5e: {  	[spmem:s20] =	stream.linear.scatter [tilespmem:s8], [sflag:$0x7], $0x2000, $0x38;
	[tilespmem:$0x1C300] =	vst v63  }
0x5f: {  	_ =	swait.ge [sflag:s31], $0x2000  }
0x60: {  	[sflag:s31] =	ssyncset.done $0x0  }
0x61: {  	s25 =	rddreg [dreg:$0x13];
	[sflag:s31] =	ssyncadd.s32 $0xFFFFE000  }
0x62: {  	[spmem:s25] =	stream.linear.scatter [tilespmem:s8], [sflag:$0x7], $0x2000, $0x38;
	[tilespmem:$0x1C300] =	vst v63  }
0x63: {  	_ =	swait.ge [sflag:s31], $0x2000  }
0x64: {  	[sflag:s31] =	ssyncset.done $0x0  }
0x65: {  	[sflag:s31] =	ssyncadd.s32 $0xFFFFE000  }
0x66: {  	[bflag:$0x0] =	sbarrier.arrive $0xFFFF  }
0x67: {  	s26 =	simm.s32 $0x0;
	s28 =	rddreg [dreg:$0xd]  }
0x68: {  	[tilespmem:s26], [sflag:$0x1] =	stream.linear.gather [hbm4b:s28+s26], $0x40, $0x38;
	[tilespmem:$0x1C300] =	vst v63  }
0x69: {  	s11 =	simm.s32 $0x80;
	s30 =	rddreg [dreg:$0x14]  }
0x6a: {  	[tilespmem:s11], [sflag:$0x2] =	stream.linear.gather [hbm4b:s30+s26], $0x40, $0x38;
	[tilespmem:$0x1C300] =	vst v63  }
0x6b: {  	_ =	swait.ge [sflag:s0], $0x40  }
0x6c: {  	[sflag:s0] =	ssyncset.done $0x0  }
0x6d: {  	s7 =	simm.s32 $0x0;
	[sflag:s0] =	ssyncadd.s32 $0xFFFFFFC0  }
0x6e: {  	v1 =	vld [tilespmem:s7+$0x0]  }
0x6f: {  	s8 =	simm.s32 $0x40  }
.LBB2_4:
0x70: {  	p0 =	sne.s32 s8, $0xC0  }
.Ltmp1:
0x71: {  	_ = 	snop;
	(pc) =	sbr.rel @p0 .LBB2_4-.Ltmp1, $4  }
0x72: {  	_ = 	snop  }
0x73: {  	s11 =	sshra.s32 s8, $0x2;
	s8 =	sadd.s32 $0x40, s8;
	v2 =	vand.u32 $0xFFFF, v1;
	v3 =	vshrl.u32 v1, $0x10  }
0x74: {  	v1 =	vld [tilespmem:s11+$0x0];
	[tilespmem:s7+$0x180] =	vst v3  }
0x75: {  	[tilespmem:s7+$0x100] =	vst v2;
	s7 =	smov.u32 s11  }
0x76: {  	_ =	sdelay $0x2  }
0x77: {  	v2 =	vshrl.u32 v1, $0x10  }
0x78: {  	v1 =	vand.u32 $0xFFFF, v1;
	[tilespmem:s7+$0x180] =	vst v2  }
0x79: {  	s25 =	simm.s32 $0x100;
	[tilespmem:s7+$0x100] =	vst v1  }
0x7a: {  	[tilespmem:s9], [sflag:$0x3] =	stream.indirect.gather [hbm4b:s1+s2], $0x80, s25, s2, $0xb8;
	[tilespmem:$0x1C300] =	vst v63  }
0x7b: {  	s28 =	simm.s32 $0x0;
	s8 =	simm.s32 $0x2300;
	s26 =	rddreg [dreg:$0xf]  }
0x7c: {  	[tilespmem:s8], [sflag:$0x4] =	stream.linear.gather [hbm4b:s26+s28], $0x2000, $0x38;
	[tilespmem:$0x1C300] =	vst v63  }
0x7d: {  	s30 =	rddreg [dreg:$0x10]  }
0x7e: {  	[tilespmem:s28], [sflag:$0x1] =	stream.linear.gather [hbm4b:s30+s28], $0x40, $0x38;
	[tilespmem:$0x1C300] =	vst v63  }
.LBB2_6:
0x7f: {  	_ =	swait.ge [sflag:s10], $0x40  }
0x80: {  	[sflag:s10] =	ssyncset.done $0x0  }
0x81: {  	s8 =	simm.s32 $0x0;
	[sflag:s10] =	ssyncadd.s32 $0xFFFFFFC0  }
0x82: {  	v1 =	vld [tilespmem:s8+$0x80]  }
0x83: {  	s7 =	simm.s32 $0x40  }
.LBB2_7:
0x84: {  	p0 =	sne.s32 s7, $0xC0  }
.Ltmp2:
0x85: {  	_ = 	snop;
	(pc) =	sbr.rel @p0 .LBB2_7-.Ltmp2, $4  }
0x86: {  	_ = 	snop  }
0x87: {  	s11 =	sshra.s32 s7, $0x2;
	s7 =	sadd.s32 $0x40, s7;
	v2 =	vand.u32 $0xFFFF, v1;
	v3 =	vshrl.u32 v1, $0x10  }
0x88: {  	v1 =	vld [tilespmem:s11+$0x80];
	[tilespmem:s8+$0x280] =	vst v3  }
0x89: {  	[tilespmem:s8+$0x200] =	vst v2;
	s8 =	smov.u32 s11  }
0x8a: {  	_ =	sdelay $0x2  }
0x8b: {  	s7 =	sshll.u32 s28, $0x7;
	v2 =	vshrl.u32 v1, $0x10  }
0x8c: {  	s19 =	sadd.s32 s7, s24;
	v1 =	vand.u32 $0xFFFF, v1;
	[tilespmem:s8+$0x280] =	vst v2  }
0x8d: {  	s11 =	simm.s32 $0x200;
	[tilespmem:s8+$0x200] =	vst v1;
	s8 =	sshll.u32 s19, $0x4  }
0x8e: {  	[tilespmem:s12], [sflag:$0x5] =	stream.indirect.gather [hbm4b:s1+s2], $0x80, s11, s2, $0xb8;
	[tilespmem:$0x1C300] =	vst v63  }
0x8f: {  	s18 =	sshll.u32 s28, $0x1;
	s20 =	simm.s32 $0x6300;
	s8 =	sadd.s32 s5, s8  }
0x90: {  	[tilespmem:s20], [sflag:$0x6] =	stream.linear.gather [hbm4b:s8+s4], $0x2000, $0x38;
	[tilespmem:$0x1C300] =	vst v63  }
0x91: {  	s8 =	sadd.s32 $0x3, s18  }
0x92: {  	p0 =	sge.u32 s8, s17  }
0x93: {  	s8 =	sadd.s32 @!p0 s15, s8  }
0x94: {  	s8 =	sshll.u32 @!p0 s8, $0x3  }
0x95: {  	s11 =	simm.s32 @!p0 $0x0;
	s13 =	simm.s32 @!p0 $0x80;
	s8 =	sadd.s32 @!p0 s6, s8  }
0x96: {  	[tilespmem:s13], [sflag:$0x2] =	stream.linear.gather @!p0 [hbm4b:s8+s11], $0x40, $0x38;
	[tilespmem:$0x1C300] =	vst v63  }
0x97: {  	_ =	swait.ge [sflag:s14], $0x2000  }
0x98: {  	[sflag:s14] =	ssyncset.done $0x0  }
0x99: {  	[sflag:s14] =	ssyncadd.s32 $0xFFFFE000  }
0x9a: {  	_ =	swait.ge [sflag:s16], $0x2000  }
0x9b: {  	[sflag:s16] =	ssyncset.done $0x0  }
0x9c: {  	s26 =	simm.s32 $0x380;
	[sflag:s16] =	ssyncadd.s32 $0xFFFFE000  }
0x9d: {  	s25 =	simm.s32 $0x2380;
	v1 =	vld [tilespmem:s26+$0x0]  }
0x9e: {  	v2 =	vld [tilespmem:s25+$0x0];
	_ =	sdelay $0x4  }
0x9f: {  	v1 =	vadd.f32 v2, v1;
	_ =	sdelay $0x1  }
0xa0: {  	v1 =	vmax.f32 v1, $0.0e+00  }
0xa1: {  	[tilespmem:s26+$0x0] =	vst v1;
	v1 =	vld [tilespmem:s26+$0x10]  }
0xa2: {  	v2 =	vld [tilespmem:s25+$0x10];
	_ =	sdelay $0x3  }
0xa3: {  	v3 =	vld [tilespmem:s26+$0xFFFFFF80]  }
0xa4: {  	v1 =	vadd.f32 v2, v1;
	v2 =	vld [tilespmem:s25+$0xFFFFFF80];
	_ =	sdelay $0x1  }
0xa5: {  	v1 =	vmax.f32 v1, $0.0e+00  }
0xa6: {  	[tilespmem:s26+$0x10] =	vst v1;
	v1 =	vld [tilespmem:s26+$0x20]  }
0xa7: {  	v4 =	vld [tilespmem:s25+$0x20]  }
0xa8: {  	s8 =	simm.s32 $0x480;
	v5 =	vld [tilespmem:s26+$0xFFFFFFA0];
	v2 =	vadd.f32 v2, v3  }
0xa9: {  	v7 =	vld [tilespmem:s8+$0x0]  }
0xaa: {  	v8 =	vld [tilespmem:s26+$0xFFFFFFC0];
	v2 =	vmax.f32 v2, $0.0e+00  }
0xab: {  	v3 =	vld [tilespmem:s26+$0xFFFFFF90];
	[tilespmem:s26+$0xFFFFFF80] =	vst v2  }
0xac: {  	v1 =	vadd.f32 v4, v1;
	v2 =	vld [tilespmem:s25+$0xFFFFFF90]  }
0xad: {  	v9 =	vld [tilespmem:s26+$0xFFFFFFD0]  }
0xae: {  	v10 =	vld [tilespmem:s26+$0x40];
	v1 =	vmax.f32 v1, $0.0e+00  }
0xaf: {  	[tilespmem:s26+$0x20] =	vst v1;
	v1 =	vld [tilespmem:s26+$0x30]  }
0xb0: {  	v6 =	vld [tilespmem:s25+$0x30]  }
0xb1: {  	s30 =	simm.s32 $0x2480;
	v11 =	vld [tilespmem:s8+$0x10];
	v2 =	vadd.f32 v2, v3  }
0xb2: {  	v3 =	vld [tilespmem:s30+$0x0]  }
0xb3: {  	s11 =	simm.s32 $0x2580;
	v13 =	vld [tilespmem:s26+$0xFFFFFFE0];
	v2 =	vmax.f32 v2, $0.0e+00  }
0xb4: {  	v17 =	vld [tilespmem:s11+$0xFFFFFF80];
	[tilespmem:s26+$0xFFFFFF90] =	vst v2  }
0xb5: {  	v1 =	vadd.f32 v6, v1;
	v2 =	vld [tilespmem:s25+$0xFFFFFFA0]  }
0xb6: {  	v6 =	vld [tilespmem:s30+$0xFFFFFF80]  }
0xb7: {  	s19 =	simm.s32 $0x580;
	v3 =	vadd.f32 v3, v7;
	v7 =	vld [tilespmem:s8+$0xFFFFFF80];
	v1 =	vmax.f32 v1, $0.0e+00  }
0xb8: {  	v18 =	vld [tilespmem:s19+$0xFFFFFF80];
	[tilespmem:s26+$0x30] =	vst v1  }
0xb9: {  	v1 =	vmax.f32 v3, $0.0e+00;
	v3 =	vld [tilespmem:s25+$0x40]  }
0xba: {  	v19 =	vld [tilespmem:s19+$0xFFFFFF90];
	[tilespmem:s8+$0x0] =	vst v1  }
0xbb: {  	v12 =	vld [tilespmem:s30+$0x10];
	v2 =	vadd.f32 v2, v5  }
0xbc: {  	v63 =	vld [tilespmem:s8+$0x60];
	v5 =	vadd.f32 v6, v7  }
0xbd: {  	v4 =	vld [tilespmem:s26+$0xFFFFFFB0];
	v2 =	vmax.f32 v2, $0.0e+00  }
0xbe: {  	v6 =	vld [tilespmem:s8+$0xFFFFFF90];
	[tilespmem:s26+$0xFFFFFFA0] =	vst v2;
	v2 =	vmax.f32 v5, $0.0e+00;
	v3 =	vadd.f32 v3, v10  }
0xbf: {  	v5 =	vld [tilespmem:s25+$0xFFFFFFB0];
	[tilespmem:s8+$0xFFFFFF80] =	vst v2  }
0xc0: {  	v10 =	vld [tilespmem:s30+$0xFFFFFF90];
	v2 =	vmax.f32 v3, $0.0e+00;
	v3 =	vadd.f32 v12, v11  }
0xc1: {  	v12 =	vld [tilespmem:s8+$0x20]  }
0xc2: {  	[tilespmem:s26+$0x40] =	vst v2;
	v2 =	vld [tilespmem:s26+$0x50];
	v3 =	vmax.f32 v3, $0.0e+00  }
0xc3: {  	v11 =	vld [tilespmem:s25+$0x50];
	[tilespmem:s8+$0x10] =	vst v3  }
0xc4: {  	v3 =	vadd.f32 v5, v4;
	v14 =	vld [tilespmem:s30+$0x20]  }
0xc5: {  	v1 =	vld [tilespmem:s26+$0xFFFFFFF0]  }
0xc6: {  	v7 =	vld [tilespmem:s8+$0xFFFFFFA0];
	v4 =	vadd.f32 v10, v6;
	v10 =	vmax.f32 v3, $0.0e+00  }
0xc7: {  	v5 =	vld [tilespmem:s8+$0xFFFFFFB0];
	[tilespmem:s26+$0xFFFFFFB0] =	vst v10  }
0xc8: {  	v2 =	vadd.f32 v11, v2;
	v11 =	vld [tilespmem:s25+$0xFFFFFFC0]  }
0xc9: {  	v6 =	vld [tilespmem:s8+$0xFFFFFFC0];
	v4 =	vmax.f32 v4, $0.0e+00;
	v10 =	vadd.f32 v14, v12  }
0xca: {  	v3 =	vld [tilespmem:s8+$0xFFFFFFD0];
	[tilespmem:s8+$0xFFFFFF90] =	vst v4;
	v2 =	vmax.f32 v2, $0.0e+00  }
0xcb: {  	v4 =	vld [tilespmem:s8+$0xFFFFFFE0];
	[tilespmem:s26+$0x50] =	vst v2;
	v2 =	vmax.f32 v10, $0.0e+00  }
0xcc: {  	v14 =	vld [tilespmem:s8+$0x30];
	[tilespmem:s8+$0x20] =	vst v2  }
0xcd: {  	v8 =	vadd.f32 v11, v8;
	v15 =	vld [tilespmem:s30+$0x30]  }
0xce: {  	v12 =	vld [tilespmem:s30+$0xFFFFFFA0]  }
0xcf: {  	v11 =	vld [tilespmem:s19+$0x0];
	v8 =	vmax.f32 v8, $0.0e+00  }
0xd0: {  	[tilespmem:s26+$0xFFFFFFC0] =	vst v8;
	v8 =	vld [tilespmem:s11+$0x0]  }
0xd1: {  	v10 =	vld [tilespmem:s26+$0x60]  }
0xd2: {  	v16 =	vld [tilespmem:s25+$0x60];
	v14 =	vadd.f32 v15, v14  }
0xd3: {  	v2 =	vld [tilespmem:s8+$0xFFFFFFF0]  }
0xd4: {  	v7 =	vadd.f32 v12, v7;
	v12 =	vld [tilespmem:s8+$0x40];
	v14 =	vmax.f32 v14, $0.0e+00  }
0xd5: {  	v15 =	vld [tilespmem:s25+$0xFFFFFFD0];
	v8 =	vadd.f32 v8, v11;
	[tilespmem:s8+$0x30] =	vst v14  }
0xd6: {  	v7 =	vmax.f32 v7, $0.0e+00;
	v14 =	vld [tilespmem:s30+$0x40]  }
0xd7: {  	[tilespmem:s8+$0xFFFFFFA0] =	vst v7;
	v11 =	vld [tilespmem:s26+$0x70];
	v7 =	vmax.f32 v8, $0.0e+00;
	v8 =	vadd.f32 v16, v10  }
0xd8: {  	v10 =	vld [tilespmem:s30+$0xFFFFFFB0]  }
0xd9: {  	v16 =	vld [tilespmem:s19+$0x10];
	[tilespmem:s19+$0x0] =	vst v7;
	v7 =	vadd.f32 v17, v18;
	v8 =	vmax.f32 v8, $0.0e+00  }
0xda: {  	v17 =	vld [tilespmem:s11+$0x10];
	[tilespmem:s26+$0x60] =	vst v8  }
0xdb: {  	v7 =	vmax.f32 v7, $0.0e+00;
	v62 =	vld [tilespmem:s25+$0x70];
	v12 =	vadd.f32 v14, v12  }
0xdc: {  	[tilespmem:s19+$0xFFFFFF80] =	vst v7;
	v14 =	vld [tilespmem:s19+$0xFFFFFFA0]  }
0xdd: {  	v8 =	vld [tilespmem:s11+$0xFFFFFF90];
	v7 =	vmax.f32 v12, $0.0e+00  }
0xde: {  	v5 =	vadd.f32 v10, v5;
	v10 =	vld [tilespmem:s8+$0x50];
	[tilespmem:s8+$0x40] =	vst v7  }
0xdf: {  	v16 =	vadd.f32 v17, v16;
	v12 =	vld [tilespmem:s30+$0x50]  }
0xe0: {  	v5 =	vmax.f32 v5, $0.0e+00;
	v17 =	vld [tilespmem:s19+$0x20]  }
0xe1: {  	v9 =	vadd.f32 v15, v9;
	v7 =	vld [tilespmem:s19+$0xFFFFFFB0];
	[tilespmem:s8+$0xFFFFFFB0] =	vst v5;
	v16 =	vmax.f32 v16, $0.0e+00  }
0xe2: {  	v15 =	vld [tilespmem:s30+$0xFFFFFFC0];
	[tilespmem:s19+$0x10] =	vst v16;
	v16 =	vadd.f32 v8, v19  }
0xe3: {  	v5 =	vld [tilespmem:s19+$0xFFFFFFC0];
	v8 =	vmax.f32 v9, $0.0e+00  }
0xe4: {  	v9 =	vld [tilespmem:s11+$0x20];
	[tilespmem:s26+$0xFFFFFFD0] =	vst v8;
	v10 =	vadd.f32 v12, v10;
	v12 =	vmax.f32 v16, $0.0e+00  }
0xe5: {  	[tilespmem:s19+$0xFFFFFF90] =	vst v12;
	v12 =	vld [tilespmem:s25+$0xFFFFFFE0]  }
0xe6: {  	v8 =	vld [tilespmem:s19+$0xFFFFFFD0];
	v10 =	vmax.f32 v10, $0.0e+00  }
0xe7: {  	v16 =	vld [tilespmem:s11+$0xFFFFFFA0];
	[tilespmem:s8+$0x50] =	vst v10;
	v10 =	vadd.f32 v15, v6  }
0xe8: {  	v20 =	vld [tilespmem:s30+$0x60]  }
0xe9: {  	v15 =	vadd.f32 v9, v17;
	v6 =	vld [tilespmem:s19+$0xFFFFFFE0];
	v9 =	vmax.f32 v10, $0.0e+00  }
0xea: {  	[tilespmem:s8+$0xFFFFFFC0] =	vst v9;
	v10 =	vadd.f32 v12, v13;
	v9 =	vld [tilespmem:s19+$0xFFFFFFF0]  }
0xeb: {  	v11 =	vadd.f32 v62, v11;
	v13 =	vmax.f32 v15, $0.0e+00;
	v12 =	vld [tilespmem:s30+$0xFFFFFFD0]  }
0xec: {  	[tilespmem:s19+$0x20] =	vst v13;
	v14 =	vadd.f32 v16, v14;
	v13 =	vld [tilespmem:s19+$0x30];
	v10 =	vmax.f32 v10, $0.0e+00  }
0xed: {  	v11 =	vmax.f32 v11, $0.0e+00;
	v15 =	vld [tilespmem:s11+$0x30];
	v16 =	vadd.f32 v20, v63;
	[tilespmem:s26+$0xFFFFFFE0] =	vst v10  }
0xee: {  	[tilespmem:s26+$0x70] =	vst v11;
	v10 =	vmax.f32 v14, $0.0e+00;
	v11 =	vld [tilespmem:s25+$0xFFFFFFF0]  }
0xef: {  	s20 =	simm.s32 $0x4;
	s13 =	simm.s32 $0x2580;
	[tilespmem:s19+$0xFFFFFFA0] =	vst v10;
	s25 =	simm.s32 $0x680;
	v10 =	vld [tilespmem:s8+$0x70];
	v14 =	vmax.f32 v16, $0.0e+00  }
.LBB2_9:
0xf0: {  	v16 =	vld [tilespmem:s25+$0x0];
	v12 =	vadd.f32 v12, v3;
	[tilespmem:s8+$0x60] =	vst v14;
	v3 =	vmov v8  }
0xf1: {  	s11 =	sadd.s32 $0x100, s11;
	v8 =	vld [tilespmem:s30+$0x70]  }
0xf2: {  	s20 =	sadd.s32 $0x2, s20;
	v14 =	vld [tilespmem:s11+$0x0];
	v13 =	vadd.f32 v15, v13;
	v12 =	vmax.f32 v12, $0.0e+00  }
0xf3: {  	p0 =	slt.u32 s20, $0x3E;
	v15 =	vld [tilespmem:s11+$0xFFFFFF80];
	[tilespmem:s8+$0xFFFFFFD0] =	vst v12;
	v11 =	vadd.f32 v11, v1;
	v1 =	vmov v2;
	v2 =	vmov v9  }
0xf4: {  	v9 =	vld [tilespmem:s25+$0xFFFFFF80];
	v12 =	vmax.f32 v13, $0.0e+00  }
0xf5: {  	[tilespmem:s19+$0x30] =	vst v12;
	v12 =	vld [tilespmem:s19+$0x40];
	v11 =	vmax.f32 v11, $0.0e+00  }
0xf6: {  	v13 =	vld [tilespmem:s13+$0x40];
	v8 =	vadd.f32 v8, v10;
	[tilespmem:s26+$0xFFFFFFF0] =	vst v11;
	s26 =	smov.u32 s8;
	s8 =	smov.u32 s19;
	s19 =	smov.u32 s25  }
0xf7: {  	v10 =	vld [tilespmem:s25+$0xFFFFFF90];
	v11 =	vadd.f32 v14, v16  }
0xf8: {  	v14 =	vld [tilespmem:s25+$0xFFFFFFA0];
	v8 =	vmax.f32 v8, $0.0e+00  }
0xf9: {  	v9 =	vadd.f32 v15, v9;
	v11 =	vmax.f32 v11, $0.0e+00;
	v15 =	vld [tilespmem:s13+$0xFFFFFFB0];
	[tilespmem:s26+$0x70] =	vst v8  }
0xfa: {  	[tilespmem:s25+$0x0] =	vst v11;
	v8 =	vld [tilespmem:s25+$0x10]  }
0xfb: {  	v9 =	vmax.f32 v9, $0.0e+00;
	v11 =	vld [tilespmem:s11+$0x10];
	v12 =	vadd.f32 v13, v12  }
0xfc: {  	[tilespmem:s25+$0xFFFFFF80] =	vst v9;
	v9 =	vld [tilespmem:s25+$0xFFFFFFB0]  }
0xfd: {  	v13 =	vld [tilespmem:s11+$0xFFFFFF90];
	v12 =	vmax.f32 v12, $0.0e+00  }
0xfe: {  	v18 =	vadd.f32 v15, v7;
	[tilespmem:s8+$0x40] =	vst v12;
	v12 =	vld [tilespmem:s8+$0x50]  }
0xff: {  	v15 =	vld [tilespmem:s13+$0x50]  }
0x100: {  	v16 =	vld [tilespmem:s25+$0xFFFFFFC0];
	v11 =	vadd.f32 v11, v8;
	v17 =	vmax.f32 v18, $0.0e+00  }
0x101: {  	v8 =	vld [tilespmem:s25+$0xFFFFFFD0];
	[tilespmem:s8+$0xFFFFFFB0] =	vst v17;
	v7 =	vmov v9  }
0x102: {  	v9 =	vadd.f32 v13, v10;
	v10 =	vmax.f32 v11, $0.0e+00;
	v11 =	vld [tilespmem:s13+$0xFFFFFFC0]  }
0x103: {  	[tilespmem:s25+$0x10] =	vst v10;
	v10 =	vld [tilespmem:s25+$0x20]  }
0x104: {  	v9 =	vmax.f32 v9, $0.0e+00;
	v13 =	vld [tilespmem:s11+$0x20];
	v12 =	vadd.f32 v15, v12  }
0x105: {  	[tilespmem:s25+$0xFFFFFF90] =	vst v9;
	v15 =	vld [tilespmem:s30+$0xFFFFFFE0]  }
0x106: {  	v17 =	vld [tilespmem:s11+$0xFFFFFFA0];
	v9 =	vmax.f32 v12, $0.0e+00  }
0x107: {  	v11 =	vadd.f32 v11, v5;
	[tilespmem:s8+$0x50] =	vst v9;
	v18 =	vld [tilespmem:s8+$0x60];
	v5 =	vmov v16  }
0x108: {  	v16 =	vld [tilespmem:s13+$0x60]  }
0x109: {  	v19 =	vld [tilespmem:s25+$0xFFFFFFE0];
	v10 =	vadd.f32 v13, v10;
	v11 =	vmax.f32 v11, $0.0e+00  }
0x10a: {  	v9 =	vld [tilespmem:s25+$0xFFFFFFF0];
	[tilespmem:s8+$0xFFFFFFC0] =	vst v11;
	v11 =	vadd.f32 v15, v4;
	v4 =	vmov v6  }
.Ltmp3:
0x10b: {  	v20 =	vadd.f32 v17, v14;
	v10 =	vmax.f32 v10, $0.0e+00;
	v12 =	vld [tilespmem:s13+$0xFFFFFFD0];
	(pc) =	sbr.rel @p0 .LBB2_9-.Ltmp3, $4  }
0x10c: {  	[tilespmem:s25+$0x20] =	vst v10;
	v13 =	vld [tilespmem:s25+$0x30];
	v10 =	vmax.f32 v11, $0.0e+00  }
0x10d: {  	v17 =	vmax.f32 v20, $0.0e+00;
	v15 =	vld [tilespmem:s11+$0x30];
	v14 =	vadd.f32 v16, v18;
	[tilespmem:s26+$0xFFFFFFE0] =	vst v10  }
0x10e: {  	[tilespmem:s25+$0xFFFFFFA0] =	vst v17;
	v11 =	vld [tilespmem:s30+$0xFFFFFFF0];
	v6 =	vmov v19;
	s30 =	smov.u32 s13;
	s13 =	smov.u32 s11  }
0x10f: {  	s25 =	sadd.s32 $0x100, s25;
	v14 =	vmax.f32 v14, $0.0e+00;
	v10 =	vld [tilespmem:s8+$0x70]  }
0x110: {  	v16 =	vld [tilespmem:s13+$0xFFFFFFB0];
	_ =	sdelay $0x3  }
0x111: {  	v13 =	vadd.f32 v15, v13  }
0x112: {  	v7 =	vadd.f32 v16, v7  }
0x113: {  	v13 =	vmax.f32 v13, $0.0e+00  }
0x114: {  	v55 =	vld [tilespmem:s19+$0x40];
	[tilespmem:s19+$0x30] =	vst v13;
	v7 =	vmax.f32 v7, $0.0e+00  }
0x115: {  	v56 =	vld [tilespmem:s13+$0x40];
	[tilespmem:s19+$0xFFFFFFB0] =	vst v7  }
0x116: {  	v7 =	vld [tilespmem:s13+$0xFFFFFFC0];
	_ =	sdelay $0x3  }
0x117: {  	v13 =	vadd.f32 v56, v55  }
0x118: {  	v5 =	vadd.f32 v7, v5  }
0x119: {  	v13 =	vmax.f32 v13, $0.0e+00  }
0x11a: {  	v57 =	vld [tilespmem:s19+$0x50];
	[tilespmem:s19+$0x40] =	vst v13;
	v5 =	vmax.f32 v5, $0.0e+00  }
0x11b: {  	v13 =	vld [tilespmem:s13+$0x50];
	[tilespmem:s19+$0xFFFFFFC0] =	vst v5  }
0x11c: {  	v5 =	vld [tilespmem:s13+$0xFFFFFFD0];
	_ =	sdelay $0x1  }
0x11d: {  	v3 =	vadd.f32 v12, v3;
	_ =	sdelay $0x1  }
0x11e: {  	v3 =	vmax.f32 v3, $0.0e+00;
	v7 =	vadd.f32 v13, v57  }
0x11f: {  	[tilespmem:s8+$0xFFFFFFD0] =	vst v3;
	v5 =	vadd.f32 v5, v8  }
0x120: {  	v58 =	vld [tilespmem:s30+$0xFFFFFFE0];
	v3 =	vmax.f32 v7, $0.0e+00  }
0x121: {  	[tilespmem:s19+$0x50] =	vst v3;
	v3 =	vld [tilespmem:s19+$0x60];
	v5 =	vmax.f32 v5, $0.0e+00  }
0x122: {  	v59 =	vld [tilespmem:s13+$0x60];
	[tilespmem:s19+$0xFFFFFFD0] =	vst v5  }
0x123: {  	v5 =	vld [tilespmem:s13+$0xFFFFFFE0];
	_ =	sdelay $0x2  }
0x124: {  	v4 =	vadd.f32 v58, v4  }
0x125: {  	v3 =	vadd.f32 v59, v3  }
0x126: {  	[tilespmem:s8+$0x60] =	vst v14;
	v61 =	vld [tilespmem:s19+$0x70];
	v4 =	vmax.f32 v4, $0.0e+00;
	v5 =	vadd.f32 v5, v6  }
0x127: {  	v60 =	vld [tilespmem:s30+$0x70];
	[tilespmem:s8+$0xFFFFFFE0] =	vst v4;
	v3 =	vmax.f32 v3, $0.0e+00  }
0x128: {  	v62 =	vld [tilespmem:s30+$0xFFFFFFF0];
	[tilespmem:s19+$0x60] =	vst v3;
	v3 =	vmax.f32 v5, $0.0e+00  }
0x129: {  	v63 =	vld [tilespmem:s13+$0x70];
	[tilespmem:s19+$0xFFFFFFE0] =	vst v3  }
0x12a: {  	v3 =	vld [tilespmem:s13+$0xFFFFFFF0]  }
0x12b: {  	v1 =	vadd.f32 v11, v1  }
0x12c: {  	v7 =	vadd.f32 v60, v10  }
0x12d: {  	v1 =	vmax.f32 v1, $0.0e+00;
	v2 =	vadd.f32 v62, v2  }
0x12e: {  	[tilespmem:s26+$0xFFFFFFF0] =	vst v1;
	v1 =	vmax.f32 v7, $0.0e+00;
	v4 =	vadd.f32 v63, v61  }
0x12f: {  	[tilespmem:s8+$0x70] =	vst v1;
	v1 =	vmax.f32 v2, $0.0e+00;
	v2 =	vadd.f32 v3, v9  }
0x130: {  	[tilespmem:s8+$0xFFFFFFF0] =	vst v1;
	v1 =	vmax.f32 v4, $0.0e+00  }
0x131: {  	p0 =	sge.u32 s28, s29;
	[tilespmem:s19+$0x70] =	vst v1;
	v1 =	vmax.f32 v2, $0.0e+00  }
.Ltmp4:
0x132: {  	s30 =	simm.s32 $0x180;
	[tilespmem:s19+$0xFFFFFFF0] =	vst v1;
	(pc) =	sbr.rel @p0 .LBB2_14-.Ltmp4, $4  }
0x133: {  	[spmem:s3] =	stream.indirect.scatter.add.f32 [tilespmem:s9], [sflag:$0x7], $0x80, s30, s2, $0xb8;
	[tilespmem:$0x1C300] =	vst v63  }
0x134: {  	_ =	swait.ge [sflag:s31], $0x2000  }
0x135: {  	[sflag:s31] =	ssyncset.done $0x0  }
0x136: {  	[sflag:s31] =	ssyncadd.s32 $0xFFFFE000  }
0x137: {  	_ =	swait.ge [sflag:s0], $0x40  }
0x138: {  	[sflag:s0] =	ssyncset.done $0x0  }
0x139: {  	s8 =	simm.s32 $0x0;
	[sflag:s0] =	ssyncadd.s32 $0xFFFFFFC0  }
0x13a: {  	v1 =	vld [tilespmem:s8+$0x0]  }
0x13b: {  	s11 =	simm.s32 $0x40  }
.LBB2_12:
0x13c: {  	p0 =	sne.s32 s11, $0xC0  }
.Ltmp5:
0x13d: {  	_ = 	snop;
	(pc) =	sbr.rel @p0 .LBB2_12-.Ltmp5, $4  }
0x13e: {  	_ = 	snop  }
0x13f: {  	s13 =	sshra.s32 s11, $0x2;
	s11 =	sadd.s32 $0x40, s11;
	v2 =	vand.u32 $0xFFFF, v1;
	v3 =	vshrl.u32 v1, $0x10  }
0x140: {  	v1 =	vld [tilespmem:s13+$0x0];
	[tilespmem:s8+$0x180] =	vst v3  }
0x141: {  	[tilespmem:s8+$0x100] =	vst v2;
	s8 =	smov.u32 s13  }
0x142: {  	_ =	sdelay $0x2  }
0x143: {  	v2 =	vshrl.u32 v1, $0x10  }
0x144: {  	v1 =	vand.u32 $0xFFFF, v1;
	[tilespmem:s8+$0x180] =	vst v2  }
0x145: {  	[tilespmem:s8+$0x100] =	vst v1  }
0x146: {  	s26 =	simm.s32 $0x100;
	s8 =	rddreg [dreg:$0xe]  }
0x147: {  	[tilespmem:s9], [sflag:$0x3] =	stream.indirect.gather [hbm4b:s1+s2], $0x80, s26, s2, $0xb8;
	[tilespmem:$0x1C300] =	vst v63  }
0x148: {  	s7 =	sadd.s32 s7, s8  }
0x149: {  	s7 =	sshll.u32 s7, $0x4  }
0x14a: {  	s30 =	simm.s32 $0x2300;
	s7 =	sadd.s32 s5, s7  }
0x14b: {  	[tilespmem:s30], [sflag:$0x4] =	stream.linear.gather [hbm4b:s7+s4], $0x2000, $0x38;
	[tilespmem:$0x1C300] =	vst v63  }
0x14c: {  	s7 =	sadd.s32 $0x4, s18  }
0x14d: {  	p0 =	sge.u32 s7, s17  }
0x14e: {  	s7 =	sadd.s32 @!p0 s15, s7  }
0x14f: {  	s7 =	sshll.u32 @!p0 s7, $0x3  }
0x150: {  	s8 =	simm.s32 @!p0 $0x0;
	s7 =	sadd.s32 @!p0 s6, s7  }
0x151: {  	[tilespmem:s8], [sflag:$0x1] =	stream.linear.gather @!p0 [hbm4b:s7+s8], $0x40, $0x38;
	[tilespmem:$0x1C300] =	vst v63  }
.LBB2_14:
0x152: {  	_ =	swait.ge [sflag:s21], $0x2000  }
0x153: {  	[sflag:s21] =	ssyncset.done $0x0  }
0x154: {  	[sflag:s21] =	ssyncadd.s32 $0xFFFFE000  }
0x155: {  	_ =	swait.ge [sflag:s22], $0x2000  }
0x156: {  	[sflag:s22] =	ssyncset.done $0x0  }
0x157: {  	s7 =	simm.s32 $0x4380;
	[sflag:s22] =	ssyncadd.s32 $0xFFFFE000  }
0x158: {  	s13 =	simm.s32 $0x6380;
	v1 =	vld [tilespmem:s7+$0x0]  }
0x159: {  	v2 =	vld [tilespmem:s13+$0x0];
	_ =	sdelay $0x4  }
0x15a: {  	v1 =	vadd.f32 v2, v1;
	_ =	sdelay $0x1  }
0x15b: {  	v1 =	vmax.f32 v1, $0.0e+00  }
0x15c: {  	[tilespmem:s7+$0x0] =	vst v1;
	v1 =	vld [tilespmem:s7+$0x10]  }
0x15d: {  	v2 =	vld [tilespmem:s13+$0x10];
	_ =	sdelay $0x3  }
0x15e: {  	v3 =	vld [tilespmem:s7+$0xFFFFFF80]  }
0x15f: {  	v1 =	vadd.f32 v2, v1;
	v2 =	vld [tilespmem:s13+$0xFFFFFF80];
	_ =	sdelay $0x1  }
0x160: {  	v1 =	vmax.f32 v1, $0.0e+00  }
0x161: {  	[tilespmem:s7+$0x10] =	vst v1;
	v1 =	vld [tilespmem:s7+$0x20]  }
0x162: {  	v4 =	vld [tilespmem:s13+$0x20]  }
0x163: {  	s8 =	simm.s32 $0x4480;
	v5 =	vld [tilespmem:s7+$0xFFFFFFA0];
	v2 =	vadd.f32 v2, v3  }
0x164: {  	v7 =	vld [tilespmem:s8+$0x0]  }
0x165: {  	v8 =	vld [tilespmem:s7+$0xFFFFFFC0];
	v2 =	vmax.f32 v2, $0.0e+00  }
0x166: {  	v3 =	vld [tilespmem:s7+$0xFFFFFF90];
	[tilespmem:s7+$0xFFFFFF80] =	vst v2  }
0x167: {  	v1 =	vadd.f32 v4, v1;
	v2 =	vld [tilespmem:s13+$0xFFFFFF90]  }
0x168: {  	v9 =	vld [tilespmem:s7+$0xFFFFFFD0]  }
0x169: {  	v10 =	vld [tilespmem:s7+$0x40];
	v1 =	vmax.f32 v1, $0.0e+00  }
0x16a: {  	[tilespmem:s7+$0x20] =	vst v1;
	v1 =	vld [tilespmem:s7+$0x30]  }
0x16b: {  	v6 =	vld [tilespmem:s13+$0x30]  }
0x16c: {  	s18 =	simm.s32 $0x6480;
	v11 =	vld [tilespmem:s8+$0x10];
	v2 =	vadd.f32 v2, v3  }
0x16d: {  	v3 =	vld [tilespmem:s18+$0x0]  }
0x16e: {  	s11 =	simm.s32 $0x6580;
	v13 =	vld [tilespmem:s7+$0xFFFFFFE0];
	v2 =	vmax.f32 v2, $0.0e+00  }
0x16f: {  	v17 =	vld [tilespmem:s11+$0xFFFFFF80];
	[tilespmem:s7+$0xFFFFFF90] =	vst v2  }
0x170: {  	v1 =	vadd.f32 v6, v1;
	v2 =	vld [tilespmem:s13+$0xFFFFFFA0]  }
0x171: {  	v6 =	vld [tilespmem:s18+$0xFFFFFF80]  }
0x172: {  	s19 =	simm.s32 $0x4580;
	v3 =	vadd.f32 v3, v7;
	v7 =	vld [tilespmem:s8+$0xFFFFFF80];
	v1 =	vmax.f32 v1, $0.0e+00  }
0x173: {  	v18 =	vld [tilespmem:s19+$0xFFFFFF80];
	[tilespmem:s7+$0x30] =	vst v1  }
0x174: {  	v1 =	vmax.f32 v3, $0.0e+00;
	v3 =	vld [tilespmem:s13+$0x40]  }
0x175: {  	v19 =	vld [tilespmem:s19+$0xFFFFFF90];
	[tilespmem:s8+$0x0] =	vst v1  }
0x176: {  	v12 =	vld [tilespmem:s18+$0x10];
	v2 =	vadd.f32 v2, v5  }
0x177: {  	v63 =	vld [tilespmem:s8+$0x60];
	v5 =	vadd.f32 v6, v7  }
0x178: {  	v4 =	vld [tilespmem:s7+$0xFFFFFFB0];
	v2 =	vmax.f32 v2, $0.0e+00  }
0x179: {  	v6 =	vld [tilespmem:s8+$0xFFFFFF90];
	[tilespmem:s7+$0xFFFFFFA0] =	vst v2;
	v2 =	vmax.f32 v5, $0.0e+00;
	v3 =	vadd.f32 v3, v10  }
0x17a: {  	v5 =	vld [tilespmem:s13+$0xFFFFFFB0];
	[tilespmem:s8+$0xFFFFFF80] =	vst v2  }
0x17b: {  	v10 =	vld [tilespmem:s18+$0xFFFFFF90];
	v2 =	vmax.f32 v3, $0.0e+00;
	v3 =	vadd.f32 v12, v11  }
0x17c: {  	v12 =	vld [tilespmem:s8+$0x20]  }
0x17d: {  	[tilespmem:s7+$0x40] =	vst v2;
	v2 =	vld [tilespmem:s7+$0x50];
	v3 =	vmax.f32 v3, $0.0e+00  }
0x17e: {  	v11 =	vld [tilespmem:s13+$0x50];
	[tilespmem:s8+$0x10] =	vst v3  }
0x17f: {  	v3 =	vadd.f32 v5, v4;
	v14 =	vld [tilespmem:s18+$0x20]  }
0x180: {  	v1 =	vld [tilespmem:s7+$0xFFFFFFF0]  }
0x181: {  	v7 =	vld [tilespmem:s8+$0xFFFFFFA0];
	v4 =	vadd.f32 v10, v6;
	v10 =	vmax.f32 v3, $0.0e+00  }
0x182: {  	v5 =	vld [tilespmem:s8+$0xFFFFFFB0];
	[tilespmem:s7+$0xFFFFFFB0] =	vst v10  }
0x183: {  	v2 =	vadd.f32 v11, v2;
	v11 =	vld [tilespmem:s13+$0xFFFFFFC0]  }
0x184: {  	v6 =	vld [tilespmem:s8+$0xFFFFFFC0];
	v4 =	vmax.f32 v4, $0.0e+00;
	v10 =	vadd.f32 v14, v12  }
0x185: {  	v3 =	vld [tilespmem:s8+$0xFFFFFFD0];
	[tilespmem:s8+$0xFFFFFF90] =	vst v4;
	v2 =	vmax.f32 v2, $0.0e+00  }
0x186: {  	v4 =	vld [tilespmem:s8+$0xFFFFFFE0];
	[tilespmem:s7+$0x50] =	vst v2;
	v2 =	vmax.f32 v10, $0.0e+00  }
0x187: {  	v14 =	vld [tilespmem:s8+$0x30];
	[tilespmem:s8+$0x20] =	vst v2  }
0x188: {  	v8 =	vadd.f32 v11, v8;
	v15 =	vld [tilespmem:s18+$0x30]  }
0x189: {  	v12 =	vld [tilespmem:s18+$0xFFFFFFA0]  }
0x18a: {  	v11 =	vld [tilespmem:s19+$0x0];
	v8 =	vmax.f32 v8, $0.0e+00  }
0x18b: {  	[tilespmem:s7+$0xFFFFFFC0] =	vst v8;
	v8 =	vld [tilespmem:s11+$0x0]  }
0x18c: {  	v10 =	vld [tilespmem:s7+$0x60]  }
0x18d: {  	v16 =	vld [tilespmem:s13+$0x60];
	v14 =	vadd.f32 v15, v14  }
0x18e: {  	v2 =	vld [tilespmem:s8+$0xFFFFFFF0]  }
0x18f: {  	v7 =	vadd.f32 v12, v7;
	v12 =	vld [tilespmem:s8+$0x40];
	v14 =	vmax.f32 v14, $0.0e+00  }
0x190: {  	v15 =	vld [tilespmem:s13+$0xFFFFFFD0];
	v8 =	vadd.f32 v8, v11;
	[tilespmem:s8+$0x30] =	vst v14  }
0x191: {  	v7 =	vmax.f32 v7, $0.0e+00;
	v14 =	vld [tilespmem:s18+$0x40]  }
0x192: {  	[tilespmem:s8+$0xFFFFFFA0] =	vst v7;
	v11 =	vld [tilespmem:s7+$0x70];
	v7 =	vmax.f32 v8, $0.0e+00;
	v8 =	vadd.f32 v16, v10  }
0x193: {  	v10 =	vld [tilespmem:s18+$0xFFFFFFB0]  }
0x194: {  	v16 =	vld [tilespmem:s19+$0x10];
	[tilespmem:s19+$0x0] =	vst v7;
	v7 =	vadd.f32 v17, v18;
	v8 =	vmax.f32 v8, $0.0e+00  }
0x195: {  	v17 =	vld [tilespmem:s11+$0x10];
	[tilespmem:s7+$0x60] =	vst v8  }
0x196: {  	v7 =	vmax.f32 v7, $0.0e+00;
	v62 =	vld [tilespmem:s13+$0x70];
	v12 =	vadd.f32 v14, v12  }
0x197: {  	[tilespmem:s19+$0xFFFFFF80] =	vst v7;
	v14 =	vld [tilespmem:s19+$0xFFFFFFA0]  }
0x198: {  	v8 =	vld [tilespmem:s11+$0xFFFFFF90];
	v7 =	vmax.f32 v12, $0.0e+00  }
0x199: {  	v5 =	vadd.f32 v10, v5;
	v10 =	vld [tilespmem:s8+$0x50];
	[tilespmem:s8+$0x40] =	vst v7  }
0x19a: {  	v16 =	vadd.f32 v17, v16;
	v12 =	vld [tilespmem:s18+$0x50]  }
0x19b: {  	v5 =	vmax.f32 v5, $0.0e+00;
	v17 =	vld [tilespmem:s19+$0x20]  }
0x19c: {  	v9 =	vadd.f32 v15, v9;
	v7 =	vld [tilespmem:s19+$0xFFFFFFB0];
	[tilespmem:s8+$0xFFFFFFB0] =	vst v5;
	v16 =	vmax.f32 v16, $0.0e+00  }
0x19d: {  	v15 =	vld [tilespmem:s18+$0xFFFFFFC0];
	[tilespmem:s19+$0x10] =	vst v16;
	v16 =	vadd.f32 v8, v19  }
0x19e: {  	v5 =	vld [tilespmem:s19+$0xFFFFFFC0];
	v8 =	vmax.f32 v9, $0.0e+00  }
0x19f: {  	v9 =	vld [tilespmem:s11+$0x20];
	[tilespmem:s7+$0xFFFFFFD0] =	vst v8;
	v10 =	vadd.f32 v12, v10;
	v12 =	vmax.f32 v16, $0.0e+00  }
0x1a0: {  	[tilespmem:s19+$0xFFFFFF90] =	vst v12;
	v12 =	vld [tilespmem:s13+$0xFFFFFFE0]  }
0x1a1: {  	v8 =	vld [tilespmem:s19+$0xFFFFFFD0];
	v10 =	vmax.f32 v10, $0.0e+00  }
0x1a2: {  	v16 =	vld [tilespmem:s11+$0xFFFFFFA0];
	[tilespmem:s8+$0x50] =	vst v10;
	v10 =	vadd.f32 v15, v6  }
0x1a3: {  	v20 =	vld [tilespmem:s18+$0x60]  }
0x1a4: {  	v15 =	vadd.f32 v9, v17;
	v6 =	vld [tilespmem:s19+$0xFFFFFFE0];
	v9 =	vmax.f32 v10, $0.0e+00  }
0x1a5: {  	[tilespmem:s8+$0xFFFFFFC0] =	vst v9;
	v10 =	vadd.f32 v12, v13;
	v9 =	vld [tilespmem:s19+$0xFFFFFFF0]  }
0x1a6: {  	v11 =	vadd.f32 v62, v11;
	v13 =	vmax.f32 v15, $0.0e+00;
	v12 =	vld [tilespmem:s18+$0xFFFFFFD0]  }
0x1a7: {  	[tilespmem:s19+$0x20] =	vst v13;
	v14 =	vadd.f32 v16, v14;
	v13 =	vld [tilespmem:s19+$0x30];
	v10 =	vmax.f32 v10, $0.0e+00  }
0x1a8: {  	v11 =	vmax.f32 v11, $0.0e+00;
	v15 =	vld [tilespmem:s11+$0x30];
	v16 =	vadd.f32 v20, v63;
	[tilespmem:s7+$0xFFFFFFE0] =	vst v10  }
0x1a9: {  	[tilespmem:s7+$0x70] =	vst v11;
	v10 =	vmax.f32 v14, $0.0e+00;
	v11 =	vld [tilespmem:s13+$0xFFFFFFF0]  }
0x1aa: {  	s20 =	simm.s32 $0x4;
	s25 =	simm.s32 $0x4680;
	[tilespmem:s19+$0xFFFFFFA0] =	vst v10;
	v10 =	vld [tilespmem:s8+$0x70];
	s13 =	simm.s32 $0x6580;
	v14 =	vmax.f32 v16, $0.0e+00  }
.LBB2_15:
0x1ab: {  	v16 =	vld [tilespmem:s25+$0x0];
	v12 =	vadd.f32 v12, v3;
	[tilespmem:s8+$0x60] =	vst v14;
	v3 =	vmov v8  }
0x1ac: {  	s11 =	sadd.s32 $0x100, s11;
	v8 =	vld [tilespmem:s18+$0x70]  }
0x1ad: {  	s20 =	sadd.s32 $0x2, s20;
	v14 =	vld [tilespmem:s11+$0x0];
	v13 =	vadd.f32 v15, v13;
	v12 =	vmax.f32 v12, $0.0e+00  }
0x1ae: {  	p0 =	slt.u32 s20, $0x3E;
	v15 =	vld [tilespmem:s11+$0xFFFFFF80];
	[tilespmem:s8+$0xFFFFFFD0] =	vst v12;
	v11 =	vadd.f32 v11, v1;
	v1 =	vmov v2;
	v2 =	vmov v9  }
0x1af: {  	v9 =	vld [tilespmem:s25+$0xFFFFFF80];
	v12 =	vmax.f32 v13, $0.0e+00  }
0x1b0: {  	[tilespmem:s19+$0x30] =	vst v12;
	v12 =	vld [tilespmem:s19+$0x40];
	v11 =	vmax.f32 v11, $0.0e+00  }
0x1b1: {  	v13 =	vld [tilespmem:s13+$0x40];
	v8 =	vadd.f32 v8, v10;
	[tilespmem:s7+$0xFFFFFFF0] =	vst v11;
	s7 =	smov.u32 s8;
	s8 =	smov.u32 s19;
	s19 =	smov.u32 s25  }
0x1b2: {  	v10 =	vld [tilespmem:s25+$0xFFFFFF90];
	v11 =	vadd.f32 v14, v16  }
0x1b3: {  	v14 =	vld [tilespmem:s25+$0xFFFFFFA0];
	v8 =	vmax.f32 v8, $0.0e+00  }
0x1b4: {  	v9 =	vadd.f32 v15, v9;
	v11 =	vmax.f32 v11, $0.0e+00;
	v15 =	vld [tilespmem:s13+$0xFFFFFFB0];
	[tilespmem:s7+$0x70] =	vst v8  }
0x1b5: {  	[tilespmem:s25+$0x0] =	vst v11;
	v8 =	vld [tilespmem:s25+$0x10]  }
0x1b6: {  	v9 =	vmax.f32 v9, $0.0e+00;
	v11 =	vld [tilespmem:s11+$0x10];
	v12 =	vadd.f32 v13, v12  }
0x1b7: {  	[tilespmem:s25+$0xFFFFFF80] =	vst v9;
	v9 =	vld [tilespmem:s25+$0xFFFFFFB0]  }
0x1b8: {  	v13 =	vld [tilespmem:s11+$0xFFFFFF90];
	v12 =	vmax.f32 v12, $0.0e+00  }
0x1b9: {  	v18 =	vadd.f32 v15, v7;
	[tilespmem:s8+$0x40] =	vst v12;
	v12 =	vld [tilespmem:s8+$0x50]  }
0x1ba: {  	v15 =	vld [tilespmem:s13+$0x50]  }
0x1bb: {  	v16 =	vld [tilespmem:s25+$0xFFFFFFC0];
	v11 =	vadd.f32 v11, v8;
	v17 =	vmax.f32 v18, $0.0e+00  }
0x1bc: {  	v8 =	vld [tilespmem:s25+$0xFFFFFFD0];
	[tilespmem:s8+$0xFFFFFFB0] =	vst v17;
	v7 =	vmov v9  }
0x1bd: {  	v9 =	vadd.f32 v13, v10;
	v10 =	vmax.f32 v11, $0.0e+00;
	v11 =	vld [tilespmem:s13+$0xFFFFFFC0]  }
0x1be: {  	[tilespmem:s25+$0x10] =	vst v10;
	v10 =	vld [tilespmem:s25+$0x20]  }
0x1bf: {  	v9 =	vmax.f32 v9, $0.0e+00;
	v13 =	vld [tilespmem:s11+$0x20];
	v12 =	vadd.f32 v15, v12  }
0x1c0: {  	[tilespmem:s25+$0xFFFFFF90] =	vst v9;
	v15 =	vld [tilespmem:s18+$0xFFFFFFE0]  }
0x1c1: {  	v17 =	vld [tilespmem:s11+$0xFFFFFFA0];
	v9 =	vmax.f32 v12, $0.0e+00  }
0x1c2: {  	v11 =	vadd.f32 v11, v5;
	[tilespmem:s8+$0x50] =	vst v9;
	v18 =	vld [tilespmem:s8+$0x60];
	v5 =	vmov v16  }
0x1c3: {  	v16 =	vld [tilespmem:s13+$0x60]  }
0x1c4: {  	v19 =	vld [tilespmem:s25+$0xFFFFFFE0];
	v10 =	vadd.f32 v13, v10;
	v11 =	vmax.f32 v11, $0.0e+00  }
0x1c5: {  	v9 =	vld [tilespmem:s25+$0xFFFFFFF0];
	[tilespmem:s8+$0xFFFFFFC0] =	vst v11;
	v11 =	vadd.f32 v15, v4;
	v4 =	vmov v6  }
.Ltmp6:
0x1c6: {  	v20 =	vadd.f32 v17, v14;
	v10 =	vmax.f32 v10, $0.0e+00;
	v12 =	vld [tilespmem:s13+$0xFFFFFFD0];
	(pc) =	sbr.rel @p0 .LBB2_15-.Ltmp6, $4  }
0x1c7: {  	[tilespmem:s25+$0x20] =	vst v10;
	v13 =	vld [tilespmem:s25+$0x30];
	v10 =	vmax.f32 v11, $0.0e+00  }
0x1c8: {  	v17 =	vmax.f32 v20, $0.0e+00;
	v15 =	vld [tilespmem:s11+$0x30];
	v14 =	vadd.f32 v16, v18;
	[tilespmem:s7+$0xFFFFFFE0] =	vst v10  }
0x1c9: {  	[tilespmem:s25+$0xFFFFFFA0] =	vst v17;
	v11 =	vld [tilespmem:s18+$0xFFFFFFF0];
	v6 =	vmov v19;
	s18 =	smov.u32 s13;
	s13 =	smov.u32 s11  }
0x1ca: {  	s25 =	sadd.s32 $0x100, s25;
	v14 =	vmax.f32 v14, $0.0e+00;
	v10 =	vld [tilespmem:s8+$0x70]  }
0x1cb: {  	v16 =	vld [tilespmem:s13+$0xFFFFFFB0];
	_ =	sdelay $0x3  }
0x1cc: {  	v13 =	vadd.f32 v15, v13  }
0x1cd: {  	v7 =	vadd.f32 v16, v7  }
0x1ce: {  	v13 =	vmax.f32 v13, $0.0e+00  }
0x1cf: {  	v55 =	vld [tilespmem:s19+$0x40];
	[tilespmem:s19+$0x30] =	vst v13;
	v7 =	vmax.f32 v7, $0.0e+00  }
0x1d0: {  	v56 =	vld [tilespmem:s13+$0x40];
	[tilespmem:s19+$0xFFFFFFB0] =	vst v7  }
0x1d1: {  	v7 =	vld [tilespmem:s13+$0xFFFFFFC0];
	_ =	sdelay $0x3  }
0x1d2: {  	v13 =	vadd.f32 v56, v55  }
0x1d3: {  	v5 =	vadd.f32 v7, v5  }
0x1d4: {  	v13 =	vmax.f32 v13, $0.0e+00  }
0x1d5: {  	v57 =	vld [tilespmem:s19+$0x50];
	[tilespmem:s19+$0x40] =	vst v13;
	v5 =	vmax.f32 v5, $0.0e+00  }
0x1d6: {  	v13 =	vld [tilespmem:s13+$0x50];
	[tilespmem:s19+$0xFFFFFFC0] =	vst v5  }
0x1d7: {  	v5 =	vld [tilespmem:s13+$0xFFFFFFD0];
	_ =	sdelay $0x1  }
0x1d8: {  	v3 =	vadd.f32 v12, v3;
	_ =	sdelay $0x1  }
0x1d9: {  	v3 =	vmax.f32 v3, $0.0e+00;
	v7 =	vadd.f32 v13, v57  }
0x1da: {  	[tilespmem:s8+$0xFFFFFFD0] =	vst v3;
	v5 =	vadd.f32 v5, v8  }
0x1db: {  	v58 =	vld [tilespmem:s18+$0xFFFFFFE0];
	v3 =	vmax.f32 v7, $0.0e+00  }
0x1dc: {  	[tilespmem:s19+$0x50] =	vst v3;
	v3 =	vld [tilespmem:s19+$0x60];
	v5 =	vmax.f32 v5, $0.0e+00  }
0x1dd: {  	v59 =	vld [tilespmem:s13+$0x60];
	[tilespmem:s19+$0xFFFFFFD0] =	vst v5  }
0x1de: {  	v5 =	vld [tilespmem:s13+$0xFFFFFFE0];
	_ =	sdelay $0x2  }
0x1df: {  	v4 =	vadd.f32 v58, v4  }
0x1e0: {  	v3 =	vadd.f32 v59, v3  }
0x1e1: {  	[tilespmem:s8+$0x60] =	vst v14;
	v61 =	vld [tilespmem:s19+$0x70];
	v4 =	vmax.f32 v4, $0.0e+00;
	v5 =	vadd.f32 v5, v6  }
0x1e2: {  	v60 =	vld [tilespmem:s18+$0x70];
	[tilespmem:s8+$0xFFFFFFE0] =	vst v4;
	v3 =	vmax.f32 v3, $0.0e+00  }
0x1e3: {  	v62 =	vld [tilespmem:s18+$0xFFFFFFF0];
	[tilespmem:s19+$0x60] =	vst v3;
	v3 =	vmax.f32 v5, $0.0e+00  }
0x1e4: {  	v63 =	vld [tilespmem:s13+$0x70];
	[tilespmem:s19+$0xFFFFFFE0] =	vst v3  }
0x1e5: {  	v3 =	vld [tilespmem:s13+$0xFFFFFFF0]  }
0x1e6: {  	v1 =	vadd.f32 v11, v1  }
0x1e7: {  	v7 =	vadd.f32 v60, v10  }
0x1e8: {  	v1 =	vmax.f32 v1, $0.0e+00;
	v2 =	vadd.f32 v62, v2  }
0x1e9: {  	[tilespmem:s7+$0xFFFFFFF0] =	vst v1;
	v1 =	vmax.f32 v7, $0.0e+00;
	v4 =	vadd.f32 v63, v61  }
0x1ea: {  	[tilespmem:s8+$0x70] =	vst v1;
	v1 =	vmax.f32 v2, $0.0e+00;
	v2 =	vadd.f32 v3, v9  }
0x1eb: {  	s28 =	sadd.s32 $0x1, s28;
	[tilespmem:s8+$0xFFFFFFF0] =	vst v1;
	v1 =	vmax.f32 v4, $0.0e+00  }
0x1ec: {  	p0 =	sne.s32 s28, s23;
	[tilespmem:s19+$0x70] =	vst v1;
	v1 =	vmax.f32 v2, $0.0e+00  }
.Ltmp7:
0x1ed: {  	s30 =	simm.s32 $0x280;
	[tilespmem:s19+$0xFFFFFFF0] =	vst v1;
	(pc) =	sbr.rel @p0 .LBB2_6-.Ltmp7, $4  }
0x1ee: {  	[spmem:s3] =	stream.indirect.scatter.add.f32 [tilespmem:s12], [sflag:$0x7], $0x80, s30, s2, $0xb8;
	[tilespmem:$0x1C300] =	vst v63  }
0x1ef: {  	_ =	swait.ge [sflag:s31], $0x2000  }
0x1f0: {  	[sflag:s31] =	ssyncset.done $0x0  }
0x1f1: {  	[sflag:s31] =	ssyncadd.s32 $0xFFFFE000  }
0x1f2: {  	s7 =	stileid.u32;
	[bflag:$0x0] =	sbarrier.arrive $0xFFFF  }
0x1f3: {  	s7 =	sshll.u32 s7, $0x6;
	s13 =	rddreg [dreg:$0x4]  }
0x1f4: {  	s11 =	rddreg [dreg:$0x11];
	s7 =	sor.u32 $0x1C07, s7;
	s8 =	sshrl.u32 s13, $0x3  }
0x1f5: {  	[hbm:s11], [sflag:s7] =	dma.local [spmem:s8], $0x2800  }
0x1f6: {  	_ =	swait.ge [sflag:s31], $0x2800  }
0x1f7: {  	s28 =	rddreg [dreg:$0x15]  }
0x1f8: {  	s30 =	rddreg [dreg:$0x12];
	s8 =	sadd.s32 $0x1, s28  }
0x1f9: {  	p0 =	sne.s32 s8, s30  }
.Ltmp8:
0x1fa: {  	_ = 	snop;
	(pc) =	sbr.rel @p0 .LBB2_1-.Ltmp8, $3  }
0x1fb: {  	_ =	sdelay $0x1  }
0x1fc: {  	[sflag:s31] =	ssyncset.done $0x0  }
0x1fd: {  	[sflag:s31] =	ssyncadd.s32 $0xFFFFD800  }
0x1fe: {  	_ =	sfence.sel $0x180000  }
0x1ff: {  	[bflag:$0x0] =	sbarrier.arrive $0xFFFF  }
0x200: {  	_ =	strace $0x90000047  }
0x201: {  	s0 =	stileid.u32;
	[bflag:$0x2] =	sbarrier.arrive $0xFFFF  }
0x202: {  	p0 =	sne.s32 s0, $0x0;
	s0 =	rddreg [dreg:$0x3]  }
0x203: {  	s0 =	sadd.s32 @!p0 $0x100000, s0  }
0x204: {  	[sflag:s0] =	ssyncadd.tile.s32 @!p0 $0x1;
	_ =	shalt  }
.Lfunc_end2:
_tile_overlayer_lowered:
.L_overlay_start_2:
0x205: {  	(tag) =	ssettag $0x2  }
0x206: {  	s0 =	rddreg [dreg:$0x0];
	s2 =	stileid.u32  }
0x207: {  	s1 =	rddreg [dreg:$0x1];
	p0 =	sne.s32 s2, $0x0  }
0x208: {  	s3 =	rddreg [dreg:$0x2];
	[bflag:$0x3] =	sbarrier.arrive $0xFFFF;
	s2 =	simm.s32 @!p0 $0x1C07  }
0x209: {  	[timem:s3], [sflag:s2] =	dma.local @!p0 [hbm:s0], s1  }
0x20a: {  	s0 =	simm.s32 @!p0 $0x7  }
0x20b: {  	_ =	swait.ge @!p0 [sflag:s0], s1  }
0x20c: {  	s1 =	ssub.s32 @!p0 $0x0, s1;
	[sflag:s0] =	ssyncset.done @!p0 $0x0  }
0x20d: {  	[sflag:s0] =	ssyncadd.s32 @!p0 s1  }
0x20e: {  	[bflag:$0x3] =	sbarrier.arrive $0xFFFF  }
0x20f: {  	_ =	shalt  }

</sc_bundles>
